<compile_context>
chip_gen: v7x
topology: tpu7x:2x2x1
jax: 0.10.2.dev20260603
libtpu: 0.0.44.dev20260713+nightly
codegen_flags: <defaults>
</compile_context>

<pallas_src>
import jax
import jax.numpy as jnp
from jax import lax
from jax.experimental import pallas as pl
from jax.experimental.pallas import tpu as pltpu
from jax.experimental.pallas import tpu_sc as plsc

N_NODES = 10000
N_EDGES = 320000
H = 128
E_DIM = 16
OUT_DIM = 2 * H

NC = 2
NS = 16
NW = NC * NS
EDGES_PER_TILE = N_EDGES // NW
CHUNK = 80
NCHUNK = EDGES_PER_TILE // CHUNK
NSTAGES = 4
NSTAGES5 = 3

_MASK = -65536


def _pack_bf16_pair(lo_f32, hi_f32):
    lob = lax.bitcast_convert_type(lo_f32, jnp.int32) + 32768
    hib = lax.bitcast_convert_type(hi_f32, jnp.int32) + 32768
    return lax.shift_right_logical(lob, 16) | (hib & _MASK)


def _unpack_bf16_pair(packed_i32):
    lo = lax.bitcast_convert_type(packed_i32 << 16, jnp.float32)
    hi = lax.bitcast_convert_type(packed_i32 & _MASK, jnp.float32)
    return lo, hi


BLK_N = 1000


def _node_mm_body(nf_ref, w_ref, p1_ref, p2_ref):
    nf = nf_ref[...]
    dn = (((1,), (1,)), ((), ()))
    a1 = lax.dot_general(nf, w_ref[:, :H], dn,
                         preferred_element_type=jnp.float32)
    a2 = lax.dot_general(nf, w_ref[:, H:2 * H], dn,
                         preferred_element_type=jnp.float32)
    p1_ref[...] = _pack_bf16_pair(a1[:, :H], a1[:, H:])
    p2_ref[...] = _pack_bf16_pair(a2[:, :H], a2[:, H:])


def _node_matmul(nf, w):
    grid = N_NODES // BLK_N
    return pl.pallas_call(
        _node_mm_body,
        grid=(grid,),
        in_specs=[
            pl.BlockSpec((BLK_N, H), lambda i: (i, 0)),
            pl.BlockSpec((OUT_DIM, 2 * H + E_DIM), lambda i: (0, 0)),
        ],
        out_specs=[
            pl.BlockSpec((BLK_N, H), lambda i: (i, 0)),
            pl.BlockSpec((BLK_N, H), lambda i: (i, 0)),
        ],
        out_shape=[
            jax.ShapeDtypeStruct((N_NODES, H), jnp.int32),
            jax.ShapeDtypeStruct((N_NODES, H), jnp.int32),
        ],
    )(nf, w)


def _gather_body(p1_hbm, p2_hbm, eidx_hbm, zcat_hbm,
                 sidx, didx, zbuf, gbuf, sem):
    cid = lax.axis_index("c")
    sid = lax.axis_index("s")
    wid = sid * NC + cid
    base = wid * EDGES_PER_TILE

    pltpu.sync_copy(eidx_hbm.at[0, wid], sidx)
    pltpu.sync_copy(eidx_hbm.at[1, wid], didx)

    def fire(j, s):
        pltpu.async_copy(p1_hbm.at[sidx.at[j]], zbuf.at[s], sem.at[s])
        pltpu.async_copy(p2_hbm.at[didx.at[j]], gbuf.at[s], sem.at[s])

    def drain(j, s):
        pltpu.make_async_copy(p1_hbm.at[sidx.at[j]], zbuf.at[s],
                              sem.at[s]).wait()
        pltpu.make_async_copy(p2_hbm.at[didx.at[j]], gbuf.at[s],
                              sem.at[s]).wait()

    def process(j, s):
        drain(j, s)
        rows = pl.ds(base + j * CHUNK, CHUNK)
        pltpu.sync_copy(zbuf.at[s], zcat_hbm.at[0, rows])
        pltpu.sync_copy(gbuf.at[s], zcat_hbm.at[1, rows])

    for b in range(NSTAGES):
        fire(b, b)

    def step(j2, carry):
        for b in range(NSTAGES):
            j = NSTAGES * j2 + b
            process(j, b)

            @pl.when(j < NCHUNK - NSTAGES)
            def _():
                fire(j + NSTAGES, b)
        return carry

    lax.fori_loop(0, NCHUNK // NSTAGES, step, 0)
    for jt in range((NCHUNK // NSTAGES) * NSTAGES, NCHUNK):
        process(jt, jt % NSTAGES)


def _sc_gather(p1, p2, eidx4):
    mesh = plsc.VectorSubcoreMesh(core_axis_name="c", subcore_axis_name="s")
    f = pl.kernel(
        _gather_body,
        out_type=jax.ShapeDtypeStruct((2, N_EDGES, H), jnp.int32),
        mesh=mesh,
        scratch_types=[
            pltpu.VMEM((NCHUNK, CHUNK), jnp.int32),
            pltpu.VMEM((NCHUNK, CHUNK), jnp.int32),
            pltpu.VMEM((NSTAGES, CHUNK, H), jnp.int32),
            pltpu.VMEM((NSTAGES, CHUNK, H), jnp.int32),
            pltpu.SemaphoreType.DMA((NSTAGES,)),
        ],
    )
    return f(p1, p2, eidx4)


BLK_E = 2000
E_GRID = N_EDGES // BLK_E


def _z_halves(g1_ref, g2_ref, ef_ref, w_ref, b_ref):
    a_lo, a_hi = _unpack_bf16_pair(g1_ref[0])
    b_lo, b_hi = _unpack_bf16_pair(g2_ref[0])
    q = lax.dot_general(ef_ref[...], w_ref[:, 2 * H:], (((1,), (1,)), ((), ())),
                        preferred_element_type=jnp.float32)
    bv = b_ref[...]
    z1 = a_lo + b_lo + q[:, :H] + bv[:, :H]
    z2 = a_hi + b_hi + q[:, H:] + bv[:, H:]
    return z1, z2


def _stats_body(g1_ref, g2_ref, ef_ref, w_ref, b_ref, out_ref, acc):
    i = pl.program_id(0)

    @pl.when(i == 0)
    def _():
        acc[...] = jnp.zeros_like(acc)

    z1, z2 = _z_halves(g1_ref, g2_ref, ef_ref, w_ref, b_ref)
    acc[0:1, :H] += jnp.sum(z1, axis=0, keepdims=True)
    acc[0:1, H:] += jnp.sum(z2, axis=0, keepdims=True)
    acc[1:2, :H] += jnp.sum(z1 * z1, axis=0, keepdims=True)
    acc[1:2, H:] += jnp.sum(z2 * z2, axis=0, keepdims=True)

    @pl.when(i == E_GRID - 1)
    def _():
        out_ref[...] = acc[...]


def _stats(zcat, ef, w, bvec):
    return pl.pallas_call(
        _stats_body,
        grid=(E_GRID,),
        in_specs=[
            pl.BlockSpec((1, BLK_E, H), lambda i: (0, i, 0)),
            pl.BlockSpec((1, BLK_E, H), lambda i: (1, i, 0)),
            pl.BlockSpec((BLK_E, E_DIM), lambda i: (i, 0)),
            pl.BlockSpec((OUT_DIM, 2 * H + E_DIM), lambda i: (0, 0)),
            pl.BlockSpec((1, OUT_DIM), lambda i: (0, 0)),
        ],
        out_specs=pl.BlockSpec((8, OUT_DIM), lambda i: (0, 0)),
        out_shape=jax.ShapeDtypeStruct((8, OUT_DIM), jnp.float32),
        scratch_shapes=[pltpu.VMEM((8, OUT_DIM), jnp.float32)],
    )(zcat, zcat, ef, w, bvec)


def _msg_body(g1_ref, g2_ref, ef_ref, w_ref, b_ref, stats_ref, gam_ref,
              bet_ref, msg_ref):
    z1, z2 = _z_halves(g1_ref, g2_ref, ef_ref, w_ref, b_ref)
    mean = stats_ref[0:1, :] * (1.0 / N_EDGES)
    var = stats_ref[1:2, :] * (1.0 / N_EDGES) - mean * mean
    scale = gam_ref[...] * lax.rsqrt(var + 1e-5)
    shift = bet_ref[...] - mean * scale
    zn1 = z1 * scale[:, :H] + shift[:, :H]
    zn2 = z2 * scale[:, H:] + shift[:, H:]
    sig = jax.nn.sigmoid(zn1)
    sp = jnp.maximum(zn2, 0.0) + jnp.log1p(jnp.exp(-jnp.abs(zn2)))
    msg_ref[...] = sig * sp


def _msg(zcat, ef, w, bvec, stats, gamma, beta):
    return pl.pallas_call(
        _msg_body,
        grid=(E_GRID,),
        in_specs=[
            pl.BlockSpec((1, BLK_E, H), lambda i: (0, i, 0)),
            pl.BlockSpec((1, BLK_E, H), lambda i: (1, i, 0)),
            pl.BlockSpec((BLK_E, E_DIM), lambda i: (i, 0)),
            pl.BlockSpec((OUT_DIM, 2 * H + E_DIM), lambda i: (0, 0)),
            pl.BlockSpec((1, OUT_DIM), lambda i: (0, 0)),
            pl.BlockSpec((8, OUT_DIM), lambda i: (0, 0)),
            pl.BlockSpec((1, OUT_DIM), lambda i: (0, 0)),
            pl.BlockSpec((1, OUT_DIM), lambda i: (0, 0)),
        ],
        out_specs=pl.BlockSpec((BLK_E, H), lambda i: (i, 0)),
        out_shape=jax.ShapeDtypeStruct((N_EDGES, H), jnp.float32),
    )(zcat, zcat, ef, w, bvec, stats, gamma, beta)


N_NODES_PAD = 10240
ROWS_PER_TILE = N_NODES_PAD // NS


def _scatter_body(msg_hbm, eidx_hbm, parts_hbm, sidx, mbuf, acc, sem):
    cid = lax.axis_index("c")
    sid = lax.axis_index("s")
    wid = sid * NC + cid
    base = wid * EDGES_PER_TILE
    stripe = sid * ROWS_PER_TILE

    pltpu.sync_copy(eidx_hbm.at[0, wid], sidx)

    @plsc.parallel_loop(0, CHUNK)
    def _(r):
        for k in range(H // 16):
            mbuf[0, r, pl.ds(k * 16, 16)] = jnp.zeros((16,), jnp.float32)

    for t in range(ROWS_PER_TILE // CHUNK):
        pltpu.sync_copy(mbuf.at[0],
                        acc.at[pl.ds(stripe + t * CHUNK, CHUNK)])
    plsc.subcore_barrier()

    def fire(j, s):
        pltpu.async_copy(msg_hbm.at[pl.ds(base + j * CHUNK, CHUNK)],
                         mbuf.at[s], sem.at[s])

    def process(j, s):
        pltpu.make_async_copy(msg_hbm.at[pl.ds(base + j * CHUNK, CHUNK)],
                              mbuf.at[s], sem.at[s]).wait()
        pltpu.sync_copy(mbuf.at[s], acc.at[sidx.at[j]], add=True)

    for b in range(NSTAGES5):
        fire(b, b)

    def chunk(j2, carry):
        for b in range(NSTAGES5):
            j = NSTAGES5 * j2 + b
            process(j, b)

            @pl.when(j < NCHUNK - NSTAGES5)
            def _():
                fire(j + NSTAGES5, b)
        return carry

    lax.fori_loop(0, NCHUNK // NSTAGES5, chunk, 0)
    for jt in range((NCHUNK // NSTAGES5) * NSTAGES5, NCHUNK):
        process(jt, jt % NSTAGES5)
    plsc.subcore_barrier()
    pltpu.sync_copy(acc.at[pl.ds(stripe, ROWS_PER_TILE)],
                    parts_hbm.at[cid, pl.ds(stripe, ROWS_PER_TILE)])


def _sc_scatter(msg, eidx4):
    mesh = plsc.VectorSubcoreMesh(core_axis_name="c", subcore_axis_name="s")
    f = pl.kernel(
        _scatter_body,
        out_type=jax.ShapeDtypeStruct((NC, N_NODES_PAD, H), jnp.float32),
        mesh=mesh,
        scratch_types=[
            pltpu.VMEM((NCHUNK, CHUNK), jnp.int32),
            pltpu.VMEM((NSTAGES5, CHUNK, H), jnp.float32),
            pltpu.VMEM_SHARED((N_NODES_PAD, H), jnp.float32),
            pltpu.SemaphoreType.DMA((NSTAGES5,)),
        ],
    )
    return f(msg, eidx4)


def _final_body(nf_ref, p0_ref, p1_ref, out_ref):
    out_ref[...] = nf_ref[...] + p0_ref[0] + p1_ref[0]


def _final_add(nf, parts):
    grid = N_NODES // BLK_N
    return pl.pallas_call(
        _final_body,
        grid=(grid,),
        in_specs=[
            pl.BlockSpec((BLK_N, H), lambda i: (i, 0)),
            pl.BlockSpec((1, BLK_N, H), lambda i: (0, i, 0)),
            pl.BlockSpec((1, BLK_N, H), lambda i: (1, i, 0)),
        ],
        out_specs=pl.BlockSpec((BLK_N, H), lambda i: (i, 0)),
        out_shape=jax.ShapeDtypeStruct((N_NODES, H), jnp.float32),
    )(nf, parts, parts)


@jax.jit
def kernel(node_feats, edge_index, edge_feats, W, b, gamma, beta):
    eidx4 = edge_index.astype(jnp.int32).reshape(2, NW, NCHUNK, CHUNK)
    bvec = b.reshape(1, OUT_DIM)
    gam = gamma.reshape(1, OUT_DIM)
    bet = beta.reshape(1, OUT_DIM)

    p1, p2 = _node_matmul(node_feats, W)
    zcat = _sc_gather(p1, p2, eidx4)
    stats = _stats(zcat, edge_feats, W, bvec)
    msg = _msg(zcat, edge_feats, W, bvec, stats, gam, bet)
    parts = _sc_scatter(msg, eidx4)
    return _final_add(node_feats, parts)

# --- scband reference (transcript-rebuilt; emitter-appended) ---
"""Pipeline reference for scband-cgcnnlayer-12575664242923 (READ-ONLY COPY).

The authoritative reference and input builder live on the scoring server;
editing this copy changes nothing except your own understanding.
"""

import jax, jax.numpy as jnp
import numpy as np

N_NODES = 10000
N_EDGES = 320000
H = 128
E_DIM = 16

def setup_inputs(seed: int = 0) -> dict:
    key = jax.random.key(seed)
    k1, k2, k3, k4, k5, k6, k7 = jax.random.split(key, 7)
    node_feats = jax.random.normal(k1, (N_NODES, H), dtype=jnp.float32)
    edge_index = jax.random.randint(k2, (2, N_EDGES), 0, N_NODES, dtype=jnp.int64)
    edge_feats = jax.random.normal(k3, (N_EDGES, E_DIM), dtype=jnp.float32)
    in_dim = 2 * H + E_DIM
    out_dim = 2 * H
    bound = 1.0 / np.sqrt(in_dim)
    W = jax.random.uniform(k4, (out_dim, in_dim), minval=-bound, maxval=bound, dtype=jnp.float32)
    b = jax.random.uniform(k5, (out_dim,), minval=-bound, maxval=bound, dtype=jnp.float32)
    gamma = jnp.ones((out_dim,), dtype=jnp.float32)
    beta = jnp.zeros((out_dim,), dtype=jnp.float32)
    return {"node_feats": node_feats, "edge_index": edge_index, "edge_feats": edge_feats, "W": W, "b": b, "gamma": gamma, "beta": beta}

def reference(node_feats, edge_index, edge_feats, W, b, gamma, beta):
    src = edge_index[0]
    dst = edge_index[1]
    z = jnp.concatenate([node_feats[src], node_feats[dst], edge_feats], axis=1)
    z = z @ W.T + b
    # BatchNorm1d in training mode: batch statistics over edge dimension
    mean = jnp.mean(z, axis=0)
    var = jnp.var(z, axis=0)
    z = (z - mean) / jnp.sqrt(var + 1e-5) * gamma + beta
    sigma = jax.nn.sigmoid(z[:, :H])
    pi = jax.nn.softplus(z[:, H:])
    msg = sigma * pi
    agg = jnp.zeros_like(node_feats).at[src].add(msg)
    return node_feats + agg

if __name__ == "__main__":
    import jax
    _d = setup_inputs()
    print(jax.jit(kernel)(*tuple(_d.values())))

</pallas_src>

<mosaic_0001>
#map = affine_map<(d0, d1) -> (0, 0)>
#map1 = affine_map<(d0, d1) -> (0, 0, 0, 0)>
#map2 = affine_map<(d0, d1) -> (0, 0, 0)>
module attributes {stable_mosaic.version = 14 : i64} {
  func.func @_scatter_body(%arg0: i32, %arg1: i32, %arg2: memref<320000x128xf32, #tpu.memory_space<hbm>>, %arg3: memref<2x32x125x80xi32, #tpu.memory_space<hbm>>, %arg4: memref<2x10240x128xf32, #tpu.memory_space<hbm>>, %arg5: memref<125x80xi32, #tpu.memory_space<vmem>>, %arg6: memref<3x80x128xf32, #tpu.memory_space<vmem>>, %arg7: memref<10240x128xf32, #tpu.memory_space<vmem_shared>>, %arg8: memref<3x!tpu.dma_semaphore, #tpu.memory_space<semaphore_mem>>) attributes {dimension_semantics = [#tpu.dimension_semantics<core_parallel>, #tpu.dimension_semantics<subcore_parallel>], iteration_bounds = array<i64: 2, 16>, scalar_prefetch = 0 : i64, scratch_operands = 4 : i64, tpu.core_type = #tpu.core_type<sc_vector_subcore>, window_params = [{transform_indices = #map}, {transform_indices = #map1}, {transform_indices = #map2}]} {
    %mul3A = arith.constant 2 : i32
    %mul3A_0 = arith.muli %arg1, %mul3A : i32
    %add3A = arith.addi %mul3A_0, %arg0 : i32
    %mul3A_1 = arith.constant 10000 : i32
    %mul3A_2 = arith.muli %add3A, %mul3A_1 : i32
    %mul3A_3 = arith.constant 640 : i32
    %mul3A_4 = arith.muli %arg1, %mul3A_3 : i32
    %run_scoped3A = arith.constant 0 : i32
    "tpu.region"() ({
      %run_scoped3A_129 = tpu.sem_alloc : memref<!tpu.dma_semaphore, #tpu.memory_space<semaphore_mem>>
      %dma_start3A_130 = arith.constant 0 : i32
      %dma_start3A_131 = arith.constant 0 : i32
      %dma_start3A_132 = tpu.memref_slice %arg3[%run_scoped3A, %add3A, %dma_start3A_130, %dma_start3A_131] : memref<2x32x125x80xi32, #tpu.memory_space<hbm>> -> memref<1x1x125x80xi32, #tpu.memory_space<hbm>>
      %dma_start3A_133 = tpu.memref_squeeze %dma_start3A_132 : memref<1x1x125x80xi32, #tpu.memory_space<hbm>> -> memref<125x80xi32, #tpu.memory_space<hbm>>
      %dma_start3A_134 = arith.constant 0 : i32
      %dma_start3A_135 = arith.constant 0 : i32
      %dma_start3A_136 = tpu.memref_slice %arg3[%run_scoped3A, %add3A, %dma_start3A_134, %dma_start3A_135] : memref<2x32x125x80xi32, #tpu.memory_space<hbm>> -> memref<1x1x125x80xi32, #tpu.memory_space<hbm>>
      %dma_start3A_137 = tpu.memref_squeeze %dma_start3A_136 : memref<1x1x125x80xi32, #tpu.memory_space<hbm>> -> memref<125x80xi32, #tpu.memory_space<hbm>>
      tpu.enqueue_dma source(%dma_start3A_137 : memref<125x80xi32, #tpu.memory_space<hbm>>) target(%arg5 : memref<125x80xi32, #tpu.memory_space<vmem>>) target_semaphore(%run_scoped3A_129 : memref<!tpu.dma_semaphore, #tpu.memory_space<semaphore_mem>>)
      %dma_wait3A_138 = arith.constant 0 : i32
      %dma_wait3A_139 = arith.constant 0 : i32
      %dma_wait3A_140 = tpu.memref_slice %arg3[%run_scoped3A, %add3A, %dma_wait3A_138, %dma_wait3A_139] : memref<2x32x125x80xi32, #tpu.memory_space<hbm>> -> memref<1x1x125x80xi32, #tpu.memory_space<hbm>>
      %dma_wait3A_141 = tpu.memref_squeeze %dma_wait3A_140 : memref<1x1x125x80xi32, #tpu.memory_space<hbm>> -> memref<125x80xi32, #tpu.memory_space<hbm>>
      %dma_wait3A_142 = arith.constant 0 : i32
      %dma_wait3A_143 = arith.constant 0 : i32
      %dma_wait3A_144 = tpu.memref_slice %arg3[%run_scoped3A, %add3A, %dma_wait3A_142, %dma_wait3A_143] : memref<2x32x125x80xi32, #tpu.memory_space<hbm>> -> memref<1x1x125x80xi32, #tpu.memory_space<hbm>>
      %dma_wait3A_145 = tpu.memref_squeeze %dma_wait3A_144 : memref<1x1x125x80xi32, #tpu.memory_space<hbm>> -> memref<125x80xi32, #tpu.memory_space<hbm>>
      tpu.wait_dma2 semaphore(%run_scoped3A_129 : memref<!tpu.dma_semaphore, #tpu.memory_space<semaphore_mem>>) src(%dma_wait3A_145 : memref<125x80xi32, #tpu.memory_space<hbm>>) dst(%arg5 : memref<125x80xi32, #tpu.memory_space<vmem>>)
      tpu.yield
    }) : () -> ()
    %parallel_loop3A = arith.constant 0 : i32
    %parallel_loop3A_5 = arith.constant 80 : i32
    %parallel_loop3A_6 = arith.constant 1 : i32
    scf.for %parallel_loop3A_129 = %parallel_loop3A to %parallel_loop3A_5 step %parallel_loop3A_6  : i32 {
      %parallel_loop3A_130 = arith.constant 0.000000e+00 : f32
      %parallel_loop3A_131 = vector.broadcast %parallel_loop3A_130 : f32 to vector<16xf32>
      %parallel_loop3A_132 = arith.constant 0 : i32
      %parallel_loop3A_133 = arith.index_cast %parallel_loop3A_132 : i32 to index
      %parallel_loop3A_134 = arith.index_cast %parallel_loop3A_129 : i32 to index
      %parallel_loop3A_135 = arith.constant 0 : index
      %parallel_loop3A_136 = tpu.vector_load %arg6[%parallel_loop3A_133, %parallel_loop3A_134, %parallel_loop3A_135] {strides = array<i32>} : memref<3x80x128xf32, #tpu.memory_space<vmem>>, vector<1x1x16xf32>,
      %parallel_loop3A_137 = vector.shape_cast %parallel_loop3A_136 : vector<1x1x16xf32> to vector<16xf32>
      %parallel_loop3A_138 = vector.shape_cast %parallel_loop3A_131 : vector<16xf32> to vector<1x1x16xf32>
      tpu.vector_store %arg6[%parallel_loop3A_133, %parallel_loop3A_134, %parallel_loop3A_135], %parallel_loop3A_138 {strides = array<i32>} : memref<3x80x128xf32, #tpu.memory_space<vmem>>, vector<1x1x16xf32>,
      %parallel_loop3A_139 = arith.constant 0.000000e+00 : f32
      %parallel_loop3A_140 = vector.broadcast %parallel_loop3A_139 : f32 to vector<16xf32>
      %parallel_loop3A_141 = arith.constant 0 : i32
      %parallel_loop3A_142 = arith.index_cast %parallel_loop3A_141 : i32 to index
      %parallel_loop3A_143 = arith.index_cast %parallel_loop3A_129 : i32 to index
      %parallel_loop3A_144 = arith.constant 16 : index
      %parallel_loop3A_145 = tpu.vector_load %arg6[%parallel_loop3A_142, %parallel_loop3A_143, %parallel_loop3A_144] {strides = array<i32>} : memref<3x80x128xf32, #tpu.memory_space<vmem>>, vector<1x1x16xf32>,
      %parallel_loop3A_146 = vector.shape_cast %parallel_loop3A_145 : vector<1x1x16xf32> to vector<16xf32>
      %parallel_loop3A_147 = vector.shape_cast %parallel_loop3A_140 : vector<16xf32> to vector<1x1x16xf32>
      tpu.vector_store %arg6[%parallel_loop3A_142, %parallel_loop3A_143, %parallel_loop3A_144], %parallel_loop3A_147 {strides = array<i32>} : memref<3x80x128xf32, #tpu.memory_space<vmem>>, vector<1x1x16xf32>,
      %parallel_loop3A_148 = arith.constant 0.000000e+00 : f32
      %parallel_loop3A_149 = vector.broadcast %parallel_loop3A_148 : f32 to vector<16xf32>
      %parallel_loop3A_150 = arith.constant 0 : i32
      %parallel_loop3A_151 = arith.index_cast %parallel_loop3A_150 : i32 to index
      %parallel_loop3A_152 = arith.index_cast %parallel_loop3A_129 : i32 to index
      %parallel_loop3A_153 = arith.constant 32 : index
      %parallel_loop3A_154 = tpu.vector_load %arg6[%parallel_loop3A_151, %parallel_loop3A_152, %parallel_loop3A_153] {strides = array<i32>} : memref<3x80x128xf32, #tpu.memory_space<vmem>>, vector<1x1x16xf32>,
      %parallel_loop3A_155 = vector.shape_cast %parallel_loop3A_154 : vector<1x1x16xf32> to vector<16xf32>
      %parallel_loop3A_156 = vector.shape_cast %parallel_loop3A_149 : vector<16xf32> to vector<1x1x16xf32>
      tpu.vector_store %arg6[%parallel_loop3A_151, %parallel_loop3A_152, %parallel_loop3A_153], %parallel_loop3A_156 {strides = array<i32>} : memref<3x80x128xf32, #tpu.memory_space<vmem>>, vector<1x1x16xf32>,
      %parallel_loop3A_157 = arith.constant 0.000000e+00 : f32
      %parallel_loop3A_158 = vector.broadcast %parallel_loop3A_157 : f32 to vector<16xf32>
      %parallel_loop3A_159 = arith.constant 0 : i32
      %parallel_loop3A_160 = arith.index_cast %parallel_loop3A_159 : i32 to index
      %parallel_loop3A_161 = arith.index_cast %parallel_loop3A_129 : i32 to index
      %parallel_loop3A_162 = arith.constant 48 : index
      %parallel_loop3A_163 = tpu.vector_load %arg6[%parallel_loop3A_160, %parallel_loop3A_161, %parallel_loop3A_162] {strides = array<i32>} : memref<3x80x128xf32, #tpu.memory_space<vmem>>, vector<1x1x16xf32>,
      %parallel_loop3A_164 = vector.shape_cast %parallel_loop3A_163 : vector<1x1x16xf32> to vector<16xf32>
      %parallel_loop3A_165 = vector.shape_cast %parallel_loop3A_158 : vector<16xf32> to vector<1x1x16xf32>
      tpu.vector_store %arg6[%parallel_loop3A_160, %parallel_loop3A_161, %parallel_loop3A_162], %parallel_loop3A_165 {strides = array<i32>} : memref<3x80x128xf32, #tpu.memory_space<vmem>>, vector<1x1x16xf32>,
      %parallel_loop3A_166 = arith.constant 0.000000e+00 : f32
      %parallel_loop3A_167 = vector.broadcast %parallel_loop3A_166 : f32 to vector<16xf32>
      %parallel_loop3A_168 = arith.constant 0 : i32
      %parallel_loop3A_169 = arith.index_cast %parallel_loop3A_168 : i32 to index
      %parallel_loop3A_170 = arith.index_cast %parallel_loop3A_129 : i32 to index
      %parallel_loop3A_171 = arith.constant 64 : index
      %parallel_loop3A_172 = tpu.vector_load %arg6[%parallel_loop3A_169, %parallel_loop3A_170, %parallel_loop3A_171] {strides = array<i32>} : memref<3x80x128xf32, #tpu.memory_space<vmem>>, vector<1x1x16xf32>,
      %parallel_loop3A_173 = vector.shape_cast %parallel_loop3A_172 : vector<1x1x16xf32> to vector<16xf32>
      %parallel_loop3A_174 = vector.shape_cast %parallel_loop3A_167 : vector<16xf32> to vector<1x1x16xf32>
      tpu.vector_store %arg6[%parallel_loop3A_169, %parallel_loop3A_170, %parallel_loop3A_171], %parallel_loop3A_174 {strides = array<i32>} : memref<3x80x128xf32, #tpu.memory_space<vmem>>, vector<1x1x16xf32>,
      %parallel_loop3A_175 = arith.constant 0.000000e+00 : f32
      %parallel_loop3A_176 = vector.broadcast %parallel_loop3A_175 : f32 to vector<16xf32>
      %parallel_loop3A_177 = arith.constant 0 : i32
      %parallel_loop3A_178 = arith.index_cast %parallel_loop3A_177 : i32 to index
      %parallel_loop3A_179 = arith.index_cast %parallel_loop3A_129 : i32 to index
      %parallel_loop3A_180 = arith.constant 80 : index
      %parallel_loop3A_181 = tpu.vector_load %arg6[%parallel_loop3A_178, %parallel_loop3A_179, %parallel_loop3A_180] {strides = array<i32>} : memref<3x80x128xf32, #tpu.memory_space<vmem>>, vector<1x1x16xf32>,
      %parallel_loop3A_182 = vector.shape_cast %parallel_loop3A_181 : vector<1x1x16xf32> to vector<16xf32>
      %parallel_loop3A_183 = vector.shape_cast %parallel_loop3A_176 : vector<16xf32> to vector<1x1x16xf32>
      tpu.vector_store %arg6[%parallel_loop3A_178, %parallel_loop3A_179, %parallel_loop3A_180], %parallel_loop3A_183 {strides = array<i32>} : memref<3x80x128xf32, #tpu.memory_space<vmem>>, vector<1x1x16xf32>,
      %parallel_loop3A_184 = arith.constant 0.000000e+00 : f32
      %parallel_loop3A_185 = vector.broadcast %parallel_loop3A_184 : f32 to vector<16xf32>
      %parallel_loop3A_186 = arith.constant 0 : i32
      %parallel_loop3A_187 = arith.index_cast %parallel_loop3A_186 : i32 to index
      %parallel_loop3A_188 = arith.index_cast %parallel_loop3A_129 : i32 to index
      %parallel_loop3A_189 = arith.constant 96 : index
      %parallel_loop3A_190 = tpu.vector_load %arg6[%parallel_loop3A_187, %parallel_loop3A_188, %parallel_loop3A_189] {strides = array<i32>} : memref<3x80x128xf32, #tpu.memory_space<vmem>>, vector<1x1x16xf32>,
      %parallel_loop3A_191 = vector.shape_cast %parallel_loop3A_190 : vector<1x1x16xf32> to vector<16xf32>
      %parallel_loop3A_192 = vector.shape_cast %parallel_loop3A_185 : vector<16xf32> to vector<1x1x16xf32>
      tpu.vector_store %arg6[%parallel_loop3A_187, %parallel_loop3A_188, %parallel_loop3A_189], %parallel_loop3A_192 {strides = array<i32>} : memref<3x80x128xf32, #tpu.memory_space<vmem>>, vector<1x1x16xf32>,
      %parallel_loop3A_193 = arith.constant 0.000000e+00 : f32
      %parallel_loop3A_194 = vector.broadcast %parallel_loop3A_193 : f32 to vector<16xf32>
      %parallel_loop3A_195 = arith.constant 0 : i32
      %parallel_loop3A_196 = arith.index_cast %parallel_loop3A_195 : i32 to index
      %parallel_loop3A_197 = arith.index_cast %parallel_loop3A_129 : i32 to index
      %parallel_loop3A_198 = arith.constant 112 : index
      %parallel_loop3A_199 = tpu.vector_load %arg6[%parallel_loop3A_196, %parallel_loop3A_197, %parallel_loop3A_198] {strides = array<i32>} : memref<3x80x128xf32, #tpu.memory_space<vmem>>, vector<1x1x16xf32>,
      %parallel_loop3A_200 = vector.shape_cast %parallel_loop3A_199 : vector<1x1x16xf32> to vector<16xf32>
      %parallel_loop3A_201 = vector.shape_cast %parallel_loop3A_194 : vector<16xf32> to vector<1x1x16xf32>
      tpu.vector_store %arg6[%parallel_loop3A_196, %parallel_loop3A_197, %parallel_loop3A_198], %parallel_loop3A_201 {strides = array<i32>} : memref<3x80x128xf32, #tpu.memory_space<vmem>>, vector<1x1x16xf32>,
    } {sc.loop_unroll_factor = 1 : i64, sc.parallel_access}
    %add3A_7 = arith.constant 0 : i32
    %add3A_8 = arith.addi %mul3A_4, %add3A_7 : i32
    %run_scoped3A_9 = arith.constant 0 : i32
    "tpu.region"() ({
      %run_scoped3A_129 = tpu.sem_alloc : memref<!tpu.dma_semaphore, #tpu.memory_space<semaphore_mem>>
      %dma_start3A_130 = arith.constant 0 : i32
      %dma_start3A_131 = arith.constant 0 : i32
      %dma_start3A_132 = tpu.memref_slice %arg6[%run_scoped3A_9, %dma_start3A_130, %dma_start3A_131] : memref<3x80x128xf32, #tpu.memory_space<vmem>> -> memref<1x80x128xf32, #tpu.memory_space<vmem>>
      %dma_start3A_133 = tpu.memref_squeeze %dma_start3A_132 : memref<1x80x128xf32, #tpu.memory_space<vmem>> -> memref<80x128xf32, #tpu.memory_space<vmem>>
      %dma_start3A_134 = arith.constant 0 : i32
      %dma_start3A_135 = tpu.memref_slice %arg7[%add3A_8, %dma_start3A_134] : memref<10240x128xf32, #tpu.memory_space<vmem_shared>> -> memref<80x128xf32, #tpu.memory_space<vmem_shared>>
      %dma_start3A_136 = arith.constant 0 : i32
      %dma_start3A_137 = tpu.memref_slice %arg7[%add3A_8, %dma_start3A_136] : memref<10240x128xf32, #tpu.memory_space<vmem_shared>> -> memref<80x128xf32, #tpu.memory_space<vmem_shared>>
      %dma_start3A_138 = arith.constant 0 : i32
      %dma_start3A_139 = arith.constant 0 : i32
      %dma_start3A_140 = tpu.memref_slice %arg6[%run_scoped3A_9, %dma_start3A_138, %dma_start3A_139] : memref<3x80x128xf32, #tpu.memory_space<vmem>> -> memref<1x80x128xf32, #tpu.memory_space<vmem>>
      %dma_start3A_141 = tpu.memref_squeeze %dma_start3A_140 : memref<1x80x128xf32, #tpu.memory_space<vmem>> -> memref<80x128xf32, #tpu.memory_space<vmem>>
      tpu.enqueue_dma source(%dma_start3A_141 : memref<80x128xf32, #tpu.memory_space<vmem>>) target(%dma_start3A_137 : memref<80x128xf32, #tpu.memory_space<vmem_shared>>) target_semaphore(%run_scoped3A_129 : memref<!tpu.dma_semaphore, #tpu.memory_space<semaphore_mem>>)
      %dma_wait3A_142 = arith.constant 0 : i32
      %dma_wait3A_143 = arith.constant 0 : i32
      %dma_wait3A_144 = tpu.memref_slice %arg6[%run_scoped3A_9, %dma_wait3A_142, %dma_wait3A_143] : memref<3x80x128xf32, #tpu.memory_space<vmem>> -> memref<1x80x128xf32, #tpu.memory_space<vmem>>
      %dma_wait3A_145 = tpu.memref_squeeze %dma_wait3A_144 : memref<1x80x128xf32, #tpu.memory_space<vmem>> -> memref<80x128xf32, #tpu.memory_space<vmem>>
      %dma_wait3A_146 = arith.constant 0 : i32
      %dma_wait3A_147 = tpu.memref_slice %arg7[%add3A_8, %dma_wait3A_146] : memref<10240x128xf32, #tpu.memory_space<vmem_shared>> -> memref<80x128xf32, #tpu.memory_space<vmem_shared>>
      %dma_wait3A_148 = arith.constant 0 : i32
      %dma_wait3A_149 = tpu.memref_slice %arg7[%add3A_8, %dma_wait3A_148] : memref<10240x128xf32, #tpu.memory_space<vmem_shared>> -> memref<80x128xf32, #tpu.memory_space<vmem_shared>>
      %dma_wait3A_150 = arith.constant 0 : i32
      %dma_wait3A_151 = arith.constant 0 : i32
      %dma_wait3A_152 = tpu.memref_slice %arg6[%run_scoped3A_9, %dma_wait3A_150, %dma_wait3A_151] : memref<3x80x128xf32, #tpu.memory_space<vmem>> -> memref<1x80x128xf32, #tpu.memory_space<vmem>>
      %dma_wait3A_153 = tpu.memref_squeeze %dma_wait3A_152 : memref<1x80x128xf32, #tpu.memory_space<vmem>> -> memref<80x128xf32, #tpu.memory_space<vmem>>
      tpu.wait_dma2 semaphore(%run_scoped3A_129 : memref<!tpu.dma_semaphore, #tpu.memory_space<semaphore_mem>>) src(%dma_wait3A_153 : memref<80x128xf32, #tpu.memory_space<vmem>>) dst(%dma_wait3A_149 : memref<80x128xf32, #tpu.memory_space<vmem_shared>>)
      tpu.yield
    }) : () -> ()
    %add3A_10 = arith.constant 80 : i32
    %add3A_11 = arith.addi %mul3A_4, %add3A_10 : i32
    %run_scoped3A_12 = arith.constant 0 : i32
    "tpu.region"() ({
      %run_scoped3A_129 = tpu.sem_alloc : memref<!tpu.dma_semaphore, #tpu.memory_space<semaphore_mem>>
      %dma_start3A_130 = arith.constant 0 : i32
      %dma_start3A_131 = arith.constant 0 : i32
      %dma_start3A_132 = tpu.memref_slice %arg6[%run_scoped3A_12, %dma_start3A_130, %dma_start3A_131] : memref<3x80x128xf32, #tpu.memory_space<vmem>> -> memref<1x80x128xf32, #tpu.memory_space<vmem>>
      %dma_start3A_133 = tpu.memref_squeeze %dma_start3A_132 : memref<1x80x128xf32, #tpu.memory_space<vmem>> -> memref<80x128xf32, #tpu.memory_space<vmem>>
      %dma_start3A_134 = arith.constant 0 : i32
      %dma_start3A_135 = tpu.memref_slice %arg7[%add3A_11, %dma_start3A_134] : memref<10240x128xf32, #tpu.memory_space<vmem_shared>> -> memref<80x128xf32, #tpu.memory_space<vmem_shared>>
      %dma_start3A_136 = arith.constant 0 : i32
      %dma_start3A_137 = tpu.memref_slice %arg7[%add3A_11, %dma_start3A_136] : memref<10240x128xf32, #tpu.memory_space<vmem_shared>> -> memref<80x128xf32, #tpu.memory_space<vmem_shared>>
      %dma_start3A_138 = arith.constant 0 : i32
      %dma_start3A_139 = arith.constant 0 : i32
      %dma_start3A_140 = tpu.memref_slice %arg6[%run_scoped3A_12, %dma_start3A_138, %dma_start3A_139] : memref<3x80x128xf32, #tpu.memory_space<vmem>> -> memref<1x80x128xf32, #tpu.memory_space<vmem>>
      %dma_start3A_141 = tpu.memref_squeeze %dma_start3A_140 : memref<1x80x128xf32, #tpu.memory_space<vmem>> -> memref<80x128xf32, #tpu.memory_space<vmem>>
      tpu.enqueue_dma source(%dma_start3A_141 : memref<80x128xf32, #tpu.memory_space<vmem>>) target(%dma_start3A_137 : memref<80x128xf32, #tpu.memory_space<vmem_shared>>) target_semaphore(%run_scoped3A_129 : memref<!tpu.dma_semaphore, #tpu.memory_space<semaphore_mem>>)
      %dma_wait3A_142 = arith.constant 0 : i32
      %dma_wait3A_143 = arith.constant 0 : i32
      %dma_wait3A_144 = tpu.memref_slice %arg6[%run_scoped3A_12, %dma_wait3A_142, %dma_wait3A_143] : memref<3x80x128xf32, #tpu.memory_space<vmem>> -> memref<1x80x128xf32, #tpu.memory_space<vmem>>
      %dma_wait3A_145 = tpu.memref_squeeze %dma_wait3A_144 : memref<1x80x128xf32, #tpu.memory_space<vmem>> -> memref<80x128xf32, #tpu.memory_space<vmem>>
      %dma_wait3A_146 = arith.constant 0 : i32
      %dma_wait3A_147 = tpu.memref_slice %arg7[%add3A_11, %dma_wait3A_146] : memref<10240x128xf32, #tpu.memory_space<vmem_shared>> -> memref<80x128xf32, #tpu.memory_space<vmem_shared>>
      %dma_wait3A_148 = arith.constant 0 : i32
      %dma_wait3A_149 = tpu.memref_slice %arg7[%add3A_11, %dma_wait3A_148] : memref<10240x128xf32, #tpu.memory_space<vmem_shared>> -> memref<80x128xf32, #tpu.memory_space<vmem_shared>>
      %dma_wait3A_150 = arith.constant 0 : i32
      %dma_wait3A_151 = arith.constant 0 : i32
      %dma_wait3A_152 = tpu.memref_slice %arg6[%run_scoped3A_12, %dma_wait3A_150, %dma_wait3A_151] : memref<3x80x128xf32, #tpu.memory_space<vmem>> -> memref<1x80x128xf32, #tpu.memory_space<vmem>>
      %dma_wait3A_153 = tpu.memref_squeeze %dma_wait3A_152 : memref<1x80x128xf32, #tpu.memory_space<vmem>> -> memref<80x128xf32, #tpu.memory_space<vmem>>
      tpu.wait_dma2 semaphore(%run_scoped3A_129 : memref<!tpu.dma_semaphore, #tpu.memory_space<semaphore_mem>>) src(%dma_wait3A_153 : memref<80x128xf32, #tpu.memory_space<vmem>>) dst(%dma_wait3A_149 : memref<80x128xf32, #tpu.memory_space<vmem_shared>>)
      tpu.yield
    }) : () -> ()
    %add3A_13 = arith.constant 160 : i32
    %add3A_14 = arith.addi %mul3A_4, %add3A_13 : i32
    %run_scoped3A_15 = arith.constant 0 : i32
    "tpu.region"() ({
      %run_scoped3A_129 = tpu.sem_alloc : memref<!tpu.dma_semaphore, #tpu.memory_space<semaphore_mem>>
      %dma_start3A_130 = arith.constant 0 : i32
      %dma_start3A_131 = arith.constant 0 : i32
      %dma_start3A_132 = tpu.memref_slice %arg6[%run_scoped3A_15, %dma_start3A_130, %dma_start3A_131] : memref<3x80x128xf32, #tpu.memory_space<vmem>> -> memref<1x80x128xf32, #tpu.memory_space<vmem>>
      %dma_start3A_133 = tpu.memref_squeeze %dma_start3A_132 : memref<1x80x128xf32, #tpu.memory_space<vmem>> -> memref<80x128xf32, #tpu.memory_space<vmem>>
      %dma_start3A_134 = arith.constant 0 : i32
      %dma_start3A_135 = tpu.memref_slice %arg7[%add3A_14, %dma_start3A_134] : memref<10240x128xf32, #tpu.memory_space<vmem_shared>> -> memref<80x128xf32, #tpu.memory_space<vmem_shared>>
      %dma_start3A_136 = arith.constant 0 : i32
      %dma_start3A_137 = tpu.memref_slice %arg7[%add3A_14, %dma_start3A_136] : memref<10240x128xf32, #tpu.memory_space<vmem_shared>> -> memref<80x128xf32, #tpu.memory_space<vmem_shared>>
      %dma_start3A_138 = arith.constant 0 : i32
      %dma_start3A_139 = arith.constant 0 : i32
      %dma_start3A_140 = tpu.memref_slice %arg6[%run_scoped3A_15, %dma_start3A_138, %dma_start3A_139] : memref<3x80x128xf32, #tpu.memory_space<vmem>> -> memref<1x80x128xf32, #tpu.memory_space<vmem>>
      %dma_start3A_141 = tpu.memref_squeeze %dma_start3A_140 : memref<1x80x128xf32, #tpu.memory_space<vmem>> -> memref<80x128xf32, #tpu.memory_space<vmem>>
      tpu.enqueue_dma source(%dma_start3A_141 : memref<80x128xf32, #tpu.memory_space<vmem>>) target(%dma_start3A_137 : memref<80x128xf32, #tpu.memory_space<vmem_shared>>) target_semaphore(%run_scoped3A_129 : memref<!tpu.dma_semaphore, #tpu.memory_space<semaphore_mem>>)
      %dma_wait3A_142 = arith.constant 0 : i32
      %dma_wait3A_143 = arith.constant 0 : i32
      %dma_wait3A_144 = tpu.memref_slice %arg6[%run_scoped3A_15, %dma_wait3A_142, %dma_wait3A_143] : memref<3x80x128xf32, #tpu.memory_space<vmem>> -> memref<1x80x128xf32, #tpu.memory_space<vmem>>
      %dma_wait3A_145 = tpu.memref_squeeze %dma_wait3A_144 : memref<1x80x128xf32, #tpu.memory_space<vmem>> -> memref<80x128xf32, #tpu.memory_space<vmem>>
      %dma_wait3A_146 = arith.constant 0 : i32
      %dma_wait3A_147 = tpu.memref_slice %arg7[%add3A_14, %dma_wait3A_146] : memref<10240x128xf32, #tpu.memory_space<vmem_shared>> -> memref<80x128xf32, #tpu.memory_space<vmem_shared>>
      %dma_wait3A_148 = arith.constant 0 : i32
      %dma_wait3A_149 = tpu.memref_slice %arg7[%add3A_14, %dma_wait3A_148] : memref<10240x128xf32, #tpu.memory_space<vmem_shared>> -> memref<80x128xf32, #tpu.memory_space<vmem_shared>>
      %dma_wait3A_150 = arith.constant 0 : i32
      %dma_wait3A_151 = arith.constant 0 : i32
      %dma_wait3A_152 = tpu.memref_slice %arg6[%run_scoped3A_15, %dma_wait3A_150, %dma_wait3A_151] : memref<3x80x128xf32, #tpu.memory_space<vmem>> -> memref<1x80x128xf32, #tpu.memory_space<vmem>>
      %dma_wait3A_153 = tpu.memref_squeeze %dma_wait3A_152 : memref<1x80x128xf32, #tpu.memory_space<vmem>> -> memref<80x128xf32, #tpu.memory_space<vmem>>
      tpu.wait_dma2 semaphore(%run_scoped3A_129 : memref<!tpu.dma_semaphore, #tpu.memory_space<semaphore_mem>>) src(%dma_wait3A_153 : memref<80x128xf32, #tpu.memory_space<vmem>>) dst(%dma_wait3A_149 : memref<80x128xf32, #tpu.memory_space<vmem_shared>>)
      tpu.yield
    }) : () -> ()
    %add3A_16 = arith.constant 240 : i32
    %add3A_17 = arith.addi %mul3A_4, %add3A_16 : i32
    %run_scoped3A_18 = arith.constant 0 : i32
    "tpu.region"() ({
      %run_scoped3A_129 = tpu.sem_alloc : memref<!tpu.dma_semaphore, #tpu.memory_space<semaphore_mem>>
      %dma_start3A_130 = arith.constant 0 : i32
      %dma_start3A_131 = arith.constant 0 : i32
      %dma_start3A_132 = tpu.memref_slice %arg6[%run_scoped3A_18, %dma_start3A_130, %dma_start3A_131] : memref<3x80x128xf32, #tpu.memory_space<vmem>> -> memref<1x80x128xf32, #tpu.memory_space<vmem>>
      %dma_start3A_133 = tpu.memref_squeeze %dma_start3A_132 : memref<1x80x128xf32, #tpu.memory_space<vmem>> -> memref<80x128xf32, #tpu.memory_space<vmem>>
      %dma_start3A_134 = arith.constant 0 : i32
      %dma_start3A_135 = tpu.memref_slice %arg7[%add3A_17, %dma_start3A_134] : memref<10240x128xf32, #tpu.memory_space<vmem_shared>> -> memref<80x128xf32, #tpu.memory_space<vmem_shared>>
      %dma_start3A_136 = arith.constant 0 : i32
      %dma_start3A_137 = tpu.memref_slice %arg7[%add3A_17, %dma_start3A_136] : memref<10240x128xf32, #tpu.memory_space<vmem_shared>> -> memref<80x128xf32, #tpu.memory_space<vmem_shared>>
      %dma_start3A_138 = arith.constant 0 : i32
      %dma_start3A_139 = arith.constant 0 : i32
      %dma_start3A_140 = tpu.memref_slice %arg6[%run_scoped3A_18, %dma_start3A_138, %dma_start3A_139] : memref<3x80x128xf32, #tpu.memory_space<vmem>> -> memref<1x80x128xf32, #tpu.memory_space<vmem>>
      %dma_start3A_141 = tpu.memref_squeeze %dma_start3A_140 : memref<1x80x128xf32, #tpu.memory_space<vmem>> -> memref<80x128xf32, #tpu.memory_space<vmem>>
      tpu.enqueue_dma source(%dma_start3A_141 : memref<80x128xf32, #tpu.memory_space<vmem>>) target(%dma_start3A_137 : memref<80x128xf32, #tpu.memory_space<vmem_shared>>) target_semaphore(%run_scoped3A_129 : memref<!tpu.dma_semaphore, #tpu.memory_space<semaphore_mem>>)
      %dma_wait3A_142 = arith.constant 0 : i32
      %dma_wait3A_143 = arith.constant 0 : i32
      %dma_wait3A_144 = tpu.memref_slice %arg6[%run_scoped3A_18, %dma_wait3A_142, %dma_wait3A_143] : memref<3x80x128xf32, #tpu.memory_space<vmem>> -> memref<1x80x128xf32, #tpu.memory_space<vmem>>
      %dma_wait3A_145 = tpu.memref_squeeze %dma_wait3A_144 : memref<1x80x128xf32, #tpu.memory_space<vmem>> -> memref<80x128xf32, #tpu.memory_space<vmem>>
      %dma_wait3A_146 = arith.constant 0 : i32
      %dma_wait3A_147 = tpu.memref_slice %arg7[%add3A_17, %dma_wait3A_146] : memref<10240x128xf32, #tpu.memory_space<vmem_shared>> -> memref<80x128xf32, #tpu.memory_space<vmem_shared>>
      %dma_wait3A_148 = arith.constant 0 : i32
      %dma_wait3A_149 = tpu.memref_slice %arg7[%add3A_17, %dma_wait3A_148] : memref<10240x128xf32, #tpu.memory_space<vmem_shared>> -> memref<80x128xf32, #tpu.memory_space<vmem_shared>>
      %dma_wait3A_150 = arith.constant 0 : i32
      %dma_wait3A_151 = arith.constant 0 : i32
      %dma_wait3A_152 = tpu.memref_slice %arg6[%run_scoped3A_18, %dma_wait3A_150, %dma_wait3A_151] : memref<3x80x128xf32, #tpu.memory_space<vmem>> -> memref<1x80x128xf32, #tpu.memory_space<vmem>>
      %dma_wait3A_153 = tpu.memref_squeeze %dma_wait3A_152 : memref<1x80x128xf32, #tpu.memory_space<vmem>> -> memref<80x128xf32, #tpu.memory_space<vmem>>
      tpu.wait_dma2 semaphore(%run_scoped3A_129 : memref<!tpu.dma_semaphore, #tpu.memory_space<semaphore_mem>>) src(%dma_wait3A_153 : memref<80x128xf32, #tpu.memory_space<vmem>>) dst(%dma_wait3A_149 : memref<80x128xf32, #tpu.memory_space<vmem_shared>>)
      tpu.yield
    }) : () -> ()
    %add3A_19 = arith.constant 320 : i32
    %add3A_20 = arith.addi %mul3A_4, %add3A_19 : i32
    %run_scoped3A_21 = arith.constant 0 : i32
    "tpu.region"() ({
      %run_scoped3A_129 = tpu.sem_alloc : memref<!tpu.dma_semaphore, #tpu.memory_space<semaphore_mem>>
      %dma_start3A_130 = arith.constant 0 : i32
      %dma_start3A_131 = arith.constant 0 : i32
      %dma_start3A_132 = tpu.memref_slice %arg6[%run_scoped3A_21, %dma_start3A_130, %dma_start3A_131] : memref<3x80x128xf32, #tpu.memory_space<vmem>> -> memref<1x80x128xf32, #tpu.memory_space<vmem>>
      %dma_start3A_133 = tpu.memref_squeeze %dma_start3A_132 : memref<1x80x128xf32, #tpu.memory_space<vmem>> -> memref<80x128xf32, #tpu.memory_space<vmem>>
      %dma_start3A_134 = arith.constant 0 : i32
      %dma_start3A_135 = tpu.memref_slice %arg7[%add3A_20, %dma_start3A_134] : memref<10240x128xf32, #tpu.memory_space<vmem_shared>> -> memref<80x128xf32, #tpu.memory_space<vmem_shared>>
      %dma_start3A_136 = arith.constant 0 : i32
      %dma_start3A_137 = tpu.memref_slice %arg7[%add3A_20, %dma_start3A_136] : memref<10240x128xf32, #tpu.memory_space<vmem_shared>> -> memref<80x128xf32, #tpu.memory_space<vmem_shared>>
      %dma_start3A_138 = arith.constant 0 : i32
      %dma_start3A_139 = arith.constant 0 : i32
      %dma_start3A_140 = tpu.memref_slice %arg6[%run_scoped3A_21, %dma_start3A_138, %dma_start3A_139] : memref<3x80x128xf32, #tpu.memory_space<vmem>> -> memref<1x80x128xf32, #tpu.memory_space<vmem>>
      %dma_start3A_141 = tpu.memref_squeeze %dma_start3A_140 : memref<1x80x128xf32, #tpu.memory_space<vmem>> -> memref<80x128xf32, #tpu.memory_space<vmem>>
      tpu.enqueue_dma source(%dma_start3A_141 : memref<80x128xf32, #tpu.memory_space<vmem>>) target(%dma_start3A_137 : memref<80x128xf32, #tpu.memory_space<vmem_shared>>) target_semaphore(%run_scoped3A_129 : memref<!tpu.dma_semaphore, #tpu.memory_space<semaphore_mem>>)
      %dma_wait3A_142 = arith.constant 0 : i32
      %dma_wait3A_143 = arith.constant 0 : i32
      %dma_wait3A_144 = tpu.memref_slice %arg6[%run_scoped3A_21, %dma_wait3A_142, %dma_wait3A_143] : memref<3x80x128xf32, #tpu.memory_space<vmem>> -> memref<1x80x128xf32, #tpu.memory_space<vmem>>
      %dma_wait3A_145 = tpu.memref_squeeze %dma_wait3A_144 : memref<1x80x128xf32, #tpu.memory_space<vmem>> -> memref<80x128xf32, #tpu.memory_space<vmem>>
      %dma_wait3A_146 = arith.constant 0 : i32
      %dma_wait3A_147 = tpu.memref_slice %arg7[%add3A_20, %dma_wait3A_146] : memref<10240x128xf32, #tpu.memory_space<vmem_shared>> -> memref<80x128xf32, #tpu.memory_space<vmem_shared>>
      %dma_wait3A_148 = arith.constant 0 : i32
      %dma_wait3A_149 = tpu.memref_slice %arg7[%add3A_20, %dma_wait3A_148] : memref<10240x128xf32, #tpu.memory_space<vmem_shared>> -> memref<80x128xf32, #tpu.memory_space<vmem_shared>>
      %dma_wait3A_150 = arith.constant 0 : i32
      %dma_wait3A_151 = arith.constant 0 : i32
      %dma_wait3A_152 = tpu.memref_slice %arg6[%run_scoped3A_21, %dma_wait3A_150, %dma_wait3A_151] : memref<3x80x128xf32, #tpu.memory_space<vmem>> -> memref<1x80x128xf32, #tpu.memory_space<vmem>>
      %dma_wait3A_153 = tpu.memref_squeeze %dma_wait3A_152 : memref<1x80x128xf32, #tpu.memory_space<vmem>> -> memref<80x128xf32, #tpu.memory_space<vmem>>
      tpu.wait_dma2 semaphore(%run_scoped3A_129 : memref<!tpu.dma_semaphore, #tpu.memory_space<semaphore_mem>>) src(%dma_wait3A_153 : memref<80x128xf32, #tpu.memory_space<vmem>>) dst(%dma_wait3A_149 : memref<80x128xf32, #tpu.memory_space<vmem_shared>>)
      tpu.yield
    }) : () -> ()
    %add3A_22 = arith.constant 400 : i32
    %add3A_23 = arith.addi %mul3A_4, %add3A_22 : i32
    %run_scoped3A_24 = arith.constant 0 : i32
    "tpu.region"() ({
      %run_scoped3A_129 = tpu.sem_alloc : memref<!tpu.dma_semaphore, #tpu.memory_space<semaphore_mem>>
      %dma_start3A_130 = arith.constant 0 : i32
      %dma_start3A_131 = arith.constant 0 : i32
      %dma_start3A_132 = tpu.memref_slice %arg6[%run_scoped3A_24, %dma_start3A_130, %dma_start3A_131] : memref<3x80x128xf32, #tpu.memory_space<vmem>> -> memref<1x80x128xf32, #tpu.memory_space<vmem>>
      %dma_start3A_133 = tpu.memref_squeeze %dma_start3A_132 : memref<1x80x128xf32, #tpu.memory_space<vmem>> -> memref<80x128xf32, #tpu.memory_space<vmem>>
      %dma_start3A_134 = arith.constant 0 : i32
      %dma_start3A_135 = tpu.memref_slice %arg7[%add3A_23, %dma_start3A_134] : memref<10240x128xf32, #tpu.memory_space<vmem_shared>> -> memref<80x128xf32, #tpu.memory_space<vmem_shared>>
      %dma_start3A_136 = arith.constant 0 : i32
      %dma_start3A_137 = tpu.memref_slice %arg7[%add3A_23, %dma_start3A_136] : memref<10240x128xf32, #tpu.memory_space<vmem_shared>> -> memref<80x128xf32, #tpu.memory_space<vmem_shared>>
      %dma_start3A_138 = arith.constant 0 : i32
      %dma_start3A_139 = arith.constant 0 : i32
      %dma_start3A_140 = tpu.memref_slice %arg6[%run_scoped3A_24, %dma_start3A_138, %dma_start3A_139] : memref<3x80x128xf32, #tpu.memory_space<vmem>> -> memref<1x80x128xf32, #tpu.memory_space<vmem>>
      %dma_start3A_141 = tpu.memref_squeeze %dma_start3A_140 : memref<1x80x128xf32, #tpu.memory_space<vmem>> -> memref<80x128xf32, #tpu.memory_space<vmem>>
      tpu.enqueue_dma source(%dma_start3A_141 : memref<80x128xf32, #tpu.memory_space<vmem>>) target(%dma_start3A_137 : memref<80x128xf32, #tpu.memory_space<vmem_shared>>) target_semaphore(%run_scoped3A_129 : memref<!tpu.dma_semaphore, #tpu.memory_space<semaphore_mem>>)
      %dma_wait3A_142 = arith.constant 0 : i32
      %dma_wait3A_143 = arith.constant 0 : i32
      %dma_wait3A_144 = tpu.memref_slice %arg6[%run_scoped3A_24, %dma_wait3A_142, %dma_wait3A_143] : memref<3x80x128xf32, #tpu.memory_space<vmem>> -> memref<1x80x128xf32, #tpu.memory_space<vmem>>
      %dma_wait3A_145 = tpu.memref_squeeze %dma_wait3A_144 : memref<1x80x128xf32, #tpu.memory_space<vmem>> -> memref<80x128xf32, #tpu.memory_space<vmem>>
      %dma_wait3A_146 = arith.constant 0 : i32
      %dma_wait3A_147 = tpu.memref_slice %arg7[%add3A_23, %dma_wait3A_146] : memref<10240x128xf32, #tpu.memory_space<vmem_shared>> -> memref<80x128xf32, #tpu.memory_space<vmem_shared>>
      %dma_wait3A_148 = arith.constant 0 : i32
      %dma_wait3A_149 = tpu.memref_slice %arg7[%add3A_23, %dma_wait3A_148] : memref<10240x128xf32, #tpu.memory_space<vmem_shared>> -> memref<80x128xf32, #tpu.memory_space<vmem_shared>>
      %dma_wait3A_150 = arith.constant 0 : i32
      %dma_wait3A_151 = arith.constant 0 : i32
      %dma_wait3A_152 = tpu.memref_slice %arg6[%run_scoped3A_24, %dma_wait3A_150, %dma_wait3A_151] : memref<3x80x128xf32, #tpu.memory_space<vmem>> -> memref<1x80x128xf32, #tpu.memory_space<vmem>>
      %dma_wait3A_153 = tpu.memref_squeeze %dma_wait3A_152 : memref<1x80x128xf32, #tpu.memory_space<vmem>> -> memref<80x128xf32, #tpu.memory_space<vmem>>
      tpu.wait_dma2 semaphore(%run_scoped3A_129 : memref<!tpu.dma_semaphore, #tpu.memory_space<semaphore_mem>>) src(%dma_wait3A_153 : memref<80x128xf32, #tpu.memory_space<vmem>>) dst(%dma_wait3A_149 : memref<80x128xf32, #tpu.memory_space<vmem_shared>>)
      tpu.yield
    }) : () -> ()
    %add3A_25 = arith.constant 480 : i32
    %add3A_26 = arith.addi %mul3A_4, %add3A_25 : i32
    %run_scoped3A_27 = arith.constant 0 : i32
    "tpu.region"() ({
      %run_scoped3A_129 = tpu.sem_alloc : memref<!tpu.dma_semaphore, #tpu.memory_space<semaphore_mem>>
      %dma_start3A_130 = arith.constant 0 : i32
      %dma_start3A_131 = arith.constant 0 : i32
      %dma_start3A_132 = tpu.memref_slice %arg6[%run_scoped3A_27, %dma_start3A_130, %dma_start3A_131] : memref<3x80x128xf32, #tpu.memory_space<vmem>> -> memref<1x80x128xf32, #tpu.memory_space<vmem>>
      %dma_start3A_133 = tpu.memref_squeeze %dma_start3A_132 : memref<1x80x128xf32, #tpu.memory_space<vmem>> -> memref<80x128xf32, #tpu.memory_space<vmem>>
      %dma_start3A_134 = arith.constant 0 : i32
      %dma_start3A_135 = tpu.memref_slice %arg7[%add3A_26, %dma_start3A_134] : memref<10240x128xf32, #tpu.memory_space<vmem_shared>> -> memref<80x128xf32, #tpu.memory_space<vmem_shared>>
      %dma_start3A_136 = arith.constant 0 : i32
      %dma_start3A_137 = tpu.memref_slice %arg7[%add3A_26, %dma_start3A_136] : memref<10240x128xf32, #tpu.memory_space<vmem_shared>> -> memref<80x128xf32, #tpu.memory_space<vmem_shared>>
      %dma_start3A_138 = arith.constant 0 : i32
      %dma_start3A_139 = arith.constant 0 : i32
      %dma_start3A_140 = tpu.memref_slice %arg6[%run_scoped3A_27, %dma_start3A_138, %dma_start3A_139] : memref<3x80x128xf32, #tpu.memory_space<vmem>> -> memref<1x80x128xf32, #tpu.memory_space<vmem>>
      %dma_start3A_141 = tpu.memref_squeeze %dma_start3A_140 : memref<1x80x128xf32, #tpu.memory_space<vmem>> -> memref<80x128xf32, #tpu.memory_space<vmem>>
      tpu.enqueue_dma source(%dma_start3A_141 : memref<80x128xf32, #tpu.memory_space<vmem>>) target(%dma_start3A_137 : memref<80x128xf32, #tpu.memory_space<vmem_shared>>) target_semaphore(%run_scoped3A_129 : memref<!tpu.dma_semaphore, #tpu.memory_space<semaphore_mem>>)
      %dma_wait3A_142 = arith.constant 0 : i32
      %dma_wait3A_143 = arith.constant 0 : i32
      %dma_wait3A_144 = tpu.memref_slice %arg6[%run_scoped3A_27, %dma_wait3A_142, %dma_wait3A_143] : memref<3x80x128xf32, #tpu.memory_space<vmem>> -> memref<1x80x128xf32, #tpu.memory_space<vmem>>
      %dma_wait3A_145 = tpu.memref_squeeze %dma_wait3A_144 : memref<1x80x128xf32, #tpu.memory_space<vmem>> -> memref<80x128xf32, #tpu.memory_space<vmem>>
      %dma_wait3A_146 = arith.constant 0 : i32
      %dma_wait3A_147 = tpu.memref_slice %arg7[%add3A_26, %dma_wait3A_146] : memref<10240x128xf32, #tpu.memory_space<vmem_shared>> -> memref<80x128xf32, #tpu.memory_space<vmem_shared>>
      %dma_wait3A_148 = arith.constant 0 : i32
      %dma_wait3A_149 = tpu.memref_slice %arg7[%add3A_26, %dma_wait3A_148] : memref<10240x128xf32, #tpu.memory_space<vmem_shared>> -> memref<80x128xf32, #tpu.memory_space<vmem_shared>>
      %dma_wait3A_150 = arith.constant 0 : i32
      %dma_wait3A_151 = arith.constant 0 : i32
      %dma_wait3A_152 = tpu.memref_slice %arg6[%run_scoped3A_27, %dma_wait3A_150, %dma_wait3A_151] : memref<3x80x128xf32, #tpu.memory_space<vmem>> -> memref<1x80x128xf32, #tpu.memory_space<vmem>>
      %dma_wait3A_153 = tpu.memref_squeeze %dma_wait3A_152 : memref<1x80x128xf32, #tpu.memory_space<vmem>> -> memref<80x128xf32, #tpu.memory_space<vmem>>
      tpu.wait_dma2 semaphore(%run_scoped3A_129 : memref<!tpu.dma_semaphore, #tpu.memory_space<semaphore_mem>>) src(%dma_wait3A_153 : memref<80x128xf32, #tpu.memory_space<vmem>>) dst(%dma_wait3A_149 : memref<80x128xf32, #tpu.memory_space<vmem_shared>>)
      tpu.yield
    }) : () -> ()
    %add3A_28 = arith.constant 560 : i32
    %add3A_29 = arith.addi %mul3A_4, %add3A_28 : i32
    %run_scoped3A_30 = arith.constant 0 : i32
    "tpu.region"() ({
      %run_scoped3A_129 = tpu.sem_alloc : memref<!tpu.dma_semaphore, #tpu.memory_space<semaphore_mem>>
      %dma_start3A_130 = arith.constant 0 : i32
      %dma_start3A_131 = arith.constant 0 : i32
      %dma_start3A_132 = tpu.memref_slice %arg6[%run_scoped3A_30, %dma_start3A_130, %dma_start3A_131] : memref<3x80x128xf32, #tpu.memory_space<vmem>> -> memref<1x80x128xf32, #tpu.memory_space<vmem>>
      %dma_start3A_133 = tpu.memref_squeeze %dma_start3A_132 : memref<1x80x128xf32, #tpu.memory_space<vmem>> -> memref<80x128xf32, #tpu.memory_space<vmem>>
      %dma_start3A_134 = arith.constant 0 : i32
      %dma_start3A_135 = tpu.memref_slice %arg7[%add3A_29, %dma_start3A_134] : memref<10240x128xf32, #tpu.memory_space<vmem_shared>> -> memref<80x128xf32, #tpu.memory_space<vmem_shared>>
      %dma_start3A_136 = arith.constant 0 : i32
      %dma_start3A_137 = tpu.memref_slice %arg7[%add3A_29, %dma_start3A_136] : memref<10240x128xf32, #tpu.memory_space<vmem_shared>> -> memref<80x128xf32, #tpu.memory_space<vmem_shared>>
      %dma_start3A_138 = arith.constant 0 : i32
      %dma_start3A_139 = arith.constant 0 : i32
      %dma_start3A_140 = tpu.memref_slice %arg6[%run_scoped3A_30, %dma_start3A_138, %dma_start3A_139] : memref<3x80x128xf32, #tpu.memory_space<vmem>> -> memref<1x80x128xf32, #tpu.memory_space<vmem>>
      %dma_start3A_141 = tpu.memref_squeeze %dma_start3A_140 : memref<1x80x128xf32, #tpu.memory_space<vmem>> -> memref<80x128xf32, #tpu.memory_space<vmem>>
      tpu.enqueue_dma source(%dma_start3A_141 : memref<80x128xf32, #tpu.memory_space<vmem>>) target(%dma_start3A_137 : memref<80x128xf32, #tpu.memory_space<vmem_shared>>) target_semaphore(%run_scoped3A_129 : memref<!tpu.dma_semaphore, #tpu.memory_space<semaphore_mem>>)
      %dma_wait3A_142 = arith.constant 0 : i32
      %dma_wait3A_143 = arith.constant 0 : i32
      %dma_wait3A_144 = tpu.memref_slice %arg6[%run_scoped3A_30, %dma_wait3A_142, %dma_wait3A_143] : memref<3x80x128xf32, #tpu.memory_space<vmem>> -> memref<1x80x128xf32, #tpu.memory_space<vmem>>
      %dma_wait3A_145 = tpu.memref_squeeze %dma_wait3A_144 : memref<1x80x128xf32, #tpu.memory_space<vmem>> -> memref<80x128xf32, #tpu.memory_space<vmem>>
      %dma_wait3A_146 = arith.constant 0 : i32
      %dma_wait3A_147 = tpu.memref_slice %arg7[%add3A_29, %dma_wait3A_146] : memref<10240x128xf32, #tpu.memory_space<vmem_shared>> -> memref<80x128xf32, #tpu.memory_space<vmem_shared>>
      %dma_wait3A_148 = arith.constant 0 : i32
      %dma_wait3A_149 = tpu.memref_slice %arg7[%add3A_29, %dma_wait3A_148] : memref<10240x128xf32, #tpu.memory_space<vmem_shared>> -> memref<80x128xf32, #tpu.memory_space<vmem_shared>>
      %dma_wait3A_150 = arith.constant 0 : i32
      %dma_wait3A_151 = arith.constant 0 : i32
      %dma_wait3A_152 = tpu.memref_slice %arg6[%run_scoped3A_30, %dma_wait3A_150, %dma_wait3A_151] : memref<3x80x128xf32, #tpu.memory_space<vmem>> -> memref<1x80x128xf32, #tpu.memory_space<vmem>>
      %dma_wait3A_153 = tpu.memref_squeeze %dma_wait3A_152 : memref<1x80x128xf32, #tpu.memory_space<vmem>> -> memref<80x128xf32, #tpu.memory_space<vmem>>
      tpu.wait_dma2 semaphore(%run_scoped3A_129 : memref<!tpu.dma_semaphore, #tpu.memory_space<semaphore_mem>>) src(%dma_wait3A_153 : memref<80x128xf32, #tpu.memory_space<vmem>>) dst(%dma_wait3A_149 : memref<80x128xf32, #tpu.memory_space<vmem_shared>>)
      tpu.yield
    }) : () -> ()
    %barrier3A = arith.constant 0 : index
    tpu.barrier barrier_id(%barrier3A)
    %add3A_31 = arith.constant 0 : i32
    %add3A_32 = arith.addi %mul3A_2, %add3A_31 : i32
    %dma_start3A = arith.constant 0 : i32
    %dma_start3A_33 = arith.constant 0 : i32
    %dma_start3A_34 = arith.constant 0 : i32
    %dma_start3A_35 = arith.constant 0 : i32
    %dma_start3A_36 = tpu.memref_slice %arg6[%dma_start3A, %dma_start3A_34, %dma_start3A_35] : memref<3x80x128xf32, #tpu.memory_space<vmem>> -> memref<1x80x128xf32, #tpu.memory_space<vmem>>
    %dma_start3A_37 = tpu.memref_squeeze %dma_start3A_36 : memref<1x80x128xf32, #tpu.memory_space<vmem>> -> memref<80x128xf32, #tpu.memory_space<vmem>>
    %dma_start3A_38 = arith.constant 0 : i32
    %dma_start3A_39 = tpu.memref_slice %arg2[%add3A_32, %dma_start3A_38] : memref<320000x128xf32, #tpu.memory_space<hbm>> -> memref<80x128xf32, #tpu.memory_space<hbm>>
    %dma_start3A_40 = tpu.memref_slice %arg8[%dma_start3A_33] : memref<3x!tpu.dma_semaphore, #tpu.memory_space<semaphore_mem>> -> memref<1x!tpu.dma_semaphore, #tpu.memory_space<semaphore_mem>>
    %dma_start3A_41 = tpu.memref_squeeze %dma_start3A_40 : memref<1x!tpu.dma_semaphore, #tpu.memory_space<semaphore_mem>> -> memref<!tpu.dma_semaphore, #tpu.memory_space<semaphore_mem>>
    %dma_start3A_42 = arith.constant 0 : i32
    %dma_start3A_43 = arith.constant 0 : i32
    %dma_start3A_44 = tpu.memref_slice %arg6[%dma_start3A, %dma_start3A_42, %dma_start3A_43] : memref<3x80x128xf32, #tpu.memory_space<vmem>> -> memref<1x80x128xf32, #tpu.memory_space<vmem>>
    %dma_start3A_45 = tpu.memref_squeeze %dma_start3A_44 : memref<1x80x128xf32, #tpu.memory_space<vmem>> -> memref<80x128xf32, #tpu.memory_space<vmem>>
    %dma_start3A_46 = arith.constant 0 : i32
    %dma_start3A_47 = tpu.memref_slice %arg2[%add3A_32, %dma_start3A_46] : memref<320000x128xf32, #tpu.memory_space<hbm>> -> memref<80x128xf32, #tpu.memory_space<hbm>>
    tpu.enqueue_dma source(%dma_start3A_47 : memref<80x128xf32, #tpu.memory_space<hbm>>) target(%dma_start3A_45 : memref<80x128xf32, #tpu.memory_space<vmem>>) target_semaphore(%dma_start3A_41 : memref<!tpu.dma_semaphore, #tpu.memory_space<semaphore_mem>>)
    %add3A_48 = arith.constant 80 : i32
    %add3A_49 = arith.addi %mul3A_2, %add3A_48 : i32
    %dma_start3A_50 = arith.constant 1 : i32
    %dma_start3A_51 = arith.constant 1 : i32
    %dma_start3A_52 = arith.constant 0 : i32
    %dma_start3A_53 = arith.constant 0 : i32
    %dma_start3A_54 = tpu.memref_slice %arg6[%dma_start3A_50, %dma_start3A_52, %dma_start3A_53] : memref<3x80x128xf32, #tpu.memory_space<vmem>> -> memref<1x80x128xf32, #tpu.memory_space<vmem>>
    %dma_start3A_55 = tpu.memref_squeeze %dma_start3A_54 : memref<1x80x128xf32, #tpu.memory_space<vmem>> -> memref<80x128xf32, #tpu.memory_space<vmem>>
    %dma_start3A_56 = arith.constant 0 : i32
    %dma_start3A_57 = tpu.memref_slice %arg2[%add3A_49, %dma_start3A_56] : memref<320000x128xf32, #tpu.memory_space<hbm>> -> memref<80x128xf32, #tpu.memory_space<hbm>>
    %dma_start3A_58 = tpu.memref_slice %arg8[%dma_start3A_51] : memref<3x!tpu.dma_semaphore, #tpu.memory_space<semaphore_mem>> -> memref<1x!tpu.dma_semaphore, #tpu.memory_space<semaphore_mem>>
    %dma_start3A_59 = tpu.memref_squeeze %dma_start3A_58 : memref<1x!tpu.dma_semaphore, #tpu.memory_space<semaphore_mem>> -> memref<!tpu.dma_semaphore, #tpu.memory_space<semaphore_mem>>
    %dma_start3A_60 = arith.constant 0 : i32
    %dma_start3A_61 = arith.constant 0 : i32
    %dma_start3A_62 = tpu.memref_slice %arg6[%dma_start3A_50, %dma_start3A_60, %dma_start3A_61] : memref<3x80x128xf32, #tpu.memory_space<vmem>> -> memref<1x80x128xf32, #tpu.memory_space<vmem>>
    %dma_start3A_63 = tpu.memref_squeeze %dma_start3A_62 : memref<1x80x128xf32, #tpu.memory_space<vmem>> -> memref<80x128xf32, #tpu.memory_space<vmem>>
    %dma_start3A_64 = arith.constant 0 : i32
    %dma_start3A_65 = tpu.memref_slice %arg2[%add3A_49, %dma_start3A_64] : memref<320000x128xf32, #tpu.memory_space<hbm>> -> memref<80x128xf32, #tpu.memory_space<hbm>>
    tpu.enqueue_dma source(%dma_start3A_65 : memref<80x128xf32, #tpu.memory_space<hbm>>) target(%dma_start3A_63 : memref<80x128xf32, #tpu.memory_space<vmem>>) target_semaphore(%dma_start3A_59 : memref<!tpu.dma_semaphore, #tpu.memory_space<semaphore_mem>>)
    %add3A_66 = arith.constant 160 : i32
    %add3A_67 = arith.addi %mul3A_2, %add3A_66 : i32
    %dma_start3A_68 = arith.constant 2 : i32
    %dma_start3A_69 = arith.constant 2 : i32
    %dma_start3A_70 = arith.constant 0 : i32
    %dma_start3A_71 = arith.constant 0 : i32
    %dma_start3A_72 = tpu.memref_slice %arg6[%dma_start3A_68, %dma_start3A_70, %dma_start3A_71] : memref<3x80x128xf32, #tpu.memory_space<vmem>> -> memref<1x80x128xf32, #tpu.memory_space<vmem>>
    %dma_start3A_73 = tpu.memref_squeeze %dma_start3A_72 : memref<1x80x128xf32, #tpu.memory_space<vmem>> -> memref<80x128xf32, #tpu.memory_space<vmem>>
    %dma_start3A_74 = arith.constant 0 : i32
    %dma_start3A_75 = tpu.memref_slice %arg2[%add3A_67, %dma_start3A_74] : memref<320000x128xf32, #tpu.memory_space<hbm>> -> memref<80x128xf32, #tpu.memory_space<hbm>>
    %dma_start3A_76 = tpu.memref_slice %arg8[%dma_start3A_69] : memref<3x!tpu.dma_semaphore, #tpu.memory_space<semaphore_mem>> -> memref<1x!tpu.dma_semaphore, #tpu.memory_space<semaphore_mem>>
    %dma_start3A_77 = tpu.memref_squeeze %dma_start3A_76 : memref<1x!tpu.dma_semaphore, #tpu.memory_space<semaphore_mem>> -> memref<!tpu.dma_semaphore, #tpu.memory_space<semaphore_mem>>
    %dma_start3A_78 = arith.constant 0 : i32
    %dma_start3A_79 = arith.constant 0 : i32
    %dma_start3A_80 = tpu.memref_slice %arg6[%dma_start3A_68, %dma_start3A_78, %dma_start3A_79] : memref<3x80x128xf32, #tpu.memory_space<vmem>> -> memref<1x80x128xf32, #tpu.memory_space<vmem>>
    %dma_start3A_81 = tpu.memref_squeeze %dma_start3A_80 : memref<1x80x128xf32, #tpu.memory_space<vmem>> -> memref<80x128xf32, #tpu.memory_space<vmem>>
    %dma_start3A_82 = arith.constant 0 : i32
    %dma_start3A_83 = tpu.memref_slice %arg2[%add3A_67, %dma_start3A_82] : memref<320000x128xf32, #tpu.memory_space<hbm>> -> memref<80x128xf32, #tpu.memory_space<hbm>>
    tpu.enqueue_dma source(%dma_start3A_83 : memref<80x128xf32, #tpu.memory_space<hbm>>) target(%dma_start3A_81 : memref<80x128xf32, #tpu.memory_space<vmem>>) target_semaphore(%dma_start3A_77 : memref<!tpu.dma_semaphore, #tpu.memory_space<semaphore_mem>>)
    %scan3A = arith.constant 0 : i32
    %scan3A_84 = arith.constant 0 : i32
    %scan3A_85 = arith.constant 41 : i32
    %scan3A_86 = arith.addi %scan3A_84, %scan3A_85 : i32
    %scan3A_87 = arith.constant 1 : i32
    scf.for %scan3A_129 = %scan3A_84 to %scan3A_86 step %scan3A_87  : i32 {
      %mul3A_130 = arith.constant 3 : i32
      %mul3A_131 = arith.muli %mul3A_130, %scan3A_129 : i32
      %add3A_132 = arith.constant 0 : i32
      %add3A_133 = arith.addi %mul3A_131, %add3A_132 : i32
      %mul3A_134 = arith.constant 80 : i32
      %mul3A_135 = arith.muli %add3A_133, %mul3A_134 : i32
      %add3A_136 = arith.addi %mul3A_2, %mul3A_135 : i32
      %dma_wait3A_137 = arith.constant 0 : i32
      %dma_wait3A_138 = arith.constant 0 : i32
      %dma_wait3A_139 = arith.constant 0 : i32
      %dma_wait3A_140 = arith.constant 0 : i32
      %dma_wait3A_141 = tpu.memref_slice %arg6[%dma_wait3A_137, %dma_wait3A_139, %dma_wait3A_140] : memref<3x80x128xf32, #tpu.memory_space<vmem>> -> memref<1x80x128xf32, #tpu.memory_space<vmem>>
      %dma_wait3A_142 = tpu.memref_squeeze %dma_wait3A_141 : memref<1x80x128xf32, #tpu.memory_space<vmem>> -> memref<80x128xf32, #tpu.memory_space<vmem>>
      %dma_wait3A_143 = arith.constant 0 : i32
      %dma_wait3A_144 = tpu.memref_slice %arg2[%add3A_136, %dma_wait3A_143] : memref<320000x128xf32, #tpu.memory_space<hbm>> -> memref<80x128xf32, #tpu.memory_space<hbm>>
      %dma_wait3A_145 = tpu.memref_slice %arg8[%dma_wait3A_138] : memref<3x!tpu.dma_semaphore, #tpu.memory_space<semaphore_mem>> -> memref<1x!tpu.dma_semaphore, #tpu.memory_space<semaphore_mem>>
      %dma_wait3A_146 = tpu.memref_squeeze %dma_wait3A_145 : memref<1x!tpu.dma_semaphore, #tpu.memory_space<semaphore_mem>> -> memref<!tpu.dma_semaphore, #tpu.memory_space<semaphore_mem>>
      %dma_wait3A_147 = arith.constant 0 : i32
      %dma_wait3A_148 = arith.constant 0 : i32
      %dma_wait3A_149 = tpu.memref_slice %arg6[%dma_wait3A_137, %dma_wait3A_147, %dma_wait3A_148] : memref<3x80x128xf32, #tpu.memory_space<vmem>> -> memref<1x80x128xf32, #tpu.memory_space<vmem>>
      %dma_wait3A_150 = tpu.memref_squeeze %dma_wait3A_149 : memref<1x80x128xf32, #tpu.memory_space<vmem>> -> memref<80x128xf32, #tpu.memory_space<vmem>>
      %dma_wait3A_151 = arith.constant 0 : i32
      %dma_wait3A_152 = tpu.memref_slice %arg2[%add3A_136, %dma_wait3A_151] : memref<320000x128xf32, #tpu.memory_space<hbm>> -> memref<80x128xf32, #tpu.memory_space<hbm>>
      tpu.wait_dma2 semaphore(%dma_wait3A_146 : memref<!tpu.dma_semaphore, #tpu.memory_space<semaphore_mem>>) src(%dma_wait3A_152 : memref<80x128xf32, #tpu.memory_space<hbm>>) dst(%dma_wait3A_150 : memref<80x128xf32, #tpu.memory_space<vmem>>)
      %run_scoped3A_153 = arith.constant 0 : i32
      "tpu.region"() ({
        %run_scoped3A_214 = tpu.sem_alloc : memref<!tpu.dma_semaphore, #tpu.memory_space<semaphore_mem>>
        %dma_start3A_215 = arith.constant 0 : i32
        %dma_start3A_216 = arith.constant 0 : i32
        %dma_start3A_217 = tpu.memref_slice %arg6[%run_scoped3A_153, %dma_start3A_215, %dma_start3A_216] : memref<3x80x128xf32, #tpu.memory_space<vmem>> -> memref<1x80x128xf32, #tpu.memory_space<vmem>>
        %dma_start3A_218 = tpu.memref_squeeze %dma_start3A_217 : memref<1x80x128xf32, #tpu.memory_space<vmem>> -> memref<80x128xf32, #tpu.memory_space<vmem>>
        %dma_start3A_219 = arith.constant 0 : i32
        %dma_start3A_220 = tpu.memref_slice %arg5[%add3A_133, %dma_start3A_219] : memref<125x80xi32, #tpu.memory_space<vmem>> -> memref<1x80xi32, #tpu.memory_space<vmem>>
        %dma_start3A_221 = tpu.memref_squeeze %dma_start3A_220 : memref<1x80xi32, #tpu.memory_space<vmem>> -> memref<80xi32, #tpu.memory_space<vmem>>
        %dma_start3A_222 = arith.constant 0 : i32
        %dma_start3A_223 = arith.constant 0 : i32
        %dma_start3A_224 = tpu.memref_slice %arg7[%dma_start3A_222, %dma_start3A_223] : memref<10240x128xf32, #tpu.memory_space<vmem_shared>> -> memref<10240x128xf32, #tpu.memory_space<vmem_shared>>
        tpu.enqueue_indirect_dma source(%dma_start3A_218 : memref<80x128xf32, #tpu.memory_space<vmem>>) target(%dma_start3A_224 : memref<10240x128xf32, #tpu.memory_space<vmem_shared>>) offsets(%dma_start3A_221 : memref<80xi32, #tpu.memory_space<vmem>>) semaphore(%run_scoped3A_214 : memref<!tpu.dma_semaphore, #tpu.memory_space<semaphore_mem>>) {add = true}
        %dma_wait3A_225 = arith.constant 0 : i32
        %dma_wait3A_226 = arith.constant 0 : i32
        %dma_wait3A_227 = tpu.memref_slice %arg6[%run_scoped3A_153, %dma_wait3A_225, %dma_wait3A_226] : memref<3x80x128xf32, #tpu.memory_space<vmem>> -> memref<1x80x128xf32, #tpu.memory_space<vmem>>
        %dma_wait3A_228 = tpu.memref_squeeze %dma_wait3A_227 : memref<1x80x128xf32, #tpu.memory_space<vmem>> -> memref<80x128xf32, #tpu.memory_space<vmem>>
        %dma_wait3A_229 = arith.constant 0 : i32
        %dma_wait3A_230 = tpu.memref_slice %arg5[%add3A_133, %dma_wait3A_229] : memref<125x80xi32, #tpu.memory_space<vmem>> -> memref<1x80xi32, #tpu.memory_space<vmem>>
        %dma_wait3A_231 = tpu.memref_squeeze %dma_wait3A_230 : memref<1x80xi32, #tpu.memory_space<vmem>> -> memref<80xi32, #tpu.memory_space<vmem>>
        %dma_wait3A_232 = arith.constant 0 : i32
        %dma_wait3A_233 = arith.constant 0 : i32
        %dma_wait3A_234 = tpu.memref_slice %arg7[%dma_wait3A_232, %dma_wait3A_233] : memref<10240x128xf32, #tpu.memory_space<vmem_shared>> -> memref<10240x128xf32, #tpu.memory_space<vmem_shared>>
        tpu.wait_indirect_dma semaphore(%run_scoped3A_214 : memref<!tpu.dma_semaphore, #tpu.memory_space<semaphore_mem>>) src(%dma_wait3A_228 : memref<80x128xf32, #tpu.memory_space<vmem>>) dst(%dma_wait3A_234 : memref<10240x128xf32, #tpu.memory_space<vmem_shared>>)
        tpu.yield
      }) : () -> ()
      %lt3A = arith.constant 122 : i32
      %lt3A_154 = arith.cmpi slt, %add3A_133, %lt3A : i32
      %convert_element_type3A = arith.extui %lt3A_154 : i1 to i32
      %cond3A = arith.constant 0 : i32
      %cond3A_155 = arith.cmpi ne, %convert_element_type3A, %cond3A : i32
      scf.if %cond3A_155 {
        %add3A_214 = arith.constant 3 : i32
        %add3A_215 = arith.addi %add3A_133, %add3A_214 : i32
        %mul3A_216 = arith.constant 80 : i32
        %mul3A_217 = arith.muli %add3A_215, %mul3A_216 : i32
        %add3A_218 = arith.addi %mul3A_2, %mul3A_217 : i32
        %dma_start3A_219 = arith.constant 0 : i32
        %dma_start3A_220 = arith.constant 0 : i32
        %dma_start3A_221 = arith.constant 0 : i32
        %dma_start3A_222 = arith.constant 0 : i32
        %dma_start3A_223 = tpu.memref_slice %arg6[%dma_start3A_219, %dma_start3A_221, %dma_start3A_222] : memref<3x80x128xf32, #tpu.memory_space<vmem>> -> memref<1x80x128xf32, #tpu.memory_space<vmem>>
        %dma_start3A_224 = tpu.memref_squeeze %dma_start3A_223 : memref<1x80x128xf32, #tpu.memory_space<vmem>> -> memref<80x128xf32, #tpu.memory_space<vmem>>
        %dma_start3A_225 = arith.constant 0 : i32
        %dma_start3A_226 = tpu.memref_slice %arg2[%add3A_218, %dma_start3A_225] : memref<320000x128xf32, #tpu.memory_space<hbm>> -> memref<80x128xf32, #tpu.memory_space<hbm>>
        %dma_start3A_227 = tpu.memref_slice %arg8[%dma_start3A_220] : memref<3x!tpu.dma_semaphore, #tpu.memory_space<semaphore_mem>> -> memref<1x!tpu.dma_semaphore, #tpu.memory_space<semaphore_mem>>
        %dma_start3A_228 = tpu.memref_squeeze %dma_start3A_227 : memref<1x!tpu.dma_semaphore, #tpu.memory_space<semaphore_mem>> -> memref<!tpu.dma_semaphore, #tpu.memory_space<semaphore_mem>>
        %dma_start3A_229 = arith.constant 0 : i32
        %dma_start3A_230 = arith.constant 0 : i32
        %dma_start3A_231 = tpu.memref_slice %arg6[%dma_start3A_219, %dma_start3A_229, %dma_start3A_230] : memref<3x80x128xf32, #tpu.memory_space<vmem>> -> memref<1x80x128xf32, #tpu.memory_space<vmem>>
        %dma_start3A_232 = tpu.memref_squeeze %dma_start3A_231 : memref<1x80x128xf32, #tpu.memory_space<vmem>> -> memref<80x128xf32, #tpu.memory_space<vmem>>
        %dma_start3A_233 = arith.constant 0 : i32
        %dma_start3A_234 = tpu.memref_slice %arg2[%add3A_218, %dma_start3A_233] : memref<320000x128xf32, #tpu.memory_space<hbm>> -> memref<80x128xf32, #tpu.memory_space<hbm>>
        tpu.enqueue_dma source(%dma_start3A_234 : memref<80x128xf32, #tpu.memory_space<hbm>>) target(%dma_start3A_232 : memref<80x128xf32, #tpu.memory_space<vmem>>) target_semaphore(%dma_start3A_228 : memref<!tpu.dma_semaphore, #tpu.memory_space<semaphore_mem>>)
      } else {
      }
      %mul3A_156 = arith.constant 3 : i32
      %mul3A_157 = arith.muli %mul3A_156, %scan3A_129 : i32
      %add3A_158 = arith.constant 1 : i32
      %add3A_159 = arith.addi %mul3A_157, %add3A_158 : i32
      %mul3A_160 = arith.constant 80 : i32
      %mul3A_161 = arith.muli %add3A_159, %mul3A_160 : i32
      %add3A_162 = arith.addi %mul3A_2, %mul3A_161 : i32
      %dma_wait3A_163 = arith.constant 1 : i32
      %dma_wait3A_164 = arith.constant 1 : i32
      %dma_wait3A_165 = arith.constant 0 : i32
      %dma_wait3A_166 = arith.constant 0 : i32
      %dma_wait3A_167 = tpu.memref_slice %arg6[%dma_wait3A_163, %dma_wait3A_165, %dma_wait3A_166] : memref<3x80x128xf32, #tpu.memory_space<vmem>> -> memref<1x80x128xf32, #tpu.memory_space<vmem>>
      %dma_wait3A_168 = tpu.memref_squeeze %dma_wait3A_167 : memref<1x80x128xf32, #tpu.memory_space<vmem>> -> memref<80x128xf32, #tpu.memory_space<vmem>>
      %dma_wait3A_169 = arith.constant 0 : i32
      %dma_wait3A_170 = tpu.memref_slice %arg2[%add3A_162, %dma_wait3A_169] : memref<320000x128xf32, #tpu.memory_space<hbm>> -> memref<80x128xf32, #tpu.memory_space<hbm>>
      %dma_wait3A_171 = tpu.memref_slice %arg8[%dma_wait3A_164] : memref<3x!tpu.dma_semaphore, #tpu.memory_space<semaphore_mem>> -> memref<1x!tpu.dma_semaphore, #tpu.memory_space<semaphore_mem>>
      %dma_wait3A_172 = tpu.memref_squeeze %dma_wait3A_171 : memref<1x!tpu.dma_semaphore, #tpu.memory_space<semaphore_mem>> -> memref<!tpu.dma_semaphore, #tpu.memory_space<semaphore_mem>>
      %dma_wait3A_173 = arith.constant 0 : i32
      %dma_wait3A_174 = arith.constant 0 : i32
      %dma_wait3A_175 = tpu.memref_slice %arg6[%dma_wait3A_163, %dma_wait3A_173, %dma_wait3A_174] : memref<3x80x128xf32, #tpu.memory_space<vmem>> -> memref<1x80x128xf32, #tpu.memory_space<vmem>>
      %dma_wait3A_176 = tpu.memref_squeeze %dma_wait3A_175 : memref<1x80x128xf32, #tpu.memory_space<vmem>> -> memref<80x128xf32, #tpu.memory_space<vmem>>
      %dma_wait3A_177 = arith.constant 0 : i32
      %dma_wait3A_178 = tpu.memref_slice %arg2[%add3A_162, %dma_wait3A_177] : memref<320000x128xf32, #tpu.memory_space<hbm>> -> memref<80x128xf32, #tpu.memory_space<hbm>>
      tpu.wait_dma2 semaphore(%dma_wait3A_172 : memref<!tpu.dma_semaphore, #tpu.memory_space<semaphore_mem>>) src(%dma_wait3A_178 : memref<80x128xf32, #tpu.memory_space<hbm>>) dst(%dma_wait3A_176 : memref<80x128xf32, #tpu.memory_space<vmem>>)
      %run_scoped3A_179 = arith.constant 1 : i32
      "tpu.region"() ({
        %run_scoped3A_214 = tpu.sem_alloc : memref<!tpu.dma_semaphore, #tpu.memory_space<semaphore_mem>>
        %dma_start3A_215 = arith.constant 0 : i32
        %dma_start3A_216 = arith.constant 0 : i32
        %dma_start3A_217 = tpu.memref_slice %arg6[%run_scoped3A_179, %dma_start3A_215, %dma_start3A_216] : memref<3x80x128xf32, #tpu.memory_space<vmem>> -> memref<1x80x128xf32, #tpu.memory_space<vmem>>
        %dma_start3A_218 = tpu.memref_squeeze %dma_start3A_217 : memref<1x80x128xf32, #tpu.memory_space<vmem>> -> memref<80x128xf32, #tpu.memory_space<vmem>>
        %dma_start3A_219 = arith.constant 0 : i32
        %dma_start3A_220 = tpu.memref_slice %arg5[%add3A_159, %dma_start3A_219] : memref<125x80xi32, #tpu.memory_space<vmem>> -> memref<1x80xi32, #tpu.memory_space<vmem>>
        %dma_start3A_221 = tpu.memref_squeeze %dma_start3A_220 : memref<1x80xi32, #tpu.memory_space<vmem>> -> memref<80xi32, #tpu.memory_space<vmem>>
        %dma_start3A_222 = arith.constant 0 : i32
        %dma_start3A_223 = arith.constant 0 : i32
        %dma_start3A_224 = tpu.memref_slice %arg7[%dma_start3A_222, %dma_start3A_223] : memref<10240x128xf32, #tpu.memory_space<vmem_shared>> -> memref<10240x128xf32, #tpu.memory_space<vmem_shared>>
        tpu.enqueue_indirect_dma source(%dma_start3A_218 : memref<80x128xf32, #tpu.memory_space<vmem>>) target(%dma_start3A_224 : memref<10240x128xf32, #tpu.memory_space<vmem_shared>>) offsets(%dma_start3A_221 : memref<80xi32, #tpu.memory_space<vmem>>) semaphore(%run_scoped3A_214 : memref<!tpu.dma_semaphore, #tpu.memory_space<semaphore_mem>>) {add = true}
        %dma_wait3A_225 = arith.constant 0 : i32
        %dma_wait3A_226 = arith.constant 0 : i32
        %dma_wait3A_227 = tpu.memref_slice %arg6[%run_scoped3A_179, %dma_wait3A_225, %dma_wait3A_226] : memref<3x80x128xf32, #tpu.memory_space<vmem>> -> memref<1x80x128xf32, #tpu.memory_space<vmem>>
        %dma_wait3A_228 = tpu.memref_squeeze %dma_wait3A_227 : memref<1x80x128xf32, #tpu.memory_space<vmem>> -> memref<80x128xf32, #tpu.memory_space<vmem>>
        %dma_wait3A_229 = arith.constant 0 : i32
        %dma_wait3A_230 = tpu.memref_slice %arg5[%add3A_159, %dma_wait3A_229] : memref<125x80xi32, #tpu.memory_space<vmem>> -> memref<1x80xi32, #tpu.memory_space<vmem>>
        %dma_wait3A_231 = tpu.memref_squeeze %dma_wait3A_230 : memref<1x80xi32, #tpu.memory_space<vmem>> -> memref<80xi32, #tpu.memory_space<vmem>>
        %dma_wait3A_232 = arith.constant 0 : i32
        %dma_wait3A_233 = arith.constant 0 : i32
        %dma_wait3A_234 = tpu.memref_slice %arg7[%dma_wait3A_232, %dma_wait3A_233] : memref<10240x128xf32, #tpu.memory_space<vmem_shared>> -> memref<10240x128xf32, #tpu.memory_space<vmem_shared>>
        tpu.wait_indirect_dma semaphore(%run_scoped3A_214 : memref<!tpu.dma_semaphore, #tpu.memory_space<semaphore_mem>>) src(%dma_wait3A_228 : memref<80x128xf32, #tpu.memory_space<vmem>>) dst(%dma_wait3A_234 : memref<10240x128xf32, #tpu.memory_space<vmem_shared>>)
        tpu.yield
      }) : () -> ()
      %lt3A_180 = arith.constant 122 : i32
      %lt3A_181 = arith.cmpi slt, %add3A_159, %lt3A_180 : i32
      %convert_element_type3A_182 = arith.extui %lt3A_181 : i1 to i32
      %cond3A_183 = arith.constant 0 : i32
      %cond3A_184 = arith.cmpi ne, %convert_element_type3A_182, %cond3A_183 : i32
      scf.if %cond3A_184 {
        %add3A_214 = arith.constant 3 : i32
        %add3A_215 = arith.addi %add3A_159, %add3A_214 : i32
        %mul3A_216 = arith.constant 80 : i32
        %mul3A_217 = arith.muli %add3A_215, %mul3A_216 : i32
        %add3A_218 = arith.addi %mul3A_2, %mul3A_217 : i32
        %dma_start3A_219 = arith.constant 1 : i32
        %dma_start3A_220 = arith.constant 1 : i32
        %dma_start3A_221 = arith.constant 0 : i32
        %dma_start3A_222 = arith.constant 0 : i32
        %dma_start3A_223 = tpu.memref_slice %arg6[%dma_start3A_219, %dma_start3A_221, %dma_start3A_222] : memref<3x80x128xf32, #tpu.memory_space<vmem>> -> memref<1x80x128xf32, #tpu.memory_space<vmem>>
        %dma_start3A_224 = tpu.memref_squeeze %dma_start3A_223 : memref<1x80x128xf32, #tpu.memory_space<vmem>> -> memref<80x128xf32, #tpu.memory_space<vmem>>
        %dma_start3A_225 = arith.constant 0 : i32
        %dma_start3A_226 = tpu.memref_slice %arg2[%add3A_218, %dma_start3A_225] : memref<320000x128xf32, #tpu.memory_space<hbm>> -> memref<80x128xf32, #tpu.memory_space<hbm>>
        %dma_start3A_227 = tpu.memref_slice %arg8[%dma_start3A_220] : memref<3x!tpu.dma_semaphore, #tpu.memory_space<semaphore_mem>> -> memref<1x!tpu.dma_semaphore, #tpu.memory_space<semaphore_mem>>
        %dma_start3A_228 = tpu.memref_squeeze %dma_start3A_227 : memref<1x!tpu.dma_semaphore, #tpu.memory_space<semaphore_mem>> -> memref<!tpu.dma_semaphore, #tpu.memory_space<semaphore_mem>>
        %dma_start3A_229 = arith.constant 0 : i32
        %dma_start3A_230 = arith.constant 0 : i32
        %dma_start3A_231 = tpu.memref_slice %arg6[%dma_start3A_219, %dma_start3A_229, %dma_start3A_230] : memref<3x80x128xf32, #tpu.memory_space<vmem>> -> memref<1x80x128xf32, #tpu.memory_space<vmem>>
        %dma_start3A_232 = tpu.memref_squeeze %dma_start3A_231 : memref<1x80x128xf32, #tpu.memory_space<vmem>> -> memref<80x128xf32, #tpu.memory_space<vmem>>
        %dma_start3A_233 = arith.constant 0 : i32
        %dma_start3A_234 = tpu.memref_slice %arg2[%add3A_218, %dma_start3A_233] : memref<320000x128xf32, #tpu.memory_space<hbm>> -> memref<80x128xf32, #tpu.memory_space<hbm>>
        tpu.enqueue_dma source(%dma_start3A_234 : memref<80x128xf32, #tpu.memory_space<hbm>>) target(%dma_start3A_232 : memref<80x128xf32, #tpu.memory_space<vmem>>) target_semaphore(%dma_start3A_228 : memref<!tpu.dma_semaphore, #tpu.memory_space<semaphore_mem>>)
      } else {
      }
      %mul3A_185 = arith.constant 3 : i32
      %mul3A_186 = arith.muli %mul3A_185, %scan3A_129 : i32
      %add3A_187 = arith.constant 2 : i32
      %add3A_188 = arith.addi %mul3A_186, %add3A_187 : i32
      %mul3A_189 = arith.constant 80 : i32
      %mul3A_190 = arith.muli %add3A_188, %mul3A_189 : i32
      %add3A_191 = arith.addi %mul3A_2, %mul3A_190 : i32
      %dma_wait3A_192 = arith.constant 2 : i32
      %dma_wait3A_193 = arith.constant 2 : i32
      %dma_wait3A_194 = arith.constant 0 : i32
      %dma_wait3A_195 = arith.constant 0 : i32
      %dma_wait3A_196 = tpu.memref_slice %arg6[%dma_wait3A_192, %dma_wait3A_194, %dma_wait3A_195] : memref<3x80x128xf32, #tpu.memory_space<vmem>> -> memref<1x80x128xf32, #tpu.memory_space<vmem>>
      %dma_wait3A_197 = tpu.memref_squeeze %dma_wait3A_196 : memref<1x80x128xf32, #tpu.memory_space<vmem>> -> memref<80x128xf32, #tpu.memory_space<vmem>>
      %dma_wait3A_198 = arith.constant 0 : i32
      %dma_wait3A_199 = tpu.memref_slice %arg2[%add3A_191, %dma_wait3A_198] : memref<320000x128xf32, #tpu.memory_space<hbm>> -> memref<80x128xf32, #tpu.memory_space<hbm>>
      %dma_wait3A_200 = tpu.memref_slice %arg8[%dma_wait3A_193] : memref<3x!tpu.dma_semaphore, #tpu.memory_space<semaphore_mem>> -> memref<1x!tpu.dma_semaphore, #tpu.memory_space<semaphore_mem>>
      %dma_wait3A_201 = tpu.memref_squeeze %dma_wait3A_200 : memref<1x!tpu.dma_semaphore, #tpu.memory_space<semaphore_mem>> -> memref<!tpu.dma_semaphore, #tpu.memory_space<semaphore_mem>>
      %dma_wait3A_202 = arith.constant 0 : i32
      %dma_wait3A_203 = arith.constant 0 : i32
      %dma_wait3A_204 = tpu.memref_slice %arg6[%dma_wait3A_192, %dma_wait3A_202, %dma_wait3A_203] : memref<3x80x128xf32, #tpu.memory_space<vmem>> -> memref<1x80x128xf32, #tpu.memory_space<vmem>>
      %dma_wait3A_205 = tpu.memref_squeeze %dma_wait3A_204 : memref<1x80x128xf32, #tpu.memory_space<vmem>> -> memref<80x128xf32, #tpu.memory_space<vmem>>
      %dma_wait3A_206 = arith.constant 0 : i32
      %dma_wait3A_207 = tpu.memref_slice %arg2[%add3A_191, %dma_wait3A_206] : memref<320000x128xf32, #tpu.memory_space<hbm>> -> memref<80x128xf32, #tpu.memory_space<hbm>>
      tpu.wait_dma2 semaphore(%dma_wait3A_201 : memref<!tpu.dma_semaphore, #tpu.memory_space<semaphore_mem>>) src(%dma_wait3A_207 : memref<80x128xf32, #tpu.memory_space<hbm>>) dst(%dma_wait3A_205 : memref<80x128xf32, #tpu.memory_space<vmem>>)
      %run_scoped3A_208 = arith.constant 2 : i32
      "tpu.region"() ({
        %run_scoped3A_214 = tpu.sem_alloc : memref<!tpu.dma_semaphore, #tpu.memory_space<semaphore_mem>>
        %dma_start3A_215 = arith.constant 0 : i32
        %dma_start3A_216 = arith.constant 0 : i32
        %dma_start3A_217 = tpu.memref_slice %arg6[%run_scoped3A_208, %dma_start3A_215, %dma_start3A_216] : memref<3x80x128xf32, #tpu.memory_space<vmem>> -> memref<1x80x128xf32, #tpu.memory_space<vmem>>
        %dma_start3A_218 = tpu.memref_squeeze %dma_start3A_217 : memref<1x80x128xf32, #tpu.memory_space<vmem>> -> memref<80x128xf32, #tpu.memory_space<vmem>>
        %dma_start3A_219 = arith.constant 0 : i32
        %dma_start3A_220 = tpu.memref_slice %arg5[%add3A_188, %dma_start3A_219] : memref<125x80xi32, #tpu.memory_space<vmem>> -> memref<1x80xi32, #tpu.memory_space<vmem>>
        %dma_start3A_221 = tpu.memref_squeeze %dma_start3A_220 : memref<1x80xi32, #tpu.memory_space<vmem>> -> memref<80xi32, #tpu.memory_space<vmem>>
        %dma_start3A_222 = arith.constant 0 : i32
        %dma_start3A_223 = arith.constant 0 : i32
        %dma_start3A_224 = tpu.memref_slice %arg7[%dma_start3A_222, %dma_start3A_223] : memref<10240x128xf32, #tpu.memory_space<vmem_shared>> -> memref<10240x128xf32, #tpu.memory_space<vmem_shared>>
        tpu.enqueue_indirect_dma source(%dma_start3A_218 : memref<80x128xf32, #tpu.memory_space<vmem>>) target(%dma_start3A_224 : memref<10240x128xf32, #tpu.memory_space<vmem_shared>>) offsets(%dma_start3A_221 : memref<80xi32, #tpu.memory_space<vmem>>) semaphore(%run_scoped3A_214 : memref<!tpu.dma_semaphore, #tpu.memory_space<semaphore_mem>>) {add = true}
        %dma_wait3A_225 = arith.constant 0 : i32
        %dma_wait3A_226 = arith.constant 0 : i32
        %dma_wait3A_227 = tpu.memref_slice %arg6[%run_scoped3A_208, %dma_wait3A_225, %dma_wait3A_226] : memref<3x80x128xf32, #tpu.memory_space<vmem>> -> memref<1x80x128xf32, #tpu.memory_space<vmem>>
        %dma_wait3A_228 = tpu.memref_squeeze %dma_wait3A_227 : memref<1x80x128xf32, #tpu.memory_space<vmem>> -> memref<80x128xf32, #tpu.memory_space<vmem>>
        %dma_wait3A_229 = arith.constant 0 : i32
        %dma_wait3A_230 = tpu.memref_slice %arg5[%add3A_188, %dma_wait3A_229] : memref<125x80xi32, #tpu.memory_space<vmem>> -> memref<1x80xi32, #tpu.memory_space<vmem>>
        %dma_wait3A_231 = tpu.memref_squeeze %dma_wait3A_230 : memref<1x80xi32, #tpu.memory_space<vmem>> -> memref<80xi32, #tpu.memory_space<vmem>>
        %dma_wait3A_232 = arith.constant 0 : i32
        %dma_wait3A_233 = arith.constant 0 : i32
        %dma_wait3A_234 = tpu.memref_slice %arg7[%dma_wait3A_232, %dma_wait3A_233] : memref<10240x128xf32, #tpu.memory_space<vmem_shared>> -> memref<10240x128xf32, #tpu.memory_space<vmem_shared>>
        tpu.wait_indirect_dma semaphore(%run_scoped3A_214 : memref<!tpu.dma_semaphore, #tpu.memory_space<semaphore_mem>>) src(%dma_wait3A_228 : memref<80x128xf32, #tpu.memory_space<vmem>>) dst(%dma_wait3A_234 : memref<10240x128xf32, #tpu.memory_space<vmem_shared>>)
        tpu.yield
      }) : () -> ()
      %lt3A_209 = arith.constant 122 : i32
      %lt3A_210 = arith.cmpi slt, %add3A_188, %lt3A_209 : i32
      %convert_element_type3A_211 = arith.extui %lt3A_210 : i1 to i32
      %cond3A_212 = arith.constant 0 : i32
      %cond3A_213 = arith.cmpi ne, %convert_element_type3A_211, %cond3A_212 : i32
      scf.if %cond3A_213 {
        %add3A_214 = arith.constant 3 : i32
        %add3A_215 = arith.addi %add3A_188, %add3A_214 : i32
        %mul3A_216 = arith.constant 80 : i32
        %mul3A_217 = arith.muli %add3A_215, %mul3A_216 : i32
        %add3A_218 = arith.addi %mul3A_2, %mul3A_217 : i32
        %dma_start3A_219 = arith.constant 2 : i32
        %dma_start3A_220 = arith.constant 2 : i32
        %dma_start3A_221 = arith.constant 0 : i32
        %dma_start3A_222 = arith.constant 0 : i32
        %dma_start3A_223 = tpu.memref_slice %arg6[%dma_start3A_219, %dma_start3A_221, %dma_start3A_222] : memref<3x80x128xf32, #tpu.memory_space<vmem>> -> memref<1x80x128xf32, #tpu.memory_space<vmem>>
        %dma_start3A_224 = tpu.memref_squeeze %dma_start3A_223 : memref<1x80x128xf32, #tpu.memory_space<vmem>> -> memref<80x128xf32, #tpu.memory_space<vmem>>
        %dma_start3A_225 = arith.constant 0 : i32
        %dma_start3A_226 = tpu.memref_slice %arg2[%add3A_218, %dma_start3A_225] : memref<320000x128xf32, #tpu.memory_space<hbm>> -> memref<80x128xf32, #tpu.memory_space<hbm>>
        %dma_start3A_227 = tpu.memref_slice %arg8[%dma_start3A_220] : memref<3x!tpu.dma_semaphore, #tpu.memory_space<semaphore_mem>> -> memref<1x!tpu.dma_semaphore, #tpu.memory_space<semaphore_mem>>
        %dma_start3A_228 = tpu.memref_squeeze %dma_start3A_227 : memref<1x!tpu.dma_semaphore, #tpu.memory_space<semaphore_mem>> -> memref<!tpu.dma_semaphore, #tpu.memory_space<semaphore_mem>>
        %dma_start3A_229 = arith.constant 0 : i32
        %dma_start3A_230 = arith.constant 0 : i32
        %dma_start3A_231 = tpu.memref_slice %arg6[%dma_start3A_219, %dma_start3A_229, %dma_start3A_230] : memref<3x80x128xf32, #tpu.memory_space<vmem>> -> memref<1x80x128xf32, #tpu.memory_space<vmem>>
        %dma_start3A_232 = tpu.memref_squeeze %dma_start3A_231 : memref<1x80x128xf32, #tpu.memory_space<vmem>> -> memref<80x128xf32, #tpu.memory_space<vmem>>
        %dma_start3A_233 = arith.constant 0 : i32
        %dma_start3A_234 = tpu.memref_slice %arg2[%add3A_218, %dma_start3A_233] : memref<320000x128xf32, #tpu.memory_space<hbm>> -> memref<80x128xf32, #tpu.memory_space<hbm>>
        tpu.enqueue_dma source(%dma_start3A_234 : memref<80x128xf32, #tpu.memory_space<hbm>>) target(%dma_start3A_232 : memref<80x128xf32, #tpu.memory_space<vmem>>) target_semaphore(%dma_start3A_228 : memref<!tpu.dma_semaphore, #tpu.memory_space<semaphore_mem>>)
      } else {
      }
    }
    %scan3A_88 = arith.constant 41 : i32
    %add3A_89 = arith.constant 9840 : i32
    %add3A_90 = arith.addi %mul3A_2, %add3A_89 : i32
    %dma_wait3A = arith.constant 0 : i32
    %dma_wait3A_91 = arith.constant 0 : i32
    %dma_wait3A_92 = arith.constant 0 : i32
    %dma_wait3A_93 = arith.constant 0 : i32
    %dma_wait3A_94 = tpu.memref_slice %arg6[%dma_wait3A, %dma_wait3A_92, %dma_wait3A_93] : memref<3x80x128xf32, #tpu.memory_space<vmem>> -> memref<1x80x128xf32, #tpu.memory_space<vmem>>
    %dma_wait3A_95 = tpu.memref_squeeze %dma_wait3A_94 : memref<1x80x128xf32, #tpu.memory_space<vmem>> -> memref<80x128xf32, #tpu.memory_space<vmem>>
    %dma_wait3A_96 = arith.constant 0 : i32
    %dma_wait3A_97 = tpu.memref_slice %arg2[%add3A_90, %dma_wait3A_96] : memref<320000x128xf32, #tpu.memory_space<hbm>> -> memref<80x128xf32, #tpu.memory_space<hbm>>
    %dma_wait3A_98 = tpu.memref_slice %arg8[%dma_wait3A_91] : memref<3x!tpu.dma_semaphore, #tpu.memory_space<semaphore_mem>> -> memref<1x!tpu.dma_semaphore, #tpu.memory_space<semaphore_mem>>
    %dma_wait3A_99 = tpu.memref_squeeze %dma_wait3A_98 : memref<1x!tpu.dma_semaphore, #tpu.memory_space<semaphore_mem>> -> memref<!tpu.dma_semaphore, #tpu.memory_space<semaphore_mem>>
    %dma_wait3A_100 = arith.constant 0 : i32
    %dma_wait3A_101 = arith.constant 0 : i32
    %dma_wait3A_102 = tpu.memref_slice %arg6[%dma_wait3A, %dma_wait3A_100, %dma_wait3A_101] : memref<3x80x128xf32, #tpu.memory_space<vmem>> -> memref<1x80x128xf32, #tpu.memory_space<vmem>>
    %dma_wait3A_103 = tpu.memref_squeeze %dma_wait3A_102 : memref<1x80x128xf32, #tpu.memory_space<vmem>> -> memref<80x128xf32, #tpu.memory_space<vmem>>
    %dma_wait3A_104 = arith.constant 0 : i32
    %dma_wait3A_105 = tpu.memref_slice %arg2[%add3A_90, %dma_wait3A_104] : memref<320000x128xf32, #tpu.memory_space<hbm>> -> memref<80x128xf32, #tpu.memory_space<hbm>>
    tpu.wait_dma2 semaphore(%dma_wait3A_99 : memref<!tpu.dma_semaphore, #tpu.memory_space<semaphore_mem>>) src(%dma_wait3A_105 : memref<80x128xf32, #tpu.memory_space<hbm>>) dst(%dma_wait3A_103 : memref<80x128xf32, #tpu.memory_space<vmem>>)
    %run_scoped3A_106 = arith.constant 0 : i32
    %run_scoped3A_107 = arith.constant 123 : i32
    "tpu.region"() ({
      %run_scoped3A_129 = tpu.sem_alloc : memref<!tpu.dma_semaphore, #tpu.memory_space<semaphore_mem>>
      %dma_start3A_130 = arith.constant 0 : i32
      %dma_start3A_131 = arith.constant 0 : i32
      %dma_start3A_132 = tpu.memref_slice %arg6[%run_scoped3A_106, %dma_start3A_130, %dma_start3A_131] : memref<3x80x128xf32, #tpu.memory_space<vmem>> -> memref<1x80x128xf32, #tpu.memory_space<vmem>>
      %dma_start3A_133 = tpu.memref_squeeze %dma_start3A_132 : memref<1x80x128xf32, #tpu.memory_space<vmem>> -> memref<80x128xf32, #tpu.memory_space<vmem>>
      %dma_start3A_134 = arith.constant 0 : i32
      %dma_start3A_135 = tpu.memref_slice %arg5[%run_scoped3A_107, %dma_start3A_134] : memref<125x80xi32, #tpu.memory_space<vmem>> -> memref<1x80xi32, #tpu.memory_space<vmem>>
      %dma_start3A_136 = tpu.memref_squeeze %dma_start3A_135 : memref<1x80xi32, #tpu.memory_space<vmem>> -> memref<80xi32, #tpu.memory_space<vmem>>
      %dma_start3A_137 = arith.constant 0 : i32
      %dma_start3A_138 = arith.constant 0 : i32
      %dma_start3A_139 = tpu.memref_slice %arg7[%dma_start3A_137, %dma_start3A_138] : memref<10240x128xf32, #tpu.memory_space<vmem_shared>> -> memref<10240x128xf32, #tpu.memory_space<vmem_shared>>
      tpu.enqueue_indirect_dma source(%dma_start3A_133 : memref<80x128xf32, #tpu.memory_space<vmem>>) target(%dma_start3A_139 : memref<10240x128xf32, #tpu.memory_space<vmem_shared>>) offsets(%dma_start3A_136 : memref<80xi32, #tpu.memory_space<vmem>>) semaphore(%run_scoped3A_129 : memref<!tpu.dma_semaphore, #tpu.memory_space<semaphore_mem>>) {add = true}
      %dma_wait3A_140 = arith.constant 0 : i32
      %dma_wait3A_141 = arith.constant 0 : i32
      %dma_wait3A_142 = tpu.memref_slice %arg6[%run_scoped3A_106, %dma_wait3A_140, %dma_wait3A_141] : memref<3x80x128xf32, #tpu.memory_space<vmem>> -> memref<1x80x128xf32, #tpu.memory_space<vmem>>
      %dma_wait3A_143 = tpu.memref_squeeze %dma_wait3A_142 : memref<1x80x128xf32, #tpu.memory_space<vmem>> -> memref<80x128xf32, #tpu.memory_space<vmem>>
      %dma_wait3A_144 = arith.constant 0 : i32
      %dma_wait3A_145 = tpu.memref_slice %arg5[%run_scoped3A_107, %dma_wait3A_144] : memref<125x80xi32, #tpu.memory_space<vmem>> -> memref<1x80xi32, #tpu.memory_space<vmem>>
      %dma_wait3A_146 = tpu.memref_squeeze %dma_wait3A_145 : memref<1x80xi32, #tpu.memory_space<vmem>> -> memref<80xi32, #tpu.memory_space<vmem>>
      %dma_wait3A_147 = arith.constant 0 : i32
      %dma_wait3A_148 = arith.constant 0 : i32
      %dma_wait3A_149 = tpu.memref_slice %arg7[%dma_wait3A_147, %dma_wait3A_148] : memref<10240x128xf32, #tpu.memory_space<vmem_shared>> -> memref<10240x128xf32, #tpu.memory_space<vmem_shared>>
      tpu.wait_indirect_dma semaphore(%run_scoped3A_129 : memref<!tpu.dma_semaphore, #tpu.memory_space<semaphore_mem>>) src(%dma_wait3A_143 : memref<80x128xf32, #tpu.memory_space<vmem>>) dst(%dma_wait3A_149 : memref<10240x128xf32, #tpu.memory_space<vmem_shared>>)
      tpu.yield
    }) : () -> ()
    %add3A_108 = arith.constant 9920 : i32
    %add3A_109 = arith.addi %mul3A_2, %add3A_108 : i32
    %dma_wait3A_110 = arith.constant 1 : i32
    %dma_wait3A_111 = arith.constant 1 : i32
    %dma_wait3A_112 = arith.constant 0 : i32
    %dma_wait3A_113 = arith.constant 0 : i32
    %dma_wait3A_114 = tpu.memref_slice %arg6[%dma_wait3A_110, %dma_wait3A_112, %dma_wait3A_113] : memref<3x80x128xf32, #tpu.memory_space<vmem>> -> memref<1x80x128xf32, #tpu.memory_space<vmem>>
    %dma_wait3A_115 = tpu.memref_squeeze %dma_wait3A_114 : memref<1x80x128xf32, #tpu.memory_space<vmem>> -> memref<80x128xf32, #tpu.memory_space<vmem>>
    %dma_wait3A_116 = arith.constant 0 : i32
    %dma_wait3A_117 = tpu.memref_slice %arg2[%add3A_109, %dma_wait3A_116] : memref<320000x128xf32, #tpu.memory_space<hbm>> -> memref<80x128xf32, #tpu.memory_space<hbm>>
    %dma_wait3A_118 = tpu.memref_slice %arg8[%dma_wait3A_111] : memref<3x!tpu.dma_semaphore, #tpu.memory_space<semaphore_mem>> -> memref<1x!tpu.dma_semaphore, #tpu.memory_space<semaphore_mem>>
    %dma_wait3A_119 = tpu.memref_squeeze %dma_wait3A_118 : memref<1x!tpu.dma_semaphore, #tpu.memory_space<semaphore_mem>> -> memref<!tpu.dma_semaphore, #tpu.memory_space<semaphore_mem>>
    %dma_wait3A_120 = arith.constant 0 : i32
    %dma_wait3A_121 = arith.constant 0 : i32
    %dma_wait3A_122 = tpu.memref_slice %arg6[%dma_wait3A_110, %dma_wait3A_120, %dma_wait3A_121] : memref<3x80x128xf32, #tpu.memory_space<vmem>> -> memref<1x80x128xf32, #tpu.memory_space<vmem>>
    %dma_wait3A_123 = tpu.memref_squeeze %dma_wait3A_122 : memref<1x80x128xf32, #tpu.memory_space<vmem>> -> memref<80x128xf32, #tpu.memory_space<vmem>>
    %dma_wait3A_124 = arith.constant 0 : i32
    %dma_wait3A_125 = tpu.memref_slice %arg2[%add3A_109, %dma_wait3A_124] : memref<320000x128xf32, #tpu.memory_space<hbm>> -> memref<80x128xf32, #tpu.memory_space<hbm>>
    tpu.wait_dma2 semaphore(%dma_wait3A_119 : memref<!tpu.dma_semaphore, #tpu.memory_space<semaphore_mem>>) src(%dma_wait3A_125 : memref<80x128xf32, #tpu.memory_space<hbm>>) dst(%dma_wait3A_123 : memref<80x128xf32, #tpu.memory_space<vmem>>)
    %run_scoped3A_126 = arith.constant 1 : i32
    %run_scoped3A_127 = arith.constant 124 : i32
    "tpu.region"() ({
      %run_scoped3A_129 = tpu.sem_alloc : memref<!tpu.dma_semaphore, #tpu.memory_space<semaphore_mem>>
      %dma_start3A_130 = arith.constant 0 : i32
      %dma_start3A_131 = arith.constant 0 : i32
      %dma_start3A_132 = tpu.memref_slice %arg6[%run_scoped3A_126, %dma_start3A_130, %dma_start3A_131] : memref<3x80x128xf32, #tpu.memory_space<vmem>> -> memref<1x80x128xf32, #tpu.memory_space<vmem>>
      %dma_start3A_133 = tpu.memref_squeeze %dma_start3A_132 : memref<1x80x128xf32, #tpu.memory_space<vmem>> -> memref<80x128xf32, #tpu.memory_space<vmem>>
      %dma_start3A_134 = arith.constant 0 : i32
      %dma_start3A_135 = tpu.memref_slice %arg5[%run_scoped3A_127, %dma_start3A_134] : memref<125x80xi32, #tpu.memory_space<vmem>> -> memref<1x80xi32, #tpu.memory_space<vmem>>
      %dma_start3A_136 = tpu.memref_squeeze %dma_start3A_135 : memref<1x80xi32, #tpu.memory_space<vmem>> -> memref<80xi32, #tpu.memory_space<vmem>>
      %dma_start3A_137 = arith.constant 0 : i32
      %dma_start3A_138 = arith.constant 0 : i32
      %dma_start3A_139 = tpu.memref_slice %arg7[%dma_start3A_137, %dma_start3A_138] : memref<10240x128xf32, #tpu.memory_space<vmem_shared>> -> memref<10240x128xf32, #tpu.memory_space<vmem_shared>>
      tpu.enqueue_indirect_dma source(%dma_start3A_133 : memref<80x128xf32, #tpu.memory_space<vmem>>) target(%dma_start3A_139 : memref<10240x128xf32, #tpu.memory_space<vmem_shared>>) offsets(%dma_start3A_136 : memref<80xi32, #tpu.memory_space<vmem>>) semaphore(%run_scoped3A_129 : memref<!tpu.dma_semaphore, #tpu.memory_space<semaphore_mem>>) {add = true}
      %dma_wait3A_140 = arith.constant 0 : i32
      %dma_wait3A_141 = arith.constant 0 : i32
      %dma_wait3A_142 = tpu.memref_slice %arg6[%run_scoped3A_126, %dma_wait3A_140, %dma_wait3A_141] : memref<3x80x128xf32, #tpu.memory_space<vmem>> -> memref<1x80x128xf32, #tpu.memory_space<vmem>>
      %dma_wait3A_143 = tpu.memref_squeeze %dma_wait3A_142 : memref<1x80x128xf32, #tpu.memory_space<vmem>> -> memref<80x128xf32, #tpu.memory_space<vmem>>
      %dma_wait3A_144 = arith.constant 0 : i32
      %dma_wait3A_145 = tpu.memref_slice %arg5[%run_scoped3A_127, %dma_wait3A_144] : memref<125x80xi32, #tpu.memory_space<vmem>> -> memref<1x80xi32, #tpu.memory_space<vmem>>
      %dma_wait3A_146 = tpu.memref_squeeze %dma_wait3A_145 : memref<1x80xi32, #tpu.memory_space<vmem>> -> memref<80xi32, #tpu.memory_space<vmem>>
      %dma_wait3A_147 = arith.constant 0 : i32
      %dma_wait3A_148 = arith.constant 0 : i32
      %dma_wait3A_149 = tpu.memref_slice %arg7[%dma_wait3A_147, %dma_wait3A_148] : memref<10240x128xf32, #tpu.memory_space<vmem_shared>> -> memref<10240x128xf32, #tpu.memory_space<vmem_shared>>
      tpu.wait_indirect_dma semaphore(%run_scoped3A_129 : memref<!tpu.dma_semaphore, #tpu.memory_space<semaphore_mem>>) src(%dma_wait3A_143 : memref<80x128xf32, #tpu.memory_space<vmem>>) dst(%dma_wait3A_149 : memref<10240x128xf32, #tpu.memory_space<vmem_shared>>)
      tpu.yield
    }) : () -> ()
    %barrier3A_128 = arith.constant 0 : index
    tpu.barrier barrier_id(%barrier3A_128)
    "tpu.region"() ({
      %run_scoped3A_129 = tpu.sem_alloc : memref<!tpu.dma_semaphore, #tpu.memory_space<semaphore_mem>>
      %dma_start3A_130 = arith.constant 0 : i32
      %dma_start3A_131 = tpu.memref_slice %arg4[%arg0, %mul3A_4, %dma_start3A_130] : memref<2x10240x128xf32, #tpu.memory_space<hbm>> -> memref<1x640x128xf32, #tpu.memory_space<hbm>>
      %dma_start3A_132 = tpu.memref_squeeze %dma_start3A_131 : memref<1x640x128xf32, #tpu.memory_space<hbm>> -> memref<640x128xf32, #tpu.memory_space<hbm>>
      %dma_start3A_133 = arith.constant 0 : i32
      %dma_start3A_134 = tpu.memref_slice %arg7[%mul3A_4, %dma_start3A_133] : memref<10240x128xf32, #tpu.memory_space<vmem_shared>> -> memref<640x128xf32, #tpu.memory_space<vmem_shared>>
      tpu.enqueue_dma source(%dma_start3A_134 : memref<640x128xf32, #tpu.memory_space<vmem_shared>>) target(%dma_start3A_132 : memref<640x128xf32, #tpu.memory_space<hbm>>) target_semaphore(%run_scoped3A_129 : memref<!tpu.dma_semaphore, #tpu.memory_space<semaphore_mem>>)
      %dma_wait3A_135 = arith.constant 0 : i32
      %dma_wait3A_136 = tpu.memref_slice %arg4[%arg0, %mul3A_4, %dma_wait3A_135] : memref<2x10240x128xf32, #tpu.memory_space<hbm>> -> memref<1x640x128xf32, #tpu.memory_space<hbm>>
      %dma_wait3A_137 = tpu.memref_squeeze %dma_wait3A_136 : memref<1x640x128xf32, #tpu.memory_space<hbm>> -> memref<640x128xf32, #tpu.memory_space<hbm>>
      %dma_wait3A_138 = arith.constant 0 : i32
      %dma_wait3A_139 = tpu.memref_slice %arg7[%mul3A_4, %dma_wait3A_138] : memref<10240x128xf32, #tpu.memory_space<vmem_shared>> -> memref<640x128xf32, #tpu.memory_space<vmem_shared>>
      tpu.wait_dma2 semaphore(%run_scoped3A_129 : memref<!tpu.dma_semaphore, #tpu.memory_space<semaphore_mem>>) src(%dma_wait3A_139 : memref<640x128xf32, #tpu.memory_space<vmem_shared>>) dst(%dma_wait3A_137 : memref<640x128xf32, #tpu.memory_space<hbm>>)
      tpu.yield
    }) : () -> ()
    return
  }
}

#map = affine_map<(d0, d1) -> (0, 0)>
#map1 = affine_map<(d0, d1) -> (0, 0, 0, 0)>
#map2 = affine_map<(d0, d1) -> (0, 0, 0)>
module attributes {stable_mosaic.version = 14 : i64} {
  func.func @_gather_body(%arg0: i32, %arg1: i32, %arg2: memref<10000x128xi32, #tpu.memory_space<hbm>>, %arg3: memref<10000x128xi32, #tpu.memory_space<hbm>>, %arg4: memref<2x32x125x80xi32, #tpu.memory_space<hbm>>, %arg5: memref<2x320000x128xi32, #tpu.memory_space<hbm>>, %arg6: memref<125x80xi32, #tpu.memory_space<vmem>>, %arg7: memref<125x80xi32, #tpu.memory_space<vmem>>, %arg8: memref<4x80x128xi32, #tpu.memory_space<vmem>>, %arg9: memref<4x80x128xi32, #tpu.memory_space<vmem>>, %arg10: memref<4x!tpu.dma_semaphore, #tpu.memory_space<semaphore_mem>>) attributes {dimension_semantics = [#tpu.dimension_semantics<core_parallel>, #tpu.dimension_semantics<subcore_parallel>], iteration_bounds = array<i64: 2, 16>, scalar_prefetch = 0 : i64, scratch_operands = 5 : i64, tpu.core_type = #tpu.core_type<sc_vector_subcore>, window_params = [{transform_indices = #map}, {transform_indices = #map}, {transform_indices = #map1}, {transform_indices = #map2}]} {
    %mul3A = arith.constant 2 : i32
    %mul3A_0 = arith.muli %arg1, %mul3A : i32
    %add3A = arith.addi %mul3A_0, %arg0 : i32
    %mul3A_1 = arith.constant 10000 : i32
    %mul3A_2 = arith.muli %add3A, %mul3A_1 : i32
    %run_scoped3A = arith.constant 0 : i32
    "tpu.region"() ({
      %run_scoped3A_163 = tpu.sem_alloc : memref<!tpu.dma_semaphore, #tpu.memory_space<semaphore_mem>>
      %dma_start3A_164 = arith.constant 0 : i32
      %dma_start3A_165 = arith.constant 0 : i32
      %dma_start3A_166 = tpu.memref_slice %arg4[%run_scoped3A, %add3A, %dma_start3A_164, %dma_start3A_165] : memref<2x32x125x80xi32, #tpu.memory_space<hbm>> -> memref<1x1x125x80xi32, #tpu.memory_space<hbm>>
      %dma_start3A_167 = tpu.memref_squeeze %dma_start3A_166 : memref<1x1x125x80xi32, #tpu.memory_space<hbm>> -> memref<125x80xi32, #tpu.memory_space<hbm>>
      %dma_start3A_168 = arith.constant 0 : i32
      %dma_start3A_169 = arith.constant 0 : i32
      %dma_start3A_170 = tpu.memref_slice %arg4[%run_scoped3A, %add3A, %dma_start3A_168, %dma_start3A_169] : memref<2x32x125x80xi32, #tpu.memory_space<hbm>> -> memref<1x1x125x80xi32, #tpu.memory_space<hbm>>
      %dma_start3A_171 = tpu.memref_squeeze %dma_start3A_170 : memref<1x1x125x80xi32, #tpu.memory_space<hbm>> -> memref<125x80xi32, #tpu.memory_space<hbm>>
      tpu.enqueue_dma source(%dma_start3A_171 : memref<125x80xi32, #tpu.memory_space<hbm>>) target(%arg6 : memref<125x80xi32, #tpu.memory_space<vmem>>) target_semaphore(%run_scoped3A_163 : memref<!tpu.dma_semaphore, #tpu.memory_space<semaphore_mem>>)
      %dma_wait3A_172 = arith.constant 0 : i32
      %dma_wait3A_173 = arith.constant 0 : i32
      %dma_wait3A_174 = tpu.memref_slice %arg4[%run_scoped3A, %add3A, %dma_wait3A_172, %dma_wait3A_173] : memref<2x32x125x80xi32, #tpu.memory_space<hbm>> -> memref<1x1x125x80xi32, #tpu.memory_space<hbm>>
      %dma_wait3A_175 = tpu.memref_squeeze %dma_wait3A_174 : memref<1x1x125x80xi32, #tpu.memory_space<hbm>> -> memref<125x80xi32, #tpu.memory_space<hbm>>
      %dma_wait3A_176 = arith.constant 0 : i32
      %dma_wait3A_177 = arith.constant 0 : i32
      %dma_wait3A_178 = tpu.memref_slice %arg4[%run_scoped3A, %add3A, %dma_wait3A_176, %dma_wait3A_177] : memref<2x32x125x80xi32, #tpu.memory_space<hbm>> -> memref<1x1x125x80xi32, #tpu.memory_space<hbm>>
      %dma_wait3A_179 = tpu.memref_squeeze %dma_wait3A_178 : memref<1x1x125x80xi32, #tpu.memory_space<hbm>> -> memref<125x80xi32, #tpu.memory_space<hbm>>
      tpu.wait_dma2 semaphore(%run_scoped3A_163 : memref<!tpu.dma_semaphore, #tpu.memory_space<semaphore_mem>>) src(%dma_wait3A_179 : memref<125x80xi32, #tpu.memory_space<hbm>>) dst(%arg6 : memref<125x80xi32, #tpu.memory_space<vmem>>)
      tpu.yield
    }) : () -> ()
    %run_scoped3A_3 = arith.constant 1 : i32
    "tpu.region"() ({
      %run_scoped3A_163 = tpu.sem_alloc : memref<!tpu.dma_semaphore, #tpu.memory_space<semaphore_mem>>
      %dma_start3A_164 = arith.constant 0 : i32
      %dma_start3A_165 = arith.constant 0 : i32
      %dma_start3A_166 = tpu.memref_slice %arg4[%run_scoped3A_3, %add3A, %dma_start3A_164, %dma_start3A_165] : memref<2x32x125x80xi32, #tpu.memory_space<hbm>> -> memref<1x1x125x80xi32, #tpu.memory_space<hbm>>
      %dma_start3A_167 = tpu.memref_squeeze %dma_start3A_166 : memref<1x1x125x80xi32, #tpu.memory_space<hbm>> -> memref<125x80xi32, #tpu.memory_space<hbm>>
      %dma_start3A_168 = arith.constant 0 : i32
      %dma_start3A_169 = arith.constant 0 : i32
      %dma_start3A_170 = tpu.memref_slice %arg4[%run_scoped3A_3, %add3A, %dma_start3A_168, %dma_start3A_169] : memref<2x32x125x80xi32, #tpu.memory_space<hbm>> -> memref<1x1x125x80xi32, #tpu.memory_space<hbm>>
      %dma_start3A_171 = tpu.memref_squeeze %dma_start3A_170 : memref<1x1x125x80xi32, #tpu.memory_space<hbm>> -> memref<125x80xi32, #tpu.memory_space<hbm>>
      tpu.enqueue_dma source(%dma_start3A_171 : memref<125x80xi32, #tpu.memory_space<hbm>>) target(%arg7 : memref<125x80xi32, #tpu.memory_space<vmem>>) target_semaphore(%run_scoped3A_163 : memref<!tpu.dma_semaphore, #tpu.memory_space<semaphore_mem>>)
      %dma_wait3A_172 = arith.constant 0 : i32
      %dma_wait3A_173 = arith.constant 0 : i32
      %dma_wait3A_174 = tpu.memref_slice %arg4[%run_scoped3A_3, %add3A, %dma_wait3A_172, %dma_wait3A_173] : memref<2x32x125x80xi32, #tpu.memory_space<hbm>> -> memref<1x1x125x80xi32, #tpu.memory_space<hbm>>
      %dma_wait3A_175 = tpu.memref_squeeze %dma_wait3A_174 : memref<1x1x125x80xi32, #tpu.memory_space<hbm>> -> memref<125x80xi32, #tpu.memory_space<hbm>>
      %dma_wait3A_176 = arith.constant 0 : i32
      %dma_wait3A_177 = arith.constant 0 : i32
      %dma_wait3A_178 = tpu.memref_slice %arg4[%run_scoped3A_3, %add3A, %dma_wait3A_176, %dma_wait3A_177] : memref<2x32x125x80xi32, #tpu.memory_space<hbm>> -> memref<1x1x125x80xi32, #tpu.memory_space<hbm>>
      %dma_wait3A_179 = tpu.memref_squeeze %dma_wait3A_178 : memref<1x1x125x80xi32, #tpu.memory_space<hbm>> -> memref<125x80xi32, #tpu.memory_space<hbm>>
      tpu.wait_dma2 semaphore(%run_scoped3A_163 : memref<!tpu.dma_semaphore, #tpu.memory_space<semaphore_mem>>) src(%dma_wait3A_179 : memref<125x80xi32, #tpu.memory_space<hbm>>) dst(%arg7 : memref<125x80xi32, #tpu.memory_space<vmem>>)
      tpu.yield
    }) : () -> ()
    %dma_start3A = arith.constant 0 : i32
    %dma_start3A_4 = arith.constant 0 : i32
    %dma_start3A_5 = arith.constant 0 : i32
    %dma_start3A_6 = arith.constant 0 : i32
    %dma_start3A_7 = arith.constant 0 : i32
    %dma_start3A_8 = tpu.memref_slice %arg8[%dma_start3A_4, %dma_start3A_6, %dma_start3A_7] : memref<4x80x128xi32, #tpu.memory_space<vmem>> -> memref<1x80x128xi32, #tpu.memory_space<vmem>>
    %dma_start3A_9 = tpu.memref_squeeze %dma_start3A_8 : memref<1x80x128xi32, #tpu.memory_space<vmem>> -> memref<80x128xi32, #tpu.memory_space<vmem>>
    %dma_start3A_10 = arith.constant 0 : i32
    %dma_start3A_11 = tpu.memref_slice %arg6[%dma_start3A, %dma_start3A_10] : memref<125x80xi32, #tpu.memory_space<vmem>> -> memref<1x80xi32, #tpu.memory_space<vmem>>
    %dma_start3A_12 = tpu.memref_squeeze %dma_start3A_11 : memref<1x80xi32, #tpu.memory_space<vmem>> -> memref<80xi32, #tpu.memory_space<vmem>>
    %dma_start3A_13 = arith.constant 0 : i32
    %dma_start3A_14 = arith.constant 0 : i32
    %dma_start3A_15 = tpu.memref_slice %arg2[%dma_start3A_13, %dma_start3A_14] : memref<10000x128xi32, #tpu.memory_space<hbm>> -> memref<10000x128xi32, #tpu.memory_space<hbm>>
    %dma_start3A_16 = tpu.memref_slice %arg10[%dma_start3A_5] : memref<4x!tpu.dma_semaphore, #tpu.memory_space<semaphore_mem>> -> memref<1x!tpu.dma_semaphore, #tpu.memory_space<semaphore_mem>>
    %dma_start3A_17 = tpu.memref_squeeze %dma_start3A_16 : memref<1x!tpu.dma_semaphore, #tpu.memory_space<semaphore_mem>> -> memref<!tpu.dma_semaphore, #tpu.memory_space<semaphore_mem>>
    tpu.enqueue_indirect_dma source(%dma_start3A_15 : memref<10000x128xi32, #tpu.memory_space<hbm>>) target(%dma_start3A_9 : memref<80x128xi32, #tpu.memory_space<vmem>>) offsets(%dma_start3A_12 : memref<80xi32, #tpu.memory_space<vmem>>) semaphore(%dma_start3A_17 : memref<!tpu.dma_semaphore, #tpu.memory_space<semaphore_mem>>)
    %dma_start3A_18 = arith.constant 0 : i32
    %dma_start3A_19 = arith.constant 0 : i32
    %dma_start3A_20 = arith.constant 0 : i32
    %dma_start3A_21 = arith.constant 0 : i32
    %dma_start3A_22 = arith.constant 0 : i32
    %dma_start3A_23 = tpu.memref_slice %arg9[%dma_start3A_19, %dma_start3A_21, %dma_start3A_22] : memref<4x80x128xi32, #tpu.memory_space<vmem>> -> memref<1x80x128xi32, #tpu.memory_space<vmem>>
    %dma_start3A_24 = tpu.memref_squeeze %dma_start3A_23 : memref<1x80x128xi32, #tpu.memory_space<vmem>> -> memref<80x128xi32, #tpu.memory_space<vmem>>
    %dma_start3A_25 = arith.constant 0 : i32
    %dma_start3A_26 = tpu.memref_slice %arg7[%dma_start3A_18, %dma_start3A_25] : memref<125x80xi32, #tpu.memory_space<vmem>> -> memref<1x80xi32, #tpu.memory_space<vmem>>
    %dma_start3A_27 = tpu.memref_squeeze %dma_start3A_26 : memref<1x80xi32, #tpu.memory_space<vmem>> -> memref<80xi32, #tpu.memory_space<vmem>>
    %dma_start3A_28 = arith.constant 0 : i32
    %dma_start3A_29 = arith.constant 0 : i32
    %dma_start3A_30 = tpu.memref_slice %arg3[%dma_start3A_28, %dma_start3A_29] : memref<10000x128xi32, #tpu.memory_space<hbm>> -> memref<10000x128xi32, #tpu.memory_space<hbm>>
    %dma_start3A_31 = tpu.memref_slice %arg10[%dma_start3A_20] : memref<4x!tpu.dma_semaphore, #tpu.memory_space<semaphore_mem>> -> memref<1x!tpu.dma_semaphore, #tpu.memory_space<semaphore_mem>>
    %dma_start3A_32 = tpu.memref_squeeze %dma_start3A_31 : memref<1x!tpu.dma_semaphore, #tpu.memory_space<semaphore_mem>> -> memref<!tpu.dma_semaphore, #tpu.memory_space<semaphore_mem>>
    tpu.enqueue_indirect_dma source(%dma_start3A_30 : memref<10000x128xi32, #tpu.memory_space<hbm>>) target(%dma_start3A_24 : memref<80x128xi32, #tpu.memory_space<vmem>>) offsets(%dma_start3A_27 : memref<80xi32, #tpu.memory_space<vmem>>) semaphore(%dma_start3A_32 : memref<!tpu.dma_semaphore, #tpu.memory_space<semaphore_mem>>)
    %dma_start3A_33 = arith.constant 1 : i32
    %dma_start3A_34 = arith.constant 1 : i32
    %dma_start3A_35 = arith.constant 1 : i32
    %dma_start3A_36 = arith.constant 0 : i32
    %dma_start3A_37 = arith.constant 0 : i32
    %dma_start3A_38 = tpu.memref_slice %arg8[%dma_start3A_34, %dma_start3A_36, %dma_start3A_37] : memref<4x80x128xi32, #tpu.memory_space<vmem>> -> memref<1x80x128xi32, #tpu.memory_space<vmem>>
    %dma_start3A_39 = tpu.memref_squeeze %dma_start3A_38 : memref<1x80x128xi32, #tpu.memory_space<vmem>> -> memref<80x128xi32, #tpu.memory_space<vmem>>
    %dma_start3A_40 = arith.constant 0 : i32
    %dma_start3A_41 = tpu.memref_slice %arg6[%dma_start3A_33, %dma_start3A_40] : memref<125x80xi32, #tpu.memory_space<vmem>> -> memref<1x80xi32, #tpu.memory_space<vmem>>
    %dma_start3A_42 = tpu.memref_squeeze %dma_start3A_41 : memref<1x80xi32, #tpu.memory_space<vmem>> -> memref<80xi32, #tpu.memory_space<vmem>>
    %dma_start3A_43 = arith.constant 0 : i32
    %dma_start3A_44 = arith.constant 0 : i32
    %dma_start3A_45 = tpu.memref_slice %arg2[%dma_start3A_43, %dma_start3A_44] : memref<10000x128xi32, #tpu.memory_space<hbm>> -> memref<10000x128xi32, #tpu.memory_space<hbm>>
    %dma_start3A_46 = tpu.memref_slice %arg10[%dma_start3A_35] : memref<4x!tpu.dma_semaphore, #tpu.memory_space<semaphore_mem>> -> memref<1x!tpu.dma_semaphore, #tpu.memory_space<semaphore_mem>>
    %dma_start3A_47 = tpu.memref_squeeze %dma_start3A_46 : memref<1x!tpu.dma_semaphore, #tpu.memory_space<semaphore_mem>> -> memref<!tpu.dma_semaphore, #tpu.memory_space<semaphore_mem>>
    tpu.enqueue_indirect_dma source(%dma_start3A_45 : memref<10000x128xi32, #tpu.memory_space<hbm>>) target(%dma_start3A_39 : memref<80x128xi32, #tpu.memory_space<vmem>>) offsets(%dma_start3A_42 : memref<80xi32, #tpu.memory_space<vmem>>) semaphore(%dma_start3A_47 : memref<!tpu.dma_semaphore, #tpu.memory_space<semaphore_mem>>)
    %dma_start3A_48 = arith.constant 1 : i32
    %dma_start3A_49 = arith.constant 1 : i32
    %dma_start3A_50 = arith.constant 1 : i32
    %dma_start3A_51 = arith.constant 0 : i32
    %dma_start3A_52 = arith.constant 0 : i32
    %dma_start3A_53 = tpu.memref_slice %arg9[%dma_start3A_49, %dma_start3A_51, %dma_start3A_52] : memref<4x80x128xi32, #tpu.memory_space<vmem>> -> memref<1x80x128xi32, #tpu.memory_space<vmem>>
    %dma_start3A_54 = tpu.memref_squeeze %dma_start3A_53 : memref<1x80x128xi32, #tpu.memory_space<vmem>> -> memref<80x128xi32, #tpu.memory_space<vmem>>
    %dma_start3A_55 = arith.constant 0 : i32
    %dma_start3A_56 = tpu.memref_slice %arg7[%dma_start3A_48, %dma_start3A_55] : memref<125x80xi32, #tpu.memory_space<vmem>> -> memref<1x80xi32, #tpu.memory_space<vmem>>
    %dma_start3A_57 = tpu.memref_squeeze %dma_start3A_56 : memref<1x80xi32, #tpu.memory_space<vmem>> -> memref<80xi32, #tpu.memory_space<vmem>>
    %dma_start3A_58 = arith.constant 0 : i32
    %dma_start3A_59 = arith.constant 0 : i32
    %dma_start3A_60 = tpu.memref_slice %arg3[%dma_start3A_58, %dma_start3A_59] : memref<10000x128xi32, #tpu.memory_space<hbm>> -> memref<10000x128xi32, #tpu.memory_space<hbm>>
    %dma_start3A_61 = tpu.memref_slice %arg10[%dma_start3A_50] : memref<4x!tpu.dma_semaphore, #tpu.memory_space<semaphore_mem>> -> memref<1x!tpu.dma_semaphore, #tpu.memory_space<semaphore_mem>>
    %dma_start3A_62 = tpu.memref_squeeze %dma_start3A_61 : memref<1x!tpu.dma_semaphore, #tpu.memory_space<semaphore_mem>> -> memref<!tpu.dma_semaphore, #tpu.memory_space<semaphore_mem>>
    tpu.enqueue_indirect_dma source(%dma_start3A_60 : memref<10000x128xi32, #tpu.memory_space<hbm>>) target(%dma_start3A_54 : memref<80x128xi32, #tpu.memory_space<vmem>>) offsets(%dma_start3A_57 : memref<80xi32, #tpu.memory_space<vmem>>) semaphore(%dma_start3A_62 : memref<!tpu.dma_semaphore, #tpu.memory_space<semaphore_mem>>)
    %dma_start3A_63 = arith.constant 2 : i32
    %dma_start3A_64 = arith.constant 2 : i32
    %dma_start3A_65 = arith.constant 2 : i32
    %dma_start3A_66 = arith.constant 0 : i32
    %dma_start3A_67 = arith.constant 0 : i32
    %dma_start3A_68 = tpu.memref_slice %arg8[%dma_start3A_64, %dma_start3A_66, %dma_start3A_67] : memref<4x80x128xi32, #tpu.memory_space<vmem>> -> memref<1x80x128xi32, #tpu.memory_space<vmem>>
    %dma_start3A_69 = tpu.memref_squeeze %dma_start3A_68 : memref<1x80x128xi32, #tpu.memory_space<vmem>> -> memref<80x128xi32, #tpu.memory_space<vmem>>
    %dma_start3A_70 = arith.constant 0 : i32
    %dma_start3A_71 = tpu.memref_slice %arg6[%dma_start3A_63, %dma_start3A_70] : memref<125x80xi32, #tpu.memory_space<vmem>> -> memref<1x80xi32, #tpu.memory_space<vmem>>
    %dma_start3A_72 = tpu.memref_squeeze %dma_start3A_71 : memref<1x80xi32, #tpu.memory_space<vmem>> -> memref<80xi32, #tpu.memory_space<vmem>>
    %dma_start3A_73 = arith.constant 0 : i32
    %dma_start3A_74 = arith.constant 0 : i32
    %dma_start3A_75 = tpu.memref_slice %arg2[%dma_start3A_73, %dma_start3A_74] : memref<10000x128xi32, #tpu.memory_space<hbm>> -> memref<10000x128xi32, #tpu.memory_space<hbm>>
    %dma_start3A_76 = tpu.memref_slice %arg10[%dma_start3A_65] : memref<4x!tpu.dma_semaphore, #tpu.memory_space<semaphore_mem>> -> memref<1x!tpu.dma_semaphore, #tpu.memory_space<semaphore_mem>>
    %dma_start3A_77 = tpu.memref_squeeze %dma_start3A_76 : memref<1x!tpu.dma_semaphore, #tpu.memory_space<semaphore_mem>> -> memref<!tpu.dma_semaphore, #tpu.memory_space<semaphore_mem>>
    tpu.enqueue_indirect_dma source(%dma_start3A_75 : memref<10000x128xi32, #tpu.memory_space<hbm>>) target(%dma_start3A_69 : memref<80x128xi32, #tpu.memory_space<vmem>>) offsets(%dma_start3A_72 : memref<80xi32, #tpu.memory_space<vmem>>) semaphore(%dma_start3A_77 : memref<!tpu.dma_semaphore, #tpu.memory_space<semaphore_mem>>)
    %dma_start3A_78 = arith.constant 2 : i32
    %dma_start3A_79 = arith.constant 2 : i32
    %dma_start3A_80 = arith.constant 2 : i32
    %dma_start3A_81 = arith.constant 0 : i32
    %dma_start3A_82 = arith.constant 0 : i32
    %dma_start3A_83 = tpu.memref_slice %arg9[%dma_start3A_79, %dma_start3A_81, %dma_start3A_82] : memref<4x80x128xi32, #tpu.memory_space<vmem>> -> memref<1x80x128xi32, #tpu.memory_space<vmem>>
    %dma_start3A_84 = tpu.memref_squeeze %dma_start3A_83 : memref<1x80x128xi32, #tpu.memory_space<vmem>> -> memref<80x128xi32, #tpu.memory_space<vmem>>
    %dma_start3A_85 = arith.constant 0 : i32
    %dma_start3A_86 = tpu.memref_slice %arg7[%dma_start3A_78, %dma_start3A_85] : memref<125x80xi32, #tpu.memory_space<vmem>> -> memref<1x80xi32, #tpu.memory_space<vmem>>
    %dma_start3A_87 = tpu.memref_squeeze %dma_start3A_86 : memref<1x80xi32, #tpu.memory_space<vmem>> -> memref<80xi32, #tpu.memory_space<vmem>>
    %dma_start3A_88 = arith.constant 0 : i32
    %dma_start3A_89 = arith.constant 0 : i32
    %dma_start3A_90 = tpu.memref_slice %arg3[%dma_start3A_88, %dma_start3A_89] : memref<10000x128xi32, #tpu.memory_space<hbm>> -> memref<10000x128xi32, #tpu.memory_space<hbm>>
    %dma_start3A_91 = tpu.memref_slice %arg10[%dma_start3A_80] : memref<4x!tpu.dma_semaphore, #tpu.memory_space<semaphore_mem>> -> memref<1x!tpu.dma_semaphore, #tpu.memory_space<semaphore_mem>>
    %dma_start3A_92 = tpu.memref_squeeze %dma_start3A_91 : memref<1x!tpu.dma_semaphore, #tpu.memory_space<semaphore_mem>> -> memref<!tpu.dma_semaphore, #tpu.memory_space<semaphore_mem>>
    tpu.enqueue_indirect_dma source(%dma_start3A_90 : memref<10000x128xi32, #tpu.memory_space<hbm>>) target(%dma_start3A_84 : memref<80x128xi32, #tpu.memory_space<vmem>>) offsets(%dma_start3A_87 : memref<80xi32, #tpu.memory_space<vmem>>) semaphore(%dma_start3A_92 : memref<!tpu.dma_semaphore, #tpu.memory_space<semaphore_mem>>)
    %dma_start3A_93 = arith.constant 3 : i32
    %dma_start3A_94 = arith.constant 3 : i32
    %dma_start3A_95 = arith.constant 3 : i32
    %dma_start3A_96 = arith.constant 0 : i32
    %dma_start3A_97 = arith.constant 0 : i32
    %dma_start3A_98 = tpu.memref_slice %arg8[%dma_start3A_94, %dma_start3A_96, %dma_start3A_97] : memref<4x80x128xi32, #tpu.memory_space<vmem>> -> memref<1x80x128xi32, #tpu.memory_space<vmem>>
    %dma_start3A_99 = tpu.memref_squeeze %dma_start3A_98 : memref<1x80x128xi32, #tpu.memory_space<vmem>> -> memref<80x128xi32, #tpu.memory_space<vmem>>
    %dma_start3A_100 = arith.constant 0 : i32
    %dma_start3A_101 = tpu.memref_slice %arg6[%dma_start3A_93, %dma_start3A_100] : memref<125x80xi32, #tpu.memory_space<vmem>> -> memref<1x80xi32, #tpu.memory_space<vmem>>
    %dma_start3A_102 = tpu.memref_squeeze %dma_start3A_101 : memref<1x80xi32, #tpu.memory_space<vmem>> -> memref<80xi32, #tpu.memory_space<vmem>>
    %dma_start3A_103 = arith.constant 0 : i32
    %dma_start3A_104 = arith.constant 0 : i32
    %dma_start3A_105 = tpu.memref_slice %arg2[%dma_start3A_103, %dma_start3A_104] : memref<10000x128xi32, #tpu.memory_space<hbm>> -> memref<10000x128xi32, #tpu.memory_space<hbm>>
    %dma_start3A_106 = tpu.memref_slice %arg10[%dma_start3A_95] : memref<4x!tpu.dma_semaphore, #tpu.memory_space<semaphore_mem>> -> memref<1x!tpu.dma_semaphore, #tpu.memory_space<semaphore_mem>>
    %dma_start3A_107 = tpu.memref_squeeze %dma_start3A_106 : memref<1x!tpu.dma_semaphore, #tpu.memory_space<semaphore_mem>> -> memref<!tpu.dma_semaphore, #tpu.memory_space<semaphore_mem>>
    tpu.enqueue_indirect_dma source(%dma_start3A_105 : memref<10000x128xi32, #tpu.memory_space<hbm>>) target(%dma_start3A_99 : memref<80x128xi32, #tpu.memory_space<vmem>>) offsets(%dma_start3A_102 : memref<80xi32, #tpu.memory_space<vmem>>) semaphore(%dma_start3A_107 : memref<!tpu.dma_semaphore, #tpu.memory_space<semaphore_mem>>)
    %dma_start3A_108 = arith.constant 3 : i32
    %dma_start3A_109 = arith.constant 3 : i32
    %dma_start3A_110 = arith.constant 3 : i32
    %dma_start3A_111 = arith.constant 0 : i32
    %dma_start3A_112 = arith.constant 0 : i32
    %dma_start3A_113 = tpu.memref_slice %arg9[%dma_start3A_109, %dma_start3A_111, %dma_start3A_112] : memref<4x80x128xi32, #tpu.memory_space<vmem>> -> memref<1x80x128xi32, #tpu.memory_space<vmem>>
    %dma_start3A_114 = tpu.memref_squeeze %dma_start3A_113 : memref<1x80x128xi32, #tpu.memory_space<vmem>> -> memref<80x128xi32, #tpu.memory_space<vmem>>
    %dma_start3A_115 = arith.constant 0 : i32
    %dma_start3A_116 = tpu.memref_slice %arg7[%dma_start3A_108, %dma_start3A_115] : memref<125x80xi32, #tpu.memory_space<vmem>> -> memref<1x80xi32, #tpu.memory_space<vmem>>
    %dma_start3A_117 = tpu.memref_squeeze %dma_start3A_116 : memref<1x80xi32, #tpu.memory_space<vmem>> -> memref<80xi32, #tpu.memory_space<vmem>>
    %dma_start3A_118 = arith.constant 0 : i32
    %dma_start3A_119 = arith.constant 0 : i32
    %dma_start3A_120 = tpu.memref_slice %arg3[%dma_start3A_118, %dma_start3A_119] : memref<10000x128xi32, #tpu.memory_space<hbm>> -> memref<10000x128xi32, #tpu.memory_space<hbm>>
    %dma_start3A_121 = tpu.memref_slice %arg10[%dma_start3A_110] : memref<4x!tpu.dma_semaphore, #tpu.memory_space<semaphore_mem>> -> memref<1x!tpu.dma_semaphore, #tpu.memory_space<semaphore_mem>>
    %dma_start3A_122 = tpu.memref_squeeze %dma_start3A_121 : memref<1x!tpu.dma_semaphore, #tpu.memory_space<semaphore_mem>> -> memref<!tpu.dma_semaphore, #tpu.memory_space<semaphore_mem>>
    tpu.enqueue_indirect_dma source(%dma_start3A_120 : memref<10000x128xi32, #tpu.memory_space<hbm>>) target(%dma_start3A_114 : memref<80x128xi32, #tpu.memory_space<vmem>>) offsets(%dma_start3A_117 : memref<80xi32, #tpu.memory_space<vmem>>) semaphore(%dma_start3A_122 : memref<!tpu.dma_semaphore, #tpu.memory_space<semaphore_mem>>)
    %scan3A = arith.constant 0 : i32
    %scan3A_123 = arith.constant 0 : i32
    %scan3A_124 = arith.constant 31 : i32
    %scan3A_125 = arith.addi %scan3A_123, %scan3A_124 : i32
    %scan3A_126 = arith.constant 1 : i32
    scf.for %scan3A_163 = %scan3A_123 to %scan3A_125 step %scan3A_126  : i32 {
      %mul3A_164 = arith.constant 4 : i32
      %mul3A_165 = arith.muli %mul3A_164, %scan3A_163 : i32
      %add3A_166 = arith.constant 0 : i32
      %add3A_167 = arith.addi %mul3A_165, %add3A_166 : i32
      %dma_wait3A_168 = arith.constant 0 : i32
      %dma_wait3A_169 = arith.constant 0 : i32
      %dma_wait3A_170 = arith.constant 0 : i32
      %dma_wait3A_171 = arith.constant 0 : i32
      %dma_wait3A_172 = tpu.memref_slice %arg8[%dma_wait3A_168, %dma_wait3A_170, %dma_wait3A_171] : memref<4x80x128xi32, #tpu.memory_space<vmem>> -> memref<1x80x128xi32, #tpu.memory_space<vmem>>
      %dma_wait3A_173 = tpu.memref_squeeze %dma_wait3A_172 : memref<1x80x128xi32, #tpu.memory_space<vmem>> -> memref<80x128xi32, #tpu.memory_space<vmem>>
      %dma_wait3A_174 = arith.constant 0 : i32
      %dma_wait3A_175 = tpu.memref_slice %arg6[%add3A_167, %dma_wait3A_174] : memref<125x80xi32, #tpu.memory_space<vmem>> -> memref<1x80xi32, #tpu.memory_space<vmem>>
      %dma_wait3A_176 = tpu.memref_squeeze %dma_wait3A_175 : memref<1x80xi32, #tpu.memory_space<vmem>> -> memref<80xi32, #tpu.memory_space<vmem>>
      %dma_wait3A_177 = arith.constant 0 : i32
      %dma_wait3A_178 = arith.constant 0 : i32
      %dma_wait3A_179 = tpu.memref_slice %arg2[%dma_wait3A_177, %dma_wait3A_178] : memref<10000x128xi32, #tpu.memory_space<hbm>> -> memref<10000x128xi32, #tpu.memory_space<hbm>>
      %dma_wait3A_180 = tpu.memref_slice %arg10[%dma_wait3A_169] : memref<4x!tpu.dma_semaphore, #tpu.memory_space<semaphore_mem>> -> memref<1x!tpu.dma_semaphore, #tpu.memory_space<semaphore_mem>>
      %dma_wait3A_181 = tpu.memref_squeeze %dma_wait3A_180 : memref<1x!tpu.dma_semaphore, #tpu.memory_space<semaphore_mem>> -> memref<!tpu.dma_semaphore, #tpu.memory_space<semaphore_mem>>
      tpu.wait_indirect_dma semaphore(%dma_wait3A_181 : memref<!tpu.dma_semaphore, #tpu.memory_space<semaphore_mem>>) src(%dma_wait3A_179 : memref<10000x128xi32, #tpu.memory_space<hbm>>) dst(%dma_wait3A_173 : memref<80x128xi32, #tpu.memory_space<vmem>>)
      %dma_wait3A_182 = arith.constant 0 : i32
      %dma_wait3A_183 = arith.constant 0 : i32
      %dma_wait3A_184 = arith.constant 0 : i32
      %dma_wait3A_185 = arith.constant 0 : i32
      %dma_wait3A_186 = tpu.memref_slice %arg9[%dma_wait3A_182, %dma_wait3A_184, %dma_wait3A_185] : memref<4x80x128xi32, #tpu.memory_space<vmem>> -> memref<1x80x128xi32, #tpu.memory_space<vmem>>
      %dma_wait3A_187 = tpu.memref_squeeze %dma_wait3A_186 : memref<1x80x128xi32, #tpu.memory_space<vmem>> -> memref<80x128xi32, #tpu.memory_space<vmem>>
      %dma_wait3A_188 = arith.constant 0 : i32
      %dma_wait3A_189 = tpu.memref_slice %arg7[%add3A_167, %dma_wait3A_188] : memref<125x80xi32, #tpu.memory_space<vmem>> -> memref<1x80xi32, #tpu.memory_space<vmem>>
      %dma_wait3A_190 = tpu.memref_squeeze %dma_wait3A_189 : memref<1x80xi32, #tpu.memory_space<vmem>> -> memref<80xi32, #tpu.memory_space<vmem>>
      %dma_wait3A_191 = arith.constant 0 : i32
      %dma_wait3A_192 = arith.constant 0 : i32
      %dma_wait3A_193 = tpu.memref_slice %arg3[%dma_wait3A_191, %dma_wait3A_192] : memref<10000x128xi32, #tpu.memory_space<hbm>> -> memref<10000x128xi32, #tpu.memory_space<hbm>>
      %dma_wait3A_194 = tpu.memref_slice %arg10[%dma_wait3A_183] : memref<4x!tpu.dma_semaphore, #tpu.memory_space<semaphore_mem>> -> memref<1x!tpu.dma_semaphore, #tpu.memory_space<semaphore_mem>>
      %dma_wait3A_195 = tpu.memref_squeeze %dma_wait3A_194 : memref<1x!tpu.dma_semaphore, #tpu.memory_space<semaphore_mem>> -> memref<!tpu.dma_semaphore, #tpu.memory_space<semaphore_mem>>
      tpu.wait_indirect_dma semaphore(%dma_wait3A_195 : memref<!tpu.dma_semaphore, #tpu.memory_space<semaphore_mem>>) src(%dma_wait3A_193 : memref<10000x128xi32, #tpu.memory_space<hbm>>) dst(%dma_wait3A_187 : memref<80x128xi32, #tpu.memory_space<vmem>>)
      %mul3A_196 = arith.constant 80 : i32
      %mul3A_197 = arith.muli %add3A_167, %mul3A_196 : i32
      %add3A_198 = arith.addi %mul3A_2, %mul3A_197 : i32
      %run_scoped3A_199 = arith.constant 0 : i32
      %run_scoped3A_200 = arith.constant 0 : i32
      "tpu.region"() ({
        %run_scoped3A_337 = tpu.sem_alloc : memref<!tpu.dma_semaphore, #tpu.memory_space<semaphore_mem>>
        %dma_start3A_338 = arith.constant 0 : i32
        %dma_start3A_339 = arith.constant 0 : i32
        %dma_start3A_340 = tpu.memref_slice %arg8[%run_scoped3A_199, %dma_start3A_338, %dma_start3A_339] : memref<4x80x128xi32, #tpu.memory_space<vmem>> -> memref<1x80x128xi32, #tpu.memory_space<vmem>>
        %dma_start3A_341 = tpu.memref_squeeze %dma_start3A_340 : memref<1x80x128xi32, #tpu.memory_space<vmem>> -> memref<80x128xi32, #tpu.memory_space<vmem>>
        %dma_start3A_342 = arith.constant 0 : i32
        %dma_start3A_343 = tpu.memref_slice %arg5[%run_scoped3A_200, %add3A_198, %dma_start3A_342] : memref<2x320000x128xi32, #tpu.memory_space<hbm>> -> memref<1x80x128xi32, #tpu.memory_space<hbm>>
        %dma_start3A_344 = tpu.memref_squeeze %dma_start3A_343 : memref<1x80x128xi32, #tpu.memory_space<hbm>> -> memref<80x128xi32, #tpu.memory_space<hbm>>
        %dma_start3A_345 = arith.constant 0 : i32
        %dma_start3A_346 = tpu.memref_slice %arg5[%run_scoped3A_200, %add3A_198, %dma_start3A_345] : memref<2x320000x128xi32, #tpu.memory_space<hbm>> -> memref<1x80x128xi32, #tpu.memory_space<hbm>>
        %dma_start3A_347 = tpu.memref_squeeze %dma_start3A_346 : memref<1x80x128xi32, #tpu.memory_space<hbm>> -> memref<80x128xi32, #tpu.memory_space<hbm>>
        %dma_start3A_348 = arith.constant 0 : i32
        %dma_start3A_349 = arith.constant 0 : i32
        %dma_start3A_350 = tpu.memref_slice %arg8[%run_scoped3A_199, %dma_start3A_348, %dma_start3A_349] : memref<4x80x128xi32, #tpu.memory_space<vmem>> -> memref<1x80x128xi32, #tpu.memory_space<vmem>>
        %dma_start3A_351 = tpu.memref_squeeze %dma_start3A_350 : memref<1x80x128xi32, #tpu.memory_space<vmem>> -> memref<80x128xi32, #tpu.memory_space<vmem>>
        tpu.enqueue_dma source(%dma_start3A_351 : memref<80x128xi32, #tpu.memory_space<vmem>>) target(%dma_start3A_347 : memref<80x128xi32, #tpu.memory_space<hbm>>) target_semaphore(%run_scoped3A_337 : memref<!tpu.dma_semaphore, #tpu.memory_space<semaphore_mem>>)
        %dma_wait3A_352 = arith.constant 0 : i32
        %dma_wait3A_353 = arith.constant 0 : i32
        %dma_wait3A_354 = tpu.memref_slice %arg8[%run_scoped3A_199, %dma_wait3A_352, %dma_wait3A_353] : memref<4x80x128xi32, #tpu.memory_space<vmem>> -> memref<1x80x128xi32, #tpu.memory_space<vmem>>
        %dma_wait3A_355 = tpu.memref_squeeze %dma_wait3A_354 : memref<1x80x128xi32, #tpu.memory_space<vmem>> -> memref<80x128xi32, #tpu.memory_space<vmem>>
        %dma_wait3A_356 = arith.constant 0 : i32
        %dma_wait3A_357 = tpu.memref_slice %arg5[%run_scoped3A_200, %add3A_198, %dma_wait3A_356] : memref<2x320000x128xi32, #tpu.memory_space<hbm>> -> memref<1x80x128xi32, #tpu.memory_space<hbm>>
        %dma_wait3A_358 = tpu.memref_squeeze %dma_wait3A_357 : memref<1x80x128xi32, #tpu.memory_space<hbm>> -> memref<80x128xi32, #tpu.memory_space<hbm>>
        %dma_wait3A_359 = arith.constant 0 : i32
        %dma_wait3A_360 = tpu.memref_slice %arg5[%run_scoped3A_200, %add3A_198, %dma_wait3A_359] : memref<2x320000x128xi32, #tpu.memory_space<hbm>> -> memref<1x80x128xi32, #tpu.memory_space<hbm>>
        %dma_wait3A_361 = tpu.memref_squeeze %dma_wait3A_360 : memref<1x80x128xi32, #tpu.memory_space<hbm>> -> memref<80x128xi32, #tpu.memory_space<hbm>>
        %dma_wait3A_362 = arith.constant 0 : i32
        %dma_wait3A_363 = arith.constant 0 : i32
        %dma_wait3A_364 = tpu.memref_slice %arg8[%run_scoped3A_199, %dma_wait3A_362, %dma_wait3A_363] : memref<4x80x128xi32, #tpu.memory_space<vmem>> -> memref<1x80x128xi32, #tpu.memory_space<vmem>>
        %dma_wait3A_365 = tpu.memref_squeeze %dma_wait3A_364 : memref<1x80x128xi32, #tpu.memory_space<vmem>> -> memref<80x128xi32, #tpu.memory_space<vmem>>
        tpu.wait_dma2 semaphore(%run_scoped3A_337 : memref<!tpu.dma_semaphore, #tpu.memory_space<semaphore_mem>>) src(%dma_wait3A_365 : memref<80x128xi32, #tpu.memory_space<vmem>>) dst(%dma_wait3A_361 : memref<80x128xi32, #tpu.memory_space<hbm>>)
        tpu.yield
      }) : () -> ()
      %run_scoped3A_201 = arith.constant 0 : i32
      %run_scoped3A_202 = arith.constant 1 : i32
      "tpu.region"() ({
        %run_scoped3A_337 = tpu.sem_alloc : memref<!tpu.dma_semaphore, #tpu.memory_space<semaphore_mem>>
        %dma_start3A_338 = arith.constant 0 : i32
        %dma_start3A_339 = arith.constant 0 : i32
        %dma_start3A_340 = tpu.memref_slice %arg9[%run_scoped3A_201, %dma_start3A_338, %dma_start3A_339] : memref<4x80x128xi32, #tpu.memory_space<vmem>> -> memref<1x80x128xi32, #tpu.memory_space<vmem>>
        %dma_start3A_341 = tpu.memref_squeeze %dma_start3A_340 : memref<1x80x128xi32, #tpu.memory_space<vmem>> -> memref<80x128xi32, #tpu.memory_space<vmem>>
        %dma_start3A_342 = arith.constant 0 : i32
        %dma_start3A_343 = tpu.memref_slice %arg5[%run_scoped3A_202, %add3A_198, %dma_start3A_342] : memref<2x320000x128xi32, #tpu.memory_space<hbm>> -> memref<1x80x128xi32, #tpu.memory_space<hbm>>
        %dma_start3A_344 = tpu.memref_squeeze %dma_start3A_343 : memref<1x80x128xi32, #tpu.memory_space<hbm>> -> memref<80x128xi32, #tpu.memory_space<hbm>>
        %dma_start3A_345 = arith.constant 0 : i32
        %dma_start3A_346 = tpu.memref_slice %arg5[%run_scoped3A_202, %add3A_198, %dma_start3A_345] : memref<2x320000x128xi32, #tpu.memory_space<hbm>> -> memref<1x80x128xi32, #tpu.memory_space<hbm>>
        %dma_start3A_347 = tpu.memref_squeeze %dma_start3A_346 : memref<1x80x128xi32, #tpu.memory_space<hbm>> -> memref<80x128xi32, #tpu.memory_space<hbm>>
        %dma_start3A_348 = arith.constant 0 : i32
        %dma_start3A_349 = arith.constant 0 : i32
        %dma_start3A_350 = tpu.memref_slice %arg9[%run_scoped3A_201, %dma_start3A_348, %dma_start3A_349] : memref<4x80x128xi32, #tpu.memory_space<vmem>> -> memref<1x80x128xi32, #tpu.memory_space<vmem>>
        %dma_start3A_351 = tpu.memref_squeeze %dma_start3A_350 : memref<1x80x128xi32, #tpu.memory_space<vmem>> -> memref<80x128xi32, #tpu.memory_space<vmem>>
        tpu.enqueue_dma source(%dma_start3A_351 : memref<80x128xi32, #tpu.memory_space<vmem>>) target(%dma_start3A_347 : memref<80x128xi32, #tpu.memory_space<hbm>>) target_semaphore(%run_scoped3A_337 : memref<!tpu.dma_semaphore, #tpu.memory_space<semaphore_mem>>)
        %dma_wait3A_352 = arith.constant 0 : i32
        %dma_wait3A_353 = arith.constant 0 : i32
        %dma_wait3A_354 = tpu.memref_slice %arg9[%run_scoped3A_201, %dma_wait3A_352, %dma_wait3A_353] : memref<4x80x128xi32, #tpu.memory_space<vmem>> -> memref<1x80x128xi32, #tpu.memory_space<vmem>>
        %dma_wait3A_355 = tpu.memref_squeeze %dma_wait3A_354 : memref<1x80x128xi32, #tpu.memory_space<vmem>> -> memref<80x128xi32, #tpu.memory_space<vmem>>
        %dma_wait3A_356 = arith.constant 0 : i32
        %dma_wait3A_357 = tpu.memref_slice %arg5[%run_scoped3A_202, %add3A_198, %dma_wait3A_356] : memref<2x320000x128xi32, #tpu.memory_space<hbm>> -> memref<1x80x128xi32, #tpu.memory_space<hbm>>
        %dma_wait3A_358 = tpu.memref_squeeze %dma_wait3A_357 : memref<1x80x128xi32, #tpu.memory_space<hbm>> -> memref<80x128xi32, #tpu.memory_space<hbm>>
        %dma_wait3A_359 = arith.constant 0 : i32
        %dma_wait3A_360 = tpu.memref_slice %arg5[%run_scoped3A_202, %add3A_198, %dma_wait3A_359] : memref<2x320000x128xi32, #tpu.memory_space<hbm>> -> memref<1x80x128xi32, #tpu.memory_space<hbm>>
        %dma_wait3A_361 = tpu.memref_squeeze %dma_wait3A_360 : memref<1x80x128xi32, #tpu.memory_space<hbm>> -> memref<80x128xi32, #tpu.memory_space<hbm>>
        %dma_wait3A_362 = arith.constant 0 : i32
        %dma_wait3A_363 = arith.constant 0 : i32
        %dma_wait3A_364 = tpu.memref_slice %arg9[%run_scoped3A_201, %dma_wait3A_362, %dma_wait3A_363] : memref<4x80x128xi32, #tpu.memory_space<vmem>> -> memref<1x80x128xi32, #tpu.memory_space<vmem>>
        %dma_wait3A_365 = tpu.memref_squeeze %dma_wait3A_364 : memref<1x80x128xi32, #tpu.memory_space<vmem>> -> memref<80x128xi32, #tpu.memory_space<vmem>>
        tpu.wait_dma2 semaphore(%run_scoped3A_337 : memref<!tpu.dma_semaphore, #tpu.memory_space<semaphore_mem>>) src(%dma_wait3A_365 : memref<80x128xi32, #tpu.memory_space<vmem>>) dst(%dma_wait3A_361 : memref<80x128xi32, #tpu.memory_space<hbm>>)
        tpu.yield
      }) : () -> ()
      %lt3A = arith.constant 121 : i32
      %lt3A_203 = arith.cmpi slt, %add3A_167, %lt3A : i32
      %convert_element_type3A = arith.extui %lt3A_203 : i1 to i32
      %cond3A = arith.constant 0 : i32
      %cond3A_204 = arith.cmpi ne, %convert_element_type3A, %cond3A : i32
      scf.if %cond3A_204 {
        %add3A_337 = arith.constant 4 : i32
        %add3A_338 = arith.addi %add3A_167, %add3A_337 : i32
        %dma_start3A_339 = arith.constant 0 : i32
        %dma_start3A_340 = arith.constant 0 : i32
        %dma_start3A_341 = arith.constant 0 : i32
        %dma_start3A_342 = arith.constant 0 : i32
        %dma_start3A_343 = tpu.memref_slice %arg8[%dma_start3A_339, %dma_start3A_341, %dma_start3A_342] : memref<4x80x128xi32, #tpu.memory_space<vmem>> -> memref<1x80x128xi32, #tpu.memory_space<vmem>>
        %dma_start3A_344 = tpu.memref_squeeze %dma_start3A_343 : memref<1x80x128xi32, #tpu.memory_space<vmem>> -> memref<80x128xi32, #tpu.memory_space<vmem>>
        %dma_start3A_345 = arith.constant 0 : i32
        %dma_start3A_346 = tpu.memref_slice %arg6[%add3A_338, %dma_start3A_345] : memref<125x80xi32, #tpu.memory_space<vmem>> -> memref<1x80xi32, #tpu.memory_space<vmem>>
        %dma_start3A_347 = tpu.memref_squeeze %dma_start3A_346 : memref<1x80xi32, #tpu.memory_space<vmem>> -> memref<80xi32, #tpu.memory_space<vmem>>
        %dma_start3A_348 = arith.constant 0 : i32
        %dma_start3A_349 = arith.constant 0 : i32
        %dma_start3A_350 = tpu.memref_slice %arg2[%dma_start3A_348, %dma_start3A_349] : memref<10000x128xi32, #tpu.memory_space<hbm>> -> memref<10000x128xi32, #tpu.memory_space<hbm>>
        %dma_start3A_351 = tpu.memref_slice %arg10[%dma_start3A_340] : memref<4x!tpu.dma_semaphore, #tpu.memory_space<semaphore_mem>> -> memref<1x!tpu.dma_semaphore, #tpu.memory_space<semaphore_mem>>
        %dma_start3A_352 = tpu.memref_squeeze %dma_start3A_351 : memref<1x!tpu.dma_semaphore, #tpu.memory_space<semaphore_mem>> -> memref<!tpu.dma_semaphore, #tpu.memory_space<semaphore_mem>>
        tpu.enqueue_indirect_dma source(%dma_start3A_350 : memref<10000x128xi32, #tpu.memory_space<hbm>>) target(%dma_start3A_344 : memref<80x128xi32, #tpu.memory_space<vmem>>) offsets(%dma_start3A_347 : memref<80xi32, #tpu.memory_space<vmem>>) semaphore(%dma_start3A_352 : memref<!tpu.dma_semaphore, #tpu.memory_space<semaphore_mem>>)
        %dma_start3A_353 = arith.constant 0 : i32
        %dma_start3A_354 = arith.constant 0 : i32
        %dma_start3A_355 = arith.constant 0 : i32
        %dma_start3A_356 = arith.constant 0 : i32
        %dma_start3A_357 = tpu.memref_slice %arg9[%dma_start3A_353, %dma_start3A_355, %dma_start3A_356] : memref<4x80x128xi32, #tpu.memory_space<vmem>> -> memref<1x80x128xi32, #tpu.memory_space<vmem>>
        %dma_start3A_358 = tpu.memref_squeeze %dma_start3A_357 : memref<1x80x128xi32, #tpu.memory_space<vmem>> -> memref<80x128xi32, #tpu.memory_space<vmem>>
        %dma_start3A_359 = arith.constant 0 : i32
        %dma_start3A_360 = tpu.memref_slice %arg7[%add3A_338, %dma_start3A_359] : memref<125x80xi32, #tpu.memory_space<vmem>> -> memref<1x80xi32, #tpu.memory_space<vmem>>
        %dma_start3A_361 = tpu.memref_squeeze %dma_start3A_360 : memref<1x80xi32, #tpu.memory_space<vmem>> -> memref<80xi32, #tpu.memory_space<vmem>>
        %dma_start3A_362 = arith.constant 0 : i32
        %dma_start3A_363 = arith.constant 0 : i32
        %dma_start3A_364 = tpu.memref_slice %arg3[%dma_start3A_362, %dma_start3A_363] : memref<10000x128xi32, #tpu.memory_space<hbm>> -> memref<10000x128xi32, #tpu.memory_space<hbm>>
        %dma_start3A_365 = tpu.memref_slice %arg10[%dma_start3A_354] : memref<4x!tpu.dma_semaphore, #tpu.memory_space<semaphore_mem>> -> memref<1x!tpu.dma_semaphore, #tpu.memory_space<semaphore_mem>>
        %dma_start3A_366 = tpu.memref_squeeze %dma_start3A_365 : memref<1x!tpu.dma_semaphore, #tpu.memory_space<semaphore_mem>> -> memref<!tpu.dma_semaphore, #tpu.memory_space<semaphore_mem>>
        tpu.enqueue_indirect_dma source(%dma_start3A_364 : memref<10000x128xi32, #tpu.memory_space<hbm>>) target(%dma_start3A_358 : memref<80x128xi32, #tpu.memory_space<vmem>>) offsets(%dma_start3A_361 : memref<80xi32, #tpu.memory_space<vmem>>) semaphore(%dma_start3A_366 : memref<!tpu.dma_semaphore, #tpu.memory_space<semaphore_mem>>)
      } else {
      }
      %mul3A_205 = arith.constant 4 : i32
      %mul3A_206 = arith.muli %mul3A_205, %scan3A_163 : i32
      %add3A_207 = arith.constant 1 : i32
      %add3A_208 = arith.addi %mul3A_206, %add3A_207 : i32
      %dma_wait3A_209 = arith.constant 1 : i32
      %dma_wait3A_210 = arith.constant 1 : i32
      %dma_wait3A_211 = arith.constant 0 : i32
      %dma_wait3A_212 = arith.constant 0 : i32
      %dma_wait3A_213 = tpu.memref_slice %arg8[%dma_wait3A_209, %dma_wait3A_211, %dma_wait3A_212] : memref<4x80x128xi32, #tpu.memory_space<vmem>> -> memref<1x80x128xi32, #tpu.memory_space<vmem>>
      %dma_wait3A_214 = tpu.memref_squeeze %dma_wait3A_213 : memref<1x80x128xi32, #tpu.memory_space<vmem>> -> memref<80x128xi32, #tpu.memory_space<vmem>>
      %dma_wait3A_215 = arith.constant 0 : i32
      %dma_wait3A_216 = tpu.memref_slice %arg6[%add3A_208, %dma_wait3A_215] : memref<125x80xi32, #tpu.memory_space<vmem>> -> memref<1x80xi32, #tpu.memory_space<vmem>>
      %dma_wait3A_217 = tpu.memref_squeeze %dma_wait3A_216 : memref<1x80xi32, #tpu.memory_space<vmem>> -> memref<80xi32, #tpu.memory_space<vmem>>
      %dma_wait3A_218 = arith.constant 0 : i32
      %dma_wait3A_219 = arith.constant 0 : i32
      %dma_wait3A_220 = tpu.memref_slice %arg2[%dma_wait3A_218, %dma_wait3A_219] : memref<10000x128xi32, #tpu.memory_space<hbm>> -> memref<10000x128xi32, #tpu.memory_space<hbm>>
      %dma_wait3A_221 = tpu.memref_slice %arg10[%dma_wait3A_210] : memref<4x!tpu.dma_semaphore, #tpu.memory_space<semaphore_mem>> -> memref<1x!tpu.dma_semaphore, #tpu.memory_space<semaphore_mem>>
      %dma_wait3A_222 = tpu.memref_squeeze %dma_wait3A_221 : memref<1x!tpu.dma_semaphore, #tpu.memory_space<semaphore_mem>> -> memref<!tpu.dma_semaphore, #tpu.memory_space<semaphore_mem>>
      tpu.wait_indirect_dma semaphore(%dma_wait3A_222 : memref<!tpu.dma_semaphore, #tpu.memory_space<semaphore_mem>>) src(%dma_wait3A_220 : memref<10000x128xi32, #tpu.memory_space<hbm>>) dst(%dma_wait3A_214 : memref<80x128xi32, #tpu.memory_space<vmem>>)
      %dma_wait3A_223 = arith.constant 1 : i32
      %dma_wait3A_224 = arith.constant 1 : i32
      %dma_wait3A_225 = arith.constant 0 : i32
      %dma_wait3A_226 = arith.constant 0 : i32
      %dma_wait3A_227 = tpu.memref_slice %arg9[%dma_wait3A_223, %dma_wait3A_225, %dma_wait3A_226] : memref<4x80x128xi32, #tpu.memory_space<vmem>> -> memref<1x80x128xi32, #tpu.memory_space<vmem>>
      %dma_wait3A_228 = tpu.memref_squeeze %dma_wait3A_227 : memref<1x80x128xi32, #tpu.memory_space<vmem>> -> memref<80x128xi32, #tpu.memory_space<vmem>>
      %dma_wait3A_229 = arith.constant 0 : i32
      %dma_wait3A_230 = tpu.memref_slice %arg7[%add3A_208, %dma_wait3A_229] : memref<125x80xi32, #tpu.memory_space<vmem>> -> memref<1x80xi32, #tpu.memory_space<vmem>>
      %dma_wait3A_231 = tpu.memref_squeeze %dma_wait3A_230 : memref<1x80xi32, #tpu.memory_space<vmem>> -> memref<80xi32, #tpu.memory_space<vmem>>
      %dma_wait3A_232 = arith.constant 0 : i32
      %dma_wait3A_233 = arith.constant 0 : i32
      %dma_wait3A_234 = tpu.memref_slice %arg3[%dma_wait3A_232, %dma_wait3A_233] : memref<10000x128xi32, #tpu.memory_space<hbm>> -> memref<10000x128xi32, #tpu.memory_space<hbm>>
      %dma_wait3A_235 = tpu.memref_slice %arg10[%dma_wait3A_224] : memref<4x!tpu.dma_semaphore, #tpu.memory_space<semaphore_mem>> -> memref<1x!tpu.dma_semaphore, #tpu.memory_space<semaphore_mem>>
      %dma_wait3A_236 = tpu.memref_squeeze %dma_wait3A_235 : memref<1x!tpu.dma_semaphore, #tpu.memory_space<semaphore_mem>> -> memref<!tpu.dma_semaphore, #tpu.memory_space<semaphore_mem>>
      tpu.wait_indirect_dma semaphore(%dma_wait3A_236 : memref<!tpu.dma_semaphore, #tpu.memory_space<semaphore_mem>>) src(%dma_wait3A_234 : memref<10000x128xi32, #tpu.memory_space<hbm>>) dst(%dma_wait3A_228 : memref<80x128xi32, #tpu.memory_space<vmem>>)
      %mul3A_237 = arith.constant 80 : i32
      %mul3A_238 = arith.muli %add3A_208, %mul3A_237 : i32
      %add3A_239 = arith.addi %mul3A_2, %mul3A_238 : i32
      %run_scoped3A_240 = arith.constant 1 : i32
      %run_scoped3A_241 = arith.constant 0 : i32
      "tpu.region"() ({
        %run_scoped3A_337 = tpu.sem_alloc : memref<!tpu.dma_semaphore, #tpu.memory_space<semaphore_mem>>
        %dma_start3A_338 = arith.constant 0 : i32
        %dma_start3A_339 = arith.constant 0 : i32
        %dma_start3A_340 = tpu.memref_slice %arg8[%run_scoped3A_240, %dma_start3A_338, %dma_start3A_339] : memref<4x80x128xi32, #tpu.memory_space<vmem>> -> memref<1x80x128xi32, #tpu.memory_space<vmem>>
        %dma_start3A_341 = tpu.memref_squeeze %dma_start3A_340 : memref<1x80x128xi32, #tpu.memory_space<vmem>> -> memref<80x128xi32, #tpu.memory_space<vmem>>
        %dma_start3A_342 = arith.constant 0 : i32
        %dma_start3A_343 = tpu.memref_slice %arg5[%run_scoped3A_241, %add3A_239, %dma_start3A_342] : memref<2x320000x128xi32, #tpu.memory_space<hbm>> -> memref<1x80x128xi32, #tpu.memory_space<hbm>>
        %dma_start3A_344 = tpu.memref_squeeze %dma_start3A_343 : memref<1x80x128xi32, #tpu.memory_space<hbm>> -> memref<80x128xi32, #tpu.memory_space<hbm>>
        %dma_start3A_345 = arith.constant 0 : i32
        %dma_start3A_346 = tpu.memref_slice %arg5[%run_scoped3A_241, %add3A_239, %dma_start3A_345] : memref<2x320000x128xi32, #tpu.memory_space<hbm>> -> memref<1x80x128xi32, #tpu.memory_space<hbm>>
        %dma_start3A_347 = tpu.memref_squeeze %dma_start3A_346 : memref<1x80x128xi32, #tpu.memory_space<hbm>> -> memref<80x128xi32, #tpu.memory_space<hbm>>
        %dma_start3A_348 = arith.constant 0 : i32
        %dma_start3A_349 = arith.constant 0 : i32
        %dma_start3A_350 = tpu.memref_slice %arg8[%run_scoped3A_240, %dma_start3A_348, %dma_start3A_349] : memref<4x80x128xi32, #tpu.memory_space<vmem>> -> memref<1x80x128xi32, #tpu.memory_space<vmem>>
        %dma_start3A_351 = tpu.memref_squeeze %dma_start3A_350 : memref<1x80x128xi32, #tpu.memory_space<vmem>> -> memref<80x128xi32, #tpu.memory_space<vmem>>
        tpu.enqueue_dma source(%dma_start3A_351 : memref<80x128xi32, #tpu.memory_space<vmem>>) target(%dma_start3A_347 : memref<80x128xi32, #tpu.memory_space<hbm>>) target_semaphore(%run_scoped3A_337 : memref<!tpu.dma_semaphore, #tpu.memory_space<semaphore_mem>>)
        %dma_wait3A_352 = arith.constant 0 : i32
        %dma_wait3A_353 = arith.constant 0 : i32
        %dma_wait3A_354 = tpu.memref_slice %arg8[%run_scoped3A_240, %dma_wait3A_352, %dma_wait3A_353] : memref<4x80x128xi32, #tpu.memory_space<vmem>> -> memref<1x80x128xi32, #tpu.memory_space<vmem>>
        %dma_wait3A_355 = tpu.memref_squeeze %dma_wait3A_354 : memref<1x80x128xi32, #tpu.memory_space<vmem>> -> memref<80x128xi32, #tpu.memory_space<vmem>>
        %dma_wait3A_356 = arith.constant 0 : i32
        %dma_wait3A_357 = tpu.memref_slice %arg5[%run_scoped3A_241, %add3A_239, %dma_wait3A_356] : memref<2x320000x128xi32, #tpu.memory_space<hbm>> -> memref<1x80x128xi32, #tpu.memory_space<hbm>>
        %dma_wait3A_358 = tpu.memref_squeeze %dma_wait3A_357 : memref<1x80x128xi32, #tpu.memory_space<hbm>> -> memref<80x128xi32, #tpu.memory_space<hbm>>
        %dma_wait3A_359 = arith.constant 0 : i32
        %dma_wait3A_360 = tpu.memref_slice %arg5[%run_scoped3A_241, %add3A_239, %dma_wait3A_359] : memref<2x320000x128xi32, #tpu.memory_space<hbm>> -> memref<1x80x128xi32, #tpu.memory_space<hbm>>
        %dma_wait3A_361 = tpu.memref_squeeze %dma_wait3A_360 : memref<1x80x128xi32, #tpu.memory_space<hbm>> -> memref<80x128xi32, #tpu.memory_space<hbm>>
        %dma_wait3A_362 = arith.constant 0 : i32
        %dma_wait3A_363 = arith.constant 0 : i32
        %dma_wait3A_364 = tpu.memref_slice %arg8[%run_scoped3A_240, %dma_wait3A_362, %dma_wait3A_363] : memref<4x80x128xi32, #tpu.memory_space<vmem>> -> memref<1x80x128xi32, #tpu.memory_space<vmem>>
        %dma_wait3A_365 = tpu.memref_squeeze %dma_wait3A_364 : memref<1x80x128xi32, #tpu.memory_space<vmem>> -> memref<80x128xi32, #tpu.memory_space<vmem>>
        tpu.wait_dma2 semaphore(%run_scoped3A_337 : memref<!tpu.dma_semaphore, #tpu.memory_space<semaphore_mem>>) src(%dma_wait3A_365 : memref<80x128xi32, #tpu.memory_space<vmem>>) dst(%dma_wait3A_361 : memref<80x128xi32, #tpu.memory_space<hbm>>)
        tpu.yield
      }) : () -> ()
      %run_scoped3A_242 = arith.constant 1 : i32
      %run_scoped3A_243 = arith.constant 1 : i32
      "tpu.region"() ({
        %run_scoped3A_337 = tpu.sem_alloc : memref<!tpu.dma_semaphore, #tpu.memory_space<semaphore_mem>>
        %dma_start3A_338 = arith.constant 0 : i32
        %dma_start3A_339 = arith.constant 0 : i32
        %dma_start3A_340 = tpu.memref_slice %arg9[%run_scoped3A_242, %dma_start3A_338, %dma_start3A_339] : memref<4x80x128xi32, #tpu.memory_space<vmem>> -> memref<1x80x128xi32, #tpu.memory_space<vmem>>
        %dma_start3A_341 = tpu.memref_squeeze %dma_start3A_340 : memref<1x80x128xi32, #tpu.memory_space<vmem>> -> memref<80x128xi32, #tpu.memory_space<vmem>>
        %dma_start3A_342 = arith.constant 0 : i32
        %dma_start3A_343 = tpu.memref_slice %arg5[%run_scoped3A_243, %add3A_239, %dma_start3A_342] : memref<2x320000x128xi32, #tpu.memory_space<hbm>> -> memref<1x80x128xi32, #tpu.memory_space<hbm>>
        %dma_start3A_344 = tpu.memref_squeeze %dma_start3A_343 : memref<1x80x128xi32, #tpu.memory_space<hbm>> -> memref<80x128xi32, #tpu.memory_space<hbm>>
        %dma_start3A_345 = arith.constant 0 : i32
        %dma_start3A_346 = tpu.memref_slice %arg5[%run_scoped3A_243, %add3A_239, %dma_start3A_345] : memref<2x320000x128xi32, #tpu.memory_space<hbm>> -> memref<1x80x128xi32, #tpu.memory_space<hbm>>
        %dma_start3A_347 = tpu.memref_squeeze %dma_start3A_346 : memref<1x80x128xi32, #tpu.memory_space<hbm>> -> memref<80x128xi32, #tpu.memory_space<hbm>>
        %dma_start3A_348 = arith.constant 0 : i32
        %dma_start3A_349 = arith.constant 0 : i32
        %dma_start3A_350 = tpu.memref_slice %arg9[%run_scoped3A_242, %dma_start3A_348, %dma_start3A_349] : memref<4x80x128xi32, #tpu.memory_space<vmem>> -> memref<1x80x128xi32, #tpu.memory_space<vmem>>
        %dma_start3A_351 = tpu.memref_squeeze %dma_start3A_350 : memref<1x80x128xi32, #tpu.memory_space<vmem>> -> memref<80x128xi32, #tpu.memory_space<vmem>>
        tpu.enqueue_dma source(%dma_start3A_351 : memref<80x128xi32, #tpu.memory_space<vmem>>) target(%dma_start3A_347 : memref<80x128xi32, #tpu.memory_space<hbm>>) target_semaphore(%run_scoped3A_337 : memref<!tpu.dma_semaphore, #tpu.memory_space<semaphore_mem>>)
        %dma_wait3A_352 = arith.constant 0 : i32
        %dma_wait3A_353 = arith.constant 0 : i32
        %dma_wait3A_354 = tpu.memref_slice %arg9[%run_scoped3A_242, %dma_wait3A_352, %dma_wait3A_353] : memref<4x80x128xi32, #tpu.memory_space<vmem>> -> memref<1x80x128xi32, #tpu.memory_space<vmem>>
        %dma_wait3A_355 = tpu.memref_squeeze %dma_wait3A_354 : memref<1x80x128xi32, #tpu.memory_space<vmem>> -> memref<80x128xi32, #tpu.memory_space<vmem>>
        %dma_wait3A_356 = arith.constant 0 : i32
        %dma_wait3A_357 = tpu.memref_slice %arg5[%run_scoped3A_243, %add3A_239, %dma_wait3A_356] : memref<2x320000x128xi32, #tpu.memory_space<hbm>> -> memref<1x80x128xi32, #tpu.memory_space<hbm>>
        %dma_wait3A_358 = tpu.memref_squeeze %dma_wait3A_357 : memref<1x80x128xi32, #tpu.memory_space<hbm>> -> memref<80x128xi32, #tpu.memory_space<hbm>>
        %dma_wait3A_359 = arith.constant 0 : i32
        %dma_wait3A_360 = tpu.memref_slice %arg5[%run_scoped3A_243, %add3A_239, %dma_wait3A_359] : memref<2x320000x128xi32, #tpu.memory_space<hbm>> -> memref<1x80x128xi32, #tpu.memory_space<hbm>>
        %dma_wait3A_361 = tpu.memref_squeeze %dma_wait3A_360 : memref<1x80x128xi32, #tpu.memory_space<hbm>> -> memref<80x128xi32, #tpu.memory_space<hbm>>
        %dma_wait3A_362 = arith.constant 0 : i32
        %dma_wait3A_363 = arith.constant 0 : i32
        %dma_wait3A_364 = tpu.memref_slice %arg9[%run_scoped3A_242, %dma_wait3A_362, %dma_wait3A_363] : memref<4x80x128xi32, #tpu.memory_space<vmem>> -> memref<1x80x128xi32, #tpu.memory_space<vmem>>
        %dma_wait3A_365 = tpu.memref_squeeze %dma_wait3A_364 : memref<1x80x128xi32, #tpu.memory_space<vmem>> -> memref<80x128xi32, #tpu.memory_space<vmem>>
        tpu.wait_dma2 semaphore(%run_scoped3A_337 : memref<!tpu.dma_semaphore, #tpu.memory_space<semaphore_mem>>) src(%dma_wait3A_365 : memref<80x128xi32, #tpu.memory_space<vmem>>) dst(%dma_wait3A_361 : memref<80x128xi32, #tpu.memory_space<hbm>>)
        tpu.yield
      }) : () -> ()
      %lt3A_244 = arith.constant 121 : i32
      %lt3A_245 = arith.cmpi slt, %add3A_208, %lt3A_244 : i32
      %convert_element_type3A_246 = arith.extui %lt3A_245 : i1 to i32
      %cond3A_247 = arith.constant 0 : i32
      %cond3A_248 = arith.cmpi ne, %convert_element_type3A_246, %cond3A_247 : i32
      scf.if %cond3A_248 {
        %add3A_337 = arith.constant 4 : i32
        %add3A_338 = arith.addi %add3A_208, %add3A_337 : i32
        %dma_start3A_339 = arith.constant 1 : i32
        %dma_start3A_340 = arith.constant 1 : i32
        %dma_start3A_341 = arith.constant 0 : i32
        %dma_start3A_342 = arith.constant 0 : i32
        %dma_start3A_343 = tpu.memref_slice %arg8[%dma_start3A_339, %dma_start3A_341, %dma_start3A_342] : memref<4x80x128xi32, #tpu.memory_space<vmem>> -> memref<1x80x128xi32, #tpu.memory_space<vmem>>
        %dma_start3A_344 = tpu.memref_squeeze %dma_start3A_343 : memref<1x80x128xi32, #tpu.memory_space<vmem>> -> memref<80x128xi32, #tpu.memory_space<vmem>>
        %dma_start3A_345 = arith.constant 0 : i32
        %dma_start3A_346 = tpu.memref_slice %arg6[%add3A_338, %dma_start3A_345] : memref<125x80xi32, #tpu.memory_space<vmem>> -> memref<1x80xi32, #tpu.memory_space<vmem>>
        %dma_start3A_347 = tpu.memref_squeeze %dma_start3A_346 : memref<1x80xi32, #tpu.memory_space<vmem>> -> memref<80xi32, #tpu.memory_space<vmem>>
        %dma_start3A_348 = arith.constant 0 : i32
        %dma_start3A_349 = arith.constant 0 : i32
        %dma_start3A_350 = tpu.memref_slice %arg2[%dma_start3A_348, %dma_start3A_349] : memref<10000x128xi32, #tpu.memory_space<hbm>> -> memref<10000x128xi32, #tpu.memory_space<hbm>>
        %dma_start3A_351 = tpu.memref_slice %arg10[%dma_start3A_340] : memref<4x!tpu.dma_semaphore, #tpu.memory_space<semaphore_mem>> -> memref<1x!tpu.dma_semaphore, #tpu.memory_space<semaphore_mem>>
        %dma_start3A_352 = tpu.memref_squeeze %dma_start3A_351 : memref<1x!tpu.dma_semaphore, #tpu.memory_space<semaphore_mem>> -> memref<!tpu.dma_semaphore, #tpu.memory_space<semaphore_mem>>
        tpu.enqueue_indirect_dma source(%dma_start3A_350 : memref<10000x128xi32, #tpu.memory_space<hbm>>) target(%dma_start3A_344 : memref<80x128xi32, #tpu.memory_space<vmem>>) offsets(%dma_start3A_347 : memref<80xi32, #tpu.memory_space<vmem>>) semaphore(%dma_start3A_352 : memref<!tpu.dma_semaphore, #tpu.memory_space<semaphore_mem>>)
        %dma_start3A_353 = arith.constant 1 : i32
        %dma_start3A_354 = arith.constant 1 : i32
        %dma_start3A_355 = arith.constant 0 : i32
        %dma_start3A_356 = arith.constant 0 : i32
        %dma_start3A_357 = tpu.memref_slice %arg9[%dma_start3A_353, %dma_start3A_355, %dma_start3A_356] : memref<4x80x128xi32, #tpu.memory_space<vmem>> -> memref<1x80x128xi32, #tpu.memory_space<vmem>>
        %dma_start3A_358 = tpu.memref_squeeze %dma_start3A_357 : memref<1x80x128xi32, #tpu.memory_space<vmem>> -> memref<80x128xi32, #tpu.memory_space<vmem>>
        %dma_start3A_359 = arith.constant 0 : i32
        %dma_start3A_360 = tpu.memref_slice %arg7[%add3A_338, %dma_start3A_359] : memref<125x80xi32, #tpu.memory_space<vmem>> -> memref<1x80xi32, #tpu.memory_space<vmem>>
        %dma_start3A_361 = tpu.memref_squeeze %dma_start3A_360 : memref<1x80xi32, #tpu.memory_space<vmem>> -> memref<80xi32, #tpu.memory_space<vmem>>
        %dma_start3A_362 = arith.constant 0 : i32
        %dma_start3A_363 = arith.constant 0 : i32
        %dma_start3A_364 = tpu.memref_slice %arg3[%dma_start3A_362, %dma_start3A_363] : memref<10000x128xi32, #tpu.memory_space<hbm>> -> memref<10000x128xi32, #tpu.memory_space<hbm>>
        %dma_start3A_365 = tpu.memref_slice %arg10[%dma_start3A_354] : memref<4x!tpu.dma_semaphore, #tpu.memory_space<semaphore_mem>> -> memref<1x!tpu.dma_semaphore, #tpu.memory_space<semaphore_mem>>
        %dma_start3A_366 = tpu.memref_squeeze %dma_start3A_365 : memref<1x!tpu.dma_semaphore, #tpu.memory_space<semaphore_mem>> -> memref<!tpu.dma_semaphore, #tpu.memory_space<semaphore_mem>>
        tpu.enqueue_indirect_dma source(%dma_start3A_364 : memref<10000x128xi32, #tpu.memory_space<hbm>>) target(%dma_start3A_358 : memref<80x128xi32, #tpu.memory_space<vmem>>) offsets(%dma_start3A_361 : memref<80xi32, #tpu.memory_space<vmem>>) semaphore(%dma_start3A_366 : memref<!tpu.dma_semaphore, #tpu.memory_space<semaphore_mem>>)
      } else {
      }
      %mul3A_249 = arith.constant 4 : i32
      %mul3A_250 = arith.muli %mul3A_249, %scan3A_163 : i32
      %add3A_251 = arith.constant 2 : i32
      %add3A_252 = arith.addi %mul3A_250, %add3A_251 : i32
      %dma_wait3A_253 = arith.constant 2 : i32
      %dma_wait3A_254 = arith.constant 2 : i32
      %dma_wait3A_255 = arith.constant 0 : i32
      %dma_wait3A_256 = arith.constant 0 : i32
      %dma_wait3A_257 = tpu.memref_slice %arg8[%dma_wait3A_253, %dma_wait3A_255, %dma_wait3A_256] : memref<4x80x128xi32, #tpu.memory_space<vmem>> -> memref<1x80x128xi32, #tpu.memory_space<vmem>>
      %dma_wait3A_258 = tpu.memref_squeeze %dma_wait3A_257 : memref<1x80x128xi32, #tpu.memory_space<vmem>> -> memref<80x128xi32, #tpu.memory_space<vmem>>
      %dma_wait3A_259 = arith.constant 0 : i32
      %dma_wait3A_260 = tpu.memref_slice %arg6[%add3A_252, %dma_wait3A_259] : memref<125x80xi32, #tpu.memory_space<vmem>> -> memref<1x80xi32, #tpu.memory_space<vmem>>
      %dma_wait3A_261 = tpu.memref_squeeze %dma_wait3A_260 : memref<1x80xi32, #tpu.memory_space<vmem>> -> memref<80xi32, #tpu.memory_space<vmem>>
      %dma_wait3A_262 = arith.constant 0 : i32
      %dma_wait3A_263 = arith.constant 0 : i32
      %dma_wait3A_264 = tpu.memref_slice %arg2[%dma_wait3A_262, %dma_wait3A_263] : memref<10000x128xi32, #tpu.memory_space<hbm>> -> memref<10000x128xi32, #tpu.memory_space<hbm>>
      %dma_wait3A_265 = tpu.memref_slice %arg10[%dma_wait3A_254] : memref<4x!tpu.dma_semaphore, #tpu.memory_space<semaphore_mem>> -> memref<1x!tpu.dma_semaphore, #tpu.memory_space<semaphore_mem>>
      %dma_wait3A_266 = tpu.memref_squeeze %dma_wait3A_265 : memref<1x!tpu.dma_semaphore, #tpu.memory_space<semaphore_mem>> -> memref<!tpu.dma_semaphore, #tpu.memory_space<semaphore_mem>>
      tpu.wait_indirect_dma semaphore(%dma_wait3A_266 : memref<!tpu.dma_semaphore, #tpu.memory_space<semaphore_mem>>) src(%dma_wait3A_264 : memref<10000x128xi32, #tpu.memory_space<hbm>>) dst(%dma_wait3A_258 : memref<80x128xi32, #tpu.memory_space<vmem>>)
      %dma_wait3A_267 = arith.constant 2 : i32
      %dma_wait3A_268 = arith.constant 2 : i32
      %dma_wait3A_269 = arith.constant 0 : i32
      %dma_wait3A_270 = arith.constant 0 : i32
      %dma_wait3A_271 = tpu.memref_slice %arg9[%dma_wait3A_267, %dma_wait3A_269, %dma_wait3A_270] : memref<4x80x128xi32, #tpu.memory_space<vmem>> -> memref<1x80x128xi32, #tpu.memory_space<vmem>>
      %dma_wait3A_272 = tpu.memref_squeeze %dma_wait3A_271 : memref<1x80x128xi32, #tpu.memory_space<vmem>> -> memref<80x128xi32, #tpu.memory_space<vmem>>
      %dma_wait3A_273 = arith.constant 0 : i32
      %dma_wait3A_274 = tpu.memref_slice %arg7[%add3A_252, %dma_wait3A_273] : memref<125x80xi32, #tpu.memory_space<vmem>> -> memref<1x80xi32, #tpu.memory_space<vmem>>
      %dma_wait3A_275 = tpu.memref_squeeze %dma_wait3A_274 : memref<1x80xi32, #tpu.memory_space<vmem>> -> memref<80xi32, #tpu.memory_space<vmem>>
      %dma_wait3A_276 = arith.constant 0 : i32
      %dma_wait3A_277 = arith.constant 0 : i32
      %dma_wait3A_278 = tpu.memref_slice %arg3[%dma_wait3A_276, %dma_wait3A_277] : memref<10000x128xi32, #tpu.memory_space<hbm>> -> memref<10000x128xi32, #tpu.memory_space<hbm>>
      %dma_wait3A_279 = tpu.memref_slice %arg10[%dma_wait3A_268] : memref<4x!tpu.dma_semaphore, #tpu.memory_space<semaphore_mem>> -> memref<1x!tpu.dma_semaphore, #tpu.memory_space<semaphore_mem>>
      %dma_wait3A_280 = tpu.memref_squeeze %dma_wait3A_279 : memref<1x!tpu.dma_semaphore, #tpu.memory_space<semaphore_mem>> -> memref<!tpu.dma_semaphore, #tpu.memory_space<semaphore_mem>>
      tpu.wait_indirect_dma semaphore(%dma_wait3A_280 : memref<!tpu.dma_semaphore, #tpu.memory_space<semaphore_mem>>) src(%dma_wait3A_278 : memref<10000x128xi32, #tpu.memory_space<hbm>>) dst(%dma_wait3A_272 : memref<80x128xi32, #tpu.memory_space<vmem>>)
      %mul3A_281 = arith.constant 80 : i32
      %mul3A_282 = arith.muli %add3A_252, %mul3A_281 : i32
      %add3A_283 = arith.addi %mul3A_2, %mul3A_282 : i32
      %run_scoped3A_284 = arith.constant 2 : i32
      %run_scoped3A_285 = arith.constant 0 : i32
      "tpu.region"() ({
        %run_scoped3A_337 = tpu.sem_alloc : memref<!tpu.dma_semaphore, #tpu.memory_space<semaphore_mem>>
        %dma_start3A_338 = arith.constant 0 : i32
        %dma_start3A_339 = arith.constant 0 : i32
        %dma_start3A_340 = tpu.memref_slice %arg8[%run_scoped3A_284, %dma_start3A_338, %dma_start3A_339] : memref<4x80x128xi32, #tpu.memory_space<vmem>> -> memref<1x80x128xi32, #tpu.memory_space<vmem>>
        %dma_start3A_341 = tpu.memref_squeeze %dma_start3A_340 : memref<1x80x128xi32, #tpu.memory_space<vmem>> -> memref<80x128xi32, #tpu.memory_space<vmem>>
        %dma_start3A_342 = arith.constant 0 : i32
        %dma_start3A_343 = tpu.memref_slice %arg5[%run_scoped3A_285, %add3A_283, %dma_start3A_342] : memref<2x320000x128xi32, #tpu.memory_space<hbm>> -> memref<1x80x128xi32, #tpu.memory_space<hbm>>
        %dma_start3A_344 = tpu.memref_squeeze %dma_start3A_343 : memref<1x80x128xi32, #tpu.memory_space<hbm>> -> memref<80x128xi32, #tpu.memory_space<hbm>>
        %dma_start3A_345 = arith.constant 0 : i32
        %dma_start3A_346 = tpu.memref_slice %arg5[%run_scoped3A_285, %add3A_283, %dma_start3A_345] : memref<2x320000x128xi32, #tpu.memory_space<hbm>> -> memref<1x80x128xi32, #tpu.memory_space<hbm>>
        %dma_start3A_347 = tpu.memref_squeeze %dma_start3A_346 : memref<1x80x128xi32, #tpu.memory_space<hbm>> -> memref<80x128xi32, #tpu.memory_space<hbm>>
        %dma_start3A_348 = arith.constant 0 : i32
        %dma_start3A_349 = arith.constant 0 : i32
        %dma_start3A_350 = tpu.memref_slice %arg8[%run_scoped3A_284, %dma_start3A_348, %dma_start3A_349] : memref<4x80x128xi32, #tpu.memory_space<vmem>> -> memref<1x80x128xi32, #tpu.memory_space<vmem>>
        %dma_start3A_351 = tpu.memref_squeeze %dma_start3A_350 : memref<1x80x128xi32, #tpu.memory_space<vmem>> -> memref<80x128xi32, #tpu.memory_space<vmem>>
        tpu.enqueue_dma source(%dma_start3A_351 : memref<80x128xi32, #tpu.memory_space<vmem>>) target(%dma_start3A_347 : memref<80x128xi32, #tpu.memory_space<hbm>>) target_semaphore(%run_scoped3A_337 : memref<!tpu.dma_semaphore, #tpu.memory_space<semaphore_mem>>)
        %dma_wait3A_352 = arith.constant 0 : i32
        %dma_wait3A_353 = arith.constant 0 : i32
        %dma_wait3A_354 = tpu.memref_slice %arg8[%run_scoped3A_284, %dma_wait3A_352, %dma_wait3A_353] : memref<4x80x128xi32, #tpu.memory_space<vmem>> -> memref<1x80x128xi32, #tpu.memory_space<vmem>>
        %dma_wait3A_355 = tpu.memref_squeeze %dma_wait3A_354 : memref<1x80x128xi32, #tpu.memory_space<vmem>> -> memref<80x128xi32, #tpu.memory_space<vmem>>
        %dma_wait3A_356 = arith.constant 0 : i32
        %dma_wait3A_357 = tpu.memref_slice %arg5[%run_scoped3A_285, %add3A_283, %dma_wait3A_356] : memref<2x320000x128xi32, #tpu.memory_space<hbm>> -> memref<1x80x128xi32, #tpu.memory_space<hbm>>
        %dma_wait3A_358 = tpu.memref_squeeze %dma_wait3A_357 : memref<1x80x128xi32, #tpu.memory_space<hbm>> -> memref<80x128xi32, #tpu.memory_space<hbm>>
        %dma_wait3A_359 = arith.constant 0 : i32
        %dma_wait3A_360 = tpu.memref_slice %arg5[%run_scoped3A_285, %add3A_283, %dma_wait3A_359] : memref<2x320000x128xi32, #tpu.memory_space<hbm>> -> memref<1x80x128xi32, #tpu.memory_space<hbm>>
        %dma_wait3A_361 = tpu.memref_squeeze %dma_wait3A_360 : memref<1x80x128xi32, #tpu.memory_space<hbm>> -> memref<80x128xi32, #tpu.memory_space<hbm>>
        %dma_wait3A_362 = arith.constant 0 : i32
        %dma_wait3A_363 = arith.constant 0 : i32
        %dma_wait3A_364 = tpu.memref_slice %arg8[%run_scoped3A_284, %dma_wait3A_362, %dma_wait3A_363] : memref<4x80x128xi32, #tpu.memory_space<vmem>> -> memref<1x80x128xi32, #tpu.memory_space<vmem>>
        %dma_wait3A_365 = tpu.memref_squeeze %dma_wait3A_364 : memref<1x80x128xi32, #tpu.memory_space<vmem>> -> memref<80x128xi32, #tpu.memory_space<vmem>>
        tpu.wait_dma2 semaphore(%run_scoped3A_337 : memref<!tpu.dma_semaphore, #tpu.memory_space<semaphore_mem>>) src(%dma_wait3A_365 : memref<80x128xi32, #tpu.memory_space<vmem>>) dst(%dma_wait3A_361 : memref<80x128xi32, #tpu.memory_space<hbm>>)
        tpu.yield
      }) : () -> ()
      %run_scoped3A_286 = arith.constant 2 : i32
      %run_scoped3A_287 = arith.constant 1 : i32
      "tpu.region"() ({
        %run_scoped3A_337 = tpu.sem_alloc : memref<!tpu.dma_semaphore, #tpu.memory_space<semaphore_mem>>
        %dma_start3A_338 = arith.constant 0 : i32
        %dma_start3A_339 = arith.constant 0 : i32
        %dma_start3A_340 = tpu.memref_slice %arg9[%run_scoped3A_286, %dma_start3A_338, %dma_start3A_339] : memref<4x80x128xi32, #tpu.memory_space<vmem>> -> memref<1x80x128xi32, #tpu.memory_space<vmem>>
        %dma_start3A_341 = tpu.memref_squeeze %dma_start3A_340 : memref<1x80x128xi32, #tpu.memory_space<vmem>> -> memref<80x128xi32, #tpu.memory_space<vmem>>
        %dma_start3A_342 = arith.constant 0 : i32
        %dma_start3A_343 = tpu.memref_slice %arg5[%run_scoped3A_287, %add3A_283, %dma_start3A_342] : memref<2x320000x128xi32, #tpu.memory_space<hbm>> -> memref<1x80x128xi32, #tpu.memory_space<hbm>>
        %dma_start3A_344 = tpu.memref_squeeze %dma_start3A_343 : memref<1x80x128xi32, #tpu.memory_space<hbm>> -> memref<80x128xi32, #tpu.memory_space<hbm>>
        %dma_start3A_345 = arith.constant 0 : i32
        %dma_start3A_346 = tpu.memref_slice %arg5[%run_scoped3A_287, %add3A_283, %dma_start3A_345] : memref<2x320000x128xi32, #tpu.memory_space<hbm>> -> memref<1x80x128xi32, #tpu.memory_space<hbm>>
        %dma_start3A_347 = tpu.memref_squeeze %dma_start3A_346 : memref<1x80x128xi32, #tpu.memory_space<hbm>> -> memref<80x128xi32, #tpu.memory_space<hbm>>
        %dma_start3A_348 = arith.constant 0 : i32
        %dma_start3A_349 = arith.constant 0 : i32
        %dma_start3A_350 = tpu.memref_slice %arg9[%run_scoped3A_286, %dma_start3A_348, %dma_start3A_349] : memref<4x80x128xi32, #tpu.memory_space<vmem>> -> memref<1x80x128xi32, #tpu.memory_space<vmem>>
        %dma_start3A_351 = tpu.memref_squeeze %dma_start3A_350 : memref<1x80x128xi32, #tpu.memory_space<vmem>> -> memref<80x128xi32, #tpu.memory_space<vmem>>
        tpu.enqueue_dma source(%dma_start3A_351 : memref<80x128xi32, #tpu.memory_space<vmem>>) target(%dma_start3A_347 : memref<80x128xi32, #tpu.memory_space<hbm>>) target_semaphore(%run_scoped3A_337 : memref<!tpu.dma_semaphore, #tpu.memory_space<semaphore_mem>>)
        %dma_wait3A_352 = arith.constant 0 : i32
        %dma_wait3A_353 = arith.constant 0 : i32
        %dma_wait3A_354 = tpu.memref_slice %arg9[%run_scoped3A_286, %dma_wait3A_352, %dma_wait3A_353] : memref<4x80x128xi32, #tpu.memory_space<vmem>> -> memref<1x80x128xi32, #tpu.memory_space<vmem>>
        %dma_wait3A_355 = tpu.memref_squeeze %dma_wait3A_354 : memref<1x80x128xi32, #tpu.memory_space<vmem>> -> memref<80x128xi32, #tpu.memory_space<vmem>>
        %dma_wait3A_356 = arith.constant 0 : i32
        %dma_wait3A_357 = tpu.memref_slice %arg5[%run_scoped3A_287, %add3A_283, %dma_wait3A_356] : memref<2x320000x128xi32, #tpu.memory_space<hbm>> -> memref<1x80x128xi32, #tpu.memory_space<hbm>>
        %dma_wait3A_358 = tpu.memref_squeeze %dma_wait3A_357 : memref<1x80x128xi32, #tpu.memory_space<hbm>> -> memref<80x128xi32, #tpu.memory_space<hbm>>
        %dma_wait3A_359 = arith.constant 0 : i32
        %dma_wait3A_360 = tpu.memref_slice %arg5[%run_scoped3A_287, %add3A_283, %dma_wait3A_359] : memref<2x320000x128xi32, #tpu.memory_space<hbm>> -> memref<1x80x128xi32, #tpu.memory_space<hbm>>
        %dma_wait3A_361 = tpu.memref_squeeze %dma_wait3A_360 : memref<1x80x128xi32, #tpu.memory_space<hbm>> -> memref<80x128xi32, #tpu.memory_space<hbm>>
        %dma_wait3A_362 = arith.constant 0 : i32
        %dma_wait3A_363 = arith.constant 0 : i32
        %dma_wait3A_364 = tpu.memref_slice %arg9[%run_scoped3A_286, %dma_wait3A_362, %dma_wait3A_363] : memref<4x80x128xi32, #tpu.memory_space<vmem>> -> memref<1x80x128xi32, #tpu.memory_space<vmem>>
        %dma_wait3A_365 = tpu.memref_squeeze %dma_wait3A_364 : memref<1x80x128xi32, #tpu.memory_space<vmem>> -> memref<80x128xi32, #tpu.memory_space<vmem>>
        tpu.wait_dma2 semaphore(%run_scoped3A_337 : memref<!tpu.dma_semaphore, #tpu.memory_space<semaphore_mem>>) src(%dma_wait3A_365 : memref<80x128xi32, #tpu.memory_space<vmem>>) dst(%dma_wait3A_361 : memref<80x128xi32, #tpu.memory_space<hbm>>)
        tpu.yield
      }) : () -> ()
      %lt3A_288 = arith.constant 121 : i32
      %lt3A_289 = arith.cmpi slt, %add3A_252, %lt3A_288 : i32
      %convert_element_type3A_290 = arith.extui %lt3A_289 : i1 to i32
      %cond3A_291 = arith.constant 0 : i32
      %cond3A_292 = arith.cmpi ne, %convert_element_type3A_290, %cond3A_291 : i32
      scf.if %cond3A_292 {
        %add3A_337 = arith.constant 4 : i32
        %add3A_338 = arith.addi %add3A_252, %add3A_337 : i32
        %dma_start3A_339 = arith.constant 2 : i32
        %dma_start3A_340 = arith.constant 2 : i32
        %dma_start3A_341 = arith.constant 0 : i32
        %dma_start3A_342 = arith.constant 0 : i32
        %dma_start3A_343 = tpu.memref_slice %arg8[%dma_start3A_339, %dma_start3A_341, %dma_start3A_342] : memref<4x80x128xi32, #tpu.memory_space<vmem>> -> memref<1x80x128xi32, #tpu.memory_space<vmem>>
        %dma_start3A_344 = tpu.memref_squeeze %dma_start3A_343 : memref<1x80x128xi32, #tpu.memory_space<vmem>> -> memref<80x128xi32, #tpu.memory_space<vmem>>
        %dma_start3A_345 = arith.constant 0 : i32
        %dma_start3A_346 = tpu.memref_slice %arg6[%add3A_338, %dma_start3A_345] : memref<125x80xi32, #tpu.memory_space<vmem>> -> memref<1x80xi32, #tpu.memory_space<vmem>>
        %dma_start3A_347 = tpu.memref_squeeze %dma_start3A_346 : memref<1x80xi32, #tpu.memory_space<vmem>> -> memref<80xi32, #tpu.memory_space<vmem>>
        %dma_start3A_348 = arith.constant 0 : i32
        %dma_start3A_349 = arith.constant 0 : i32
        %dma_start3A_350 = tpu.memref_slice %arg2[%dma_start3A_348, %dma_start3A_349] : memref<10000x128xi32, #tpu.memory_space<hbm>> -> memref<10000x128xi32, #tpu.memory_space<hbm>>
        %dma_start3A_351 = tpu.memref_slice %arg10[%dma_start3A_340] : memref<4x!tpu.dma_semaphore, #tpu.memory_space<semaphore_mem>> -> memref<1x!tpu.dma_semaphore, #tpu.memory_space<semaphore_mem>>
        %dma_start3A_352 = tpu.memref_squeeze %dma_start3A_351 : memref<1x!tpu.dma_semaphore, #tpu.memory_space<semaphore_mem>> -> memref<!tpu.dma_semaphore, #tpu.memory_space<semaphore_mem>>
        tpu.enqueue_indirect_dma source(%dma_start3A_350 : memref<10000x128xi32, #tpu.memory_space<hbm>>) target(%dma_start3A_344 : memref<80x128xi32, #tpu.memory_space<vmem>>) offsets(%dma_start3A_347 : memref<80xi32, #tpu.memory_space<vmem>>) semaphore(%dma_start3A_352 : memref<!tpu.dma_semaphore, #tpu.memory_space<semaphore_mem>>)
        %dma_start3A_353 = arith.constant 2 : i32
        %dma_start3A_354 = arith.constant 2 : i32
        %dma_start3A_355 = arith.constant 0 : i32
        %dma_start3A_356 = arith.constant 0 : i32
        %dma_start3A_357 = tpu.memref_slice %arg9[%dma_start3A_353, %dma_start3A_355, %dma_start3A_356] : memref<4x80x128xi32, #tpu.memory_space<vmem>> -> memref<1x80x128xi32, #tpu.memory_space<vmem>>
        %dma_start3A_358 = tpu.memref_squeeze %dma_start3A_357 : memref<1x80x128xi32, #tpu.memory_space<vmem>> -> memref<80x128xi32, #tpu.memory_space<vmem>>
        %dma_start3A_359 = arith.constant 0 : i32
        %dma_start3A_360 = tpu.memref_slice %arg7[%add3A_338, %dma_start3A_359] : memref<125x80xi32, #tpu.memory_space<vmem>> -> memref<1x80xi32, #tpu.memory_space<vmem>>
        %dma_start3A_361 = tpu.memref_squeeze %dma_start3A_360 : memref<1x80xi32, #tpu.memory_space<vmem>> -> memref<80xi32, #tpu.memory_space<vmem>>
        %dma_start3A_362 = arith.constant 0 : i32
        %dma_start3A_363 = arith.constant 0 : i32
        %dma_start3A_364 = tpu.memref_slice %arg3[%dma_start3A_362, %dma_start3A_363] : memref<10000x128xi32, #tpu.memory_space<hbm>> -> memref<10000x128xi32, #tpu.memory_space<hbm>>
        %dma_start3A_365 = tpu.memref_slice %arg10[%dma_start3A_354] : memref<4x!tpu.dma_semaphore, #tpu.memory_space<semaphore_mem>> -> memref<1x!tpu.dma_semaphore, #tpu.memory_space<semaphore_mem>>
        %dma_start3A_366 = tpu.memref_squeeze %dma_start3A_365 : memref<1x!tpu.dma_semaphore, #tpu.memory_space<semaphore_mem>> -> memref<!tpu.dma_semaphore, #tpu.memory_space<semaphore_mem>>
        tpu.enqueue_indirect_dma source(%dma_start3A_364 : memref<10000x128xi32, #tpu.memory_space<hbm>>) target(%dma_start3A_358 : memref<80x128xi32, #tpu.memory_space<vmem>>) offsets(%dma_start3A_361 : memref<80xi32, #tpu.memory_space<vmem>>) semaphore(%dma_start3A_366 : memref<!tpu.dma_semaphore, #tpu.memory_space<semaphore_mem>>)
      } else {
      }
      %mul3A_293 = arith.constant 4 : i32
      %mul3A_294 = arith.muli %mul3A_293, %scan3A_163 : i32
      %add3A_295 = arith.constant 3 : i32
      %add3A_296 = arith.addi %mul3A_294, %add3A_295 : i32
      %dma_wait3A_297 = arith.constant 3 : i32
      %dma_wait3A_298 = arith.constant 3 : i32
      %dma_wait3A_299 = arith.constant 0 : i32
      %dma_wait3A_300 = arith.constant 0 : i32
      %dma_wait3A_301 = tpu.memref_slice %arg8[%dma_wait3A_297, %dma_wait3A_299, %dma_wait3A_300] : memref<4x80x128xi32, #tpu.memory_space<vmem>> -> memref<1x80x128xi32, #tpu.memory_space<vmem>>
      %dma_wait3A_302 = tpu.memref_squeeze %dma_wait3A_301 : memref<1x80x128xi32, #tpu.memory_space<vmem>> -> memref<80x128xi32, #tpu.memory_space<vmem>>
      %dma_wait3A_303 = arith.constant 0 : i32
      %dma_wait3A_304 = tpu.memref_slice %arg6[%add3A_296, %dma_wait3A_303] : memref<125x80xi32, #tpu.memory_space<vmem>> -> memref<1x80xi32, #tpu.memory_space<vmem>>
      %dma_wait3A_305 = tpu.memref_squeeze %dma_wait3A_304 : memref<1x80xi32, #tpu.memory_space<vmem>> -> memref<80xi32, #tpu.memory_space<vmem>>
      %dma_wait3A_306 = arith.constant 0 : i32
      %dma_wait3A_307 = arith.constant 0 : i32
      %dma_wait3A_308 = tpu.memref_slice %arg2[%dma_wait3A_306, %dma_wait3A_307] : memref<10000x128xi32, #tpu.memory_space<hbm>> -> memref<10000x128xi32, #tpu.memory_space<hbm>>
      %dma_wait3A_309 = tpu.memref_slice %arg10[%dma_wait3A_298] : memref<4x!tpu.dma_semaphore, #tpu.memory_space<semaphore_mem>> -> memref<1x!tpu.dma_semaphore, #tpu.memory_space<semaphore_mem>>
      %dma_wait3A_310 = tpu.memref_squeeze %dma_wait3A_309 : memref<1x!tpu.dma_semaphore, #tpu.memory_space<semaphore_mem>> -> memref<!tpu.dma_semaphore, #tpu.memory_space<semaphore_mem>>
      tpu.wait_indirect_dma semaphore(%dma_wait3A_310 : memref<!tpu.dma_semaphore, #tpu.memory_space<semaphore_mem>>) src(%dma_wait3A_308 : memref<10000x128xi32, #tpu.memory_space<hbm>>) dst(%dma_wait3A_302 : memref<80x128xi32, #tpu.memory_space<vmem>>)
      %dma_wait3A_311 = arith.constant 3 : i32
      %dma_wait3A_312 = arith.constant 3 : i32
      %dma_wait3A_313 = arith.constant 0 : i32
      %dma_wait3A_314 = arith.constant 0 : i32
      %dma_wait3A_315 = tpu.memref_slice %arg9[%dma_wait3A_311, %dma_wait3A_313, %dma_wait3A_314] : memref<4x80x128xi32, #tpu.memory_space<vmem>> -> memref<1x80x128xi32, #tpu.memory_space<vmem>>
      %dma_wait3A_316 = tpu.memref_squeeze %dma_wait3A_315 : memref<1x80x128xi32, #tpu.memory_space<vmem>> -> memref<80x128xi32, #tpu.memory_space<vmem>>
      %dma_wait3A_317 = arith.constant 0 : i32
      %dma_wait3A_318 = tpu.memref_slice %arg7[%add3A_296, %dma_wait3A_317] : memref<125x80xi32, #tpu.memory_space<vmem>> -> memref<1x80xi32, #tpu.memory_space<vmem>>
      %dma_wait3A_319 = tpu.memref_squeeze %dma_wait3A_318 : memref<1x80xi32, #tpu.memory_space<vmem>> -> memref<80xi32, #tpu.memory_space<vmem>>
      %dma_wait3A_320 = arith.constant 0 : i32
      %dma_wait3A_321 = arith.constant 0 : i32
      %dma_wait3A_322 = tpu.memref_slice %arg3[%dma_wait3A_320, %dma_wait3A_321] : memref<10000x128xi32, #tpu.memory_space<hbm>> -> memref<10000x128xi32, #tpu.memory_space<hbm>>
      %dma_wait3A_323 = tpu.memref_slice %arg10[%dma_wait3A_312] : memref<4x!tpu.dma_semaphore, #tpu.memory_space<semaphore_mem>> -> memref<1x!tpu.dma_semaphore, #tpu.memory_space<semaphore_mem>>
      %dma_wait3A_324 = tpu.memref_squeeze %dma_wait3A_323 : memref<1x!tpu.dma_semaphore, #tpu.memory_space<semaphore_mem>> -> memref<!tpu.dma_semaphore, #tpu.memory_space<semaphore_mem>>
      tpu.wait_indirect_dma semaphore(%dma_wait3A_324 : memref<!tpu.dma_semaphore, #tpu.memory_space<semaphore_mem>>) src(%dma_wait3A_322 : memref<10000x128xi32, #tpu.memory_space<hbm>>) dst(%dma_wait3A_316 : memref<80x128xi32, #tpu.memory_space<vmem>>)
      %mul3A_325 = arith.constant 80 : i32
      %mul3A_326 = arith.muli %add3A_296, %mul3A_325 : i32
      %add3A_327 = arith.addi %mul3A_2, %mul3A_326 : i32
      %run_scoped3A_328 = arith.constant 3 : i32
      %run_scoped3A_329 = arith.constant 0 : i32
      "tpu.region"() ({
        %run_scoped3A_337 = tpu.sem_alloc : memref<!tpu.dma_semaphore, #tpu.memory_space<semaphore_mem>>
        %dma_start3A_338 = arith.constant 0 : i32
        %dma_start3A_339 = arith.constant 0 : i32
        %dma_start3A_340 = tpu.memref_slice %arg8[%run_scoped3A_328, %dma_start3A_338, %dma_start3A_339] : memref<4x80x128xi32, #tpu.memory_space<vmem>> -> memref<1x80x128xi32, #tpu.memory_space<vmem>>
        %dma_start3A_341 = tpu.memref_squeeze %dma_start3A_340 : memref<1x80x128xi32, #tpu.memory_space<vmem>> -> memref<80x128xi32, #tpu.memory_space<vmem>>
        %dma_start3A_342 = arith.constant 0 : i32
        %dma_start3A_343 = tpu.memref_slice %arg5[%run_scoped3A_329, %add3A_327, %dma_start3A_342] : memref<2x320000x128xi32, #tpu.memory_space<hbm>> -> memref<1x80x128xi32, #tpu.memory_space<hbm>>
        %dma_start3A_344 = tpu.memref_squeeze %dma_start3A_343 : memref<1x80x128xi32, #tpu.memory_space<hbm>> -> memref<80x128xi32, #tpu.memory_space<hbm>>
        %dma_start3A_345 = arith.constant 0 : i32
        %dma_start3A_346 = tpu.memref_slice %arg5[%run_scoped3A_329, %add3A_327, %dma_start3A_345] : memref<2x320000x128xi32, #tpu.memory_space<hbm>> -> memref<1x80x128xi32, #tpu.memory_space<hbm>>
        %dma_start3A_347 = tpu.memref_squeeze %dma_start3A_346 : memref<1x80x128xi32, #tpu.memory_space<hbm>> -> memref<80x128xi32, #tpu.memory_space<hbm>>
        %dma_start3A_348 = arith.constant 0 : i32
        %dma_start3A_349 = arith.constant 0 : i32
        %dma_start3A_350 = tpu.memref_slice %arg8[%run_scoped3A_328, %dma_start3A_348, %dma_start3A_349] : memref<4x80x128xi32, #tpu.memory_space<vmem>> -> memref<1x80x128xi32, #tpu.memory_space<vmem>>
        %dma_start3A_351 = tpu.memref_squeeze %dma_start3A_350 : memref<1x80x128xi32, #tpu.memory_space<vmem>> -> memref<80x128xi32, #tpu.memory_space<vmem>>
        tpu.enqueue_dma source(%dma_start3A_351 : memref<80x128xi32, #tpu.memory_space<vmem>>) target(%dma_start3A_347 : memref<80x128xi32, #tpu.memory_space<hbm>>) target_semaphore(%run_scoped3A_337 : memref<!tpu.dma_semaphore, #tpu.memory_space<semaphore_mem>>)
        %dma_wait3A_352 = arith.constant 0 : i32
        %dma_wait3A_353 = arith.constant 0 : i32
        %dma_wait3A_354 = tpu.memref_slice %arg8[%run_scoped3A_328, %dma_wait3A_352, %dma_wait3A_353] : memref<4x80x128xi32, #tpu.memory_space<vmem>> -> memref<1x80x128xi32, #tpu.memory_space<vmem>>
        %dma_wait3A_355 = tpu.memref_squeeze %dma_wait3A_354 : memref<1x80x128xi32, #tpu.memory_space<vmem>> -> memref<80x128xi32, #tpu.memory_space<vmem>>
        %dma_wait3A_356 = arith.constant 0 : i32
        %dma_wait3A_357 = tpu.memref_slice %arg5[%run_scoped3A_329, %add3A_327, %dma_wait3A_356] : memref<2x320000x128xi32, #tpu.memory_space<hbm>> -> memref<1x80x128xi32, #tpu.memory_space<hbm>>
        %dma_wait3A_358 = tpu.memref_squeeze %dma_wait3A_357 : memref<1x80x128xi32, #tpu.memory_space<hbm>> -> memref<80x128xi32, #tpu.memory_space<hbm>>
        %dma_wait3A_359 = arith.constant 0 : i32
        %dma_wait3A_360 = tpu.memref_slice %arg5[%run_scoped3A_329, %add3A_327, %dma_wait3A_359] : memref<2x320000x128xi32, #tpu.memory_space<hbm>> -> memref<1x80x128xi32, #tpu.memory_space<hbm>>
        %dma_wait3A_361 = tpu.memref_squeeze %dma_wait3A_360 : memref<1x80x128xi32, #tpu.memory_space<hbm>> -> memref<80x128xi32, #tpu.memory_space<hbm>>
        %dma_wait3A_362 = arith.constant 0 : i32
        %dma_wait3A_363 = arith.constant 0 : i32
        %dma_wait3A_364 = tpu.memref_slice %arg8[%run_scoped3A_328, %dma_wait3A_362, %dma_wait3A_363] : memref<4x80x128xi32, #tpu.memory_space<vmem>> -> memref<1x80x128xi32, #tpu.memory_space<vmem>>
        %dma_wait3A_365 = tpu.memref_squeeze %dma_wait3A_364 : memref<1x80x128xi32, #tpu.memory_space<vmem>> -> memref<80x128xi32, #tpu.memory_space<vmem>>
        tpu.wait_dma2 semaphore(%run_scoped3A_337 : memref<!tpu.dma_semaphore, #tpu.memory_space<semaphore_mem>>) src(%dma_wait3A_365 : memref<80x128xi32, #tpu.memory_space<vmem>>) dst(%dma_wait3A_361 : memref<80x128xi32, #tpu.memory_space<hbm>>)
        tpu.yield
      }) : () -> ()
      %run_scoped3A_330 = arith.constant 3 : i32
      %run_scoped3A_331 = arith.constant 1 : i32
      "tpu.region"() ({
        %run_scoped3A_337 = tpu.sem_alloc : memref<!tpu.dma_semaphore, #tpu.memory_space<semaphore_mem>>
        %dma_start3A_338 = arith.constant 0 : i32
        %dma_start3A_339 = arith.constant 0 : i32
        %dma_start3A_340 = tpu.memref_slice %arg9[%run_scoped3A_330, %dma_start3A_338, %dma_start3A_339] : memref<4x80x128xi32, #tpu.memory_space<vmem>> -> memref<1x80x128xi32, #tpu.memory_space<vmem>>
        %dma_start3A_341 = tpu.memref_squeeze %dma_start3A_340 : memref<1x80x128xi32, #tpu.memory_space<vmem>> -> memref<80x128xi32, #tpu.memory_space<vmem>>
        %dma_start3A_342 = arith.constant 0 : i32
        %dma_start3A_343 = tpu.memref_slice %arg5[%run_scoped3A_331, %add3A_327, %dma_start3A_342] : memref<2x320000x128xi32, #tpu.memory_space<hbm>> -> memref<1x80x128xi32, #tpu.memory_space<hbm>>
        %dma_start3A_344 = tpu.memref_squeeze %dma_start3A_343 : memref<1x80x128xi32, #tpu.memory_space<hbm>> -> memref<80x128xi32, #tpu.memory_space<hbm>>
        %dma_start3A_345 = arith.constant 0 : i32
        %dma_start3A_346 = tpu.memref_slice %arg5[%run_scoped3A_331, %add3A_327, %dma_start3A_345] : memref<2x320000x128xi32, #tpu.memory_space<hbm>> -> memref<1x80x128xi32, #tpu.memory_space<hbm>>
        %dma_start3A_347 = tpu.memref_squeeze %dma_start3A_346 : memref<1x80x128xi32, #tpu.memory_space<hbm>> -> memref<80x128xi32, #tpu.memory_space<hbm>>
        %dma_start3A_348 = arith.constant 0 : i32
        %dma_start3A_349 = arith.constant 0 : i32
        %dma_start3A_350 = tpu.memref_slice %arg9[%run_scoped3A_330, %dma_start3A_348, %dma_start3A_349] : memref<4x80x128xi32, #tpu.memory_space<vmem>> -> memref<1x80x128xi32, #tpu.memory_space<vmem>>
        %dma_start3A_351 = tpu.memref_squeeze %dma_start3A_350 : memref<1x80x128xi32, #tpu.memory_space<vmem>> -> memref<80x128xi32, #tpu.memory_space<vmem>>
        tpu.enqueue_dma source(%dma_start3A_351 : memref<80x128xi32, #tpu.memory_space<vmem>>) target(%dma_start3A_347 : memref<80x128xi32, #tpu.memory_space<hbm>>) target_semaphore(%run_scoped3A_337 : memref<!tpu.dma_semaphore, #tpu.memory_space<semaphore_mem>>)
        %dma_wait3A_352 = arith.constant 0 : i32
        %dma_wait3A_353 = arith.constant 0 : i32
        %dma_wait3A_354 = tpu.memref_slice %arg9[%run_scoped3A_330, %dma_wait3A_352, %dma_wait3A_353] : memref<4x80x128xi32, #tpu.memory_space<vmem>> -> memref<1x80x128xi32, #tpu.memory_space<vmem>>
        %dma_wait3A_355 = tpu.memref_squeeze %dma_wait3A_354 : memref<1x80x128xi32, #tpu.memory_space<vmem>> -> memref<80x128xi32, #tpu.memory_space<vmem>>
        %dma_wait3A_356 = arith.constant 0 : i32
        %dma_wait3A_357 = tpu.memref_slice %arg5[%run_scoped3A_331, %add3A_327, %dma_wait3A_356] : memref<2x320000x128xi32, #tpu.memory_space<hbm>> -> memref<1x80x128xi32, #tpu.memory_space<hbm>>
        %dma_wait3A_358 = tpu.memref_squeeze %dma_wait3A_357 : memref<1x80x128xi32, #tpu.memory_space<hbm>> -> memref<80x128xi32, #tpu.memory_space<hbm>>
        %dma_wait3A_359 = arith.constant 0 : i32
        %dma_wait3A_360 = tpu.memref_slice %arg5[%run_scoped3A_331, %add3A_327, %dma_wait3A_359] : memref<2x320000x128xi32, #tpu.memory_space<hbm>> -> memref<1x80x128xi32, #tpu.memory_space<hbm>>
        %dma_wait3A_361 = tpu.memref_squeeze %dma_wait3A_360 : memref<1x80x128xi32, #tpu.memory_space<hbm>> -> memref<80x128xi32, #tpu.memory_space<hbm>>
        %dma_wait3A_362 = arith.constant 0 : i32
        %dma_wait3A_363 = arith.constant 0 : i32
        %dma_wait3A_364 = tpu.memref_slice %arg9[%run_scoped3A_330, %dma_wait3A_362, %dma_wait3A_363] : memref<4x80x128xi32, #tpu.memory_space<vmem>> -> memref<1x80x128xi32, #tpu.memory_space<vmem>>
        %dma_wait3A_365 = tpu.memref_squeeze %dma_wait3A_364 : memref<1x80x128xi32, #tpu.memory_space<vmem>> -> memref<80x128xi32, #tpu.memory_space<vmem>>
        tpu.wait_dma2 semaphore(%run_scoped3A_337 : memref<!tpu.dma_semaphore, #tpu.memory_space<semaphore_mem>>) src(%dma_wait3A_365 : memref<80x128xi32, #tpu.memory_space<vmem>>) dst(%dma_wait3A_361 : memref<80x128xi32, #tpu.memory_space<hbm>>)
        tpu.yield
      }) : () -> ()
      %lt3A_332 = arith.constant 121 : i32
      %lt3A_333 = arith.cmpi slt, %add3A_296, %lt3A_332 : i32
      %convert_element_type3A_334 = arith.extui %lt3A_333 : i1 to i32
      %cond3A_335 = arith.constant 0 : i32
      %cond3A_336 = arith.cmpi ne, %convert_element_type3A_334, %cond3A_335 : i32
      scf.if %cond3A_336 {
        %add3A_337 = arith.constant 4 : i32
        %add3A_338 = arith.addi %add3A_296, %add3A_337 : i32
        %dma_start3A_339 = arith.constant 3 : i32
        %dma_start3A_340 = arith.constant 3 : i32
        %dma_start3A_341 = arith.constant 0 : i32
        %dma_start3A_342 = arith.constant 0 : i32
        %dma_start3A_343 = tpu.memref_slice %arg8[%dma_start3A_339, %dma_start3A_341, %dma_start3A_342] : memref<4x80x128xi32, #tpu.memory_space<vmem>> -> memref<1x80x128xi32, #tpu.memory_space<vmem>>
        %dma_start3A_344 = tpu.memref_squeeze %dma_start3A_343 : memref<1x80x128xi32, #tpu.memory_space<vmem>> -> memref<80x128xi32, #tpu.memory_space<vmem>>
        %dma_start3A_345 = arith.constant 0 : i32
        %dma_start3A_346 = tpu.memref_slice %arg6[%add3A_338, %dma_start3A_345] : memref<125x80xi32, #tpu.memory_space<vmem>> -> memref<1x80xi32, #tpu.memory_space<vmem>>
        %dma_start3A_347 = tpu.memref_squeeze %dma_start3A_346 : memref<1x80xi32, #tpu.memory_space<vmem>> -> memref<80xi32, #tpu.memory_space<vmem>>
        %dma_start3A_348 = arith.constant 0 : i32
        %dma_start3A_349 = arith.constant 0 : i32
        %dma_start3A_350 = tpu.memref_slice %arg2[%dma_start3A_348, %dma_start3A_349] : memref<10000x128xi32, #tpu.memory_space<hbm>> -> memref<10000x128xi32, #tpu.memory_space<hbm>>
        %dma_start3A_351 = tpu.memref_slice %arg10[%dma_start3A_340] : memref<4x!tpu.dma_semaphore, #tpu.memory_space<semaphore_mem>> -> memref<1x!tpu.dma_semaphore, #tpu.memory_space<semaphore_mem>>
        %dma_start3A_352 = tpu.memref_squeeze %dma_start3A_351 : memref<1x!tpu.dma_semaphore, #tpu.memory_space<semaphore_mem>> -> memref<!tpu.dma_semaphore, #tpu.memory_space<semaphore_mem>>
        tpu.enqueue_indirect_dma source(%dma_start3A_350 : memref<10000x128xi32, #tpu.memory_space<hbm>>) target(%dma_start3A_344 : memref<80x128xi32, #tpu.memory_space<vmem>>) offsets(%dma_start3A_347 : memref<80xi32, #tpu.memory_space<vmem>>) semaphore(%dma_start3A_352 : memref<!tpu.dma_semaphore, #tpu.memory_space<semaphore_mem>>)
        %dma_start3A_353 = arith.constant 3 : i32
        %dma_start3A_354 = arith.constant 3 : i32
        %dma_start3A_355 = arith.constant 0 : i32
        %dma_start3A_356 = arith.constant 0 : i32
        %dma_start3A_357 = tpu.memref_slice %arg9[%dma_start3A_353, %dma_start3A_355, %dma_start3A_356] : memref<4x80x128xi32, #tpu.memory_space<vmem>> -> memref<1x80x128xi32, #tpu.memory_space<vmem>>
        %dma_start3A_358 = tpu.memref_squeeze %dma_start3A_357 : memref<1x80x128xi32, #tpu.memory_space<vmem>> -> memref<80x128xi32, #tpu.memory_space<vmem>>
        %dma_start3A_359 = arith.constant 0 : i32
        %dma_start3A_360 = tpu.memref_slice %arg7[%add3A_338, %dma_start3A_359] : memref<125x80xi32, #tpu.memory_space<vmem>> -> memref<1x80xi32, #tpu.memory_space<vmem>>
        %dma_start3A_361 = tpu.memref_squeeze %dma_start3A_360 : memref<1x80xi32, #tpu.memory_space<vmem>> -> memref<80xi32, #tpu.memory_space<vmem>>
        %dma_start3A_362 = arith.constant 0 : i32
        %dma_start3A_363 = arith.constant 0 : i32
        %dma_start3A_364 = tpu.memref_slice %arg3[%dma_start3A_362, %dma_start3A_363] : memref<10000x128xi32, #tpu.memory_space<hbm>> -> memref<10000x128xi32, #tpu.memory_space<hbm>>
        %dma_start3A_365 = tpu.memref_slice %arg10[%dma_start3A_354] : memref<4x!tpu.dma_semaphore, #tpu.memory_space<semaphore_mem>> -> memref<1x!tpu.dma_semaphore, #tpu.memory_space<semaphore_mem>>
        %dma_start3A_366 = tpu.memref_squeeze %dma_start3A_365 : memref<1x!tpu.dma_semaphore, #tpu.memory_space<semaphore_mem>> -> memref<!tpu.dma_semaphore, #tpu.memory_space<semaphore_mem>>
        tpu.enqueue_indirect_dma source(%dma_start3A_364 : memref<10000x128xi32, #tpu.memory_space<hbm>>) target(%dma_start3A_358 : memref<80x128xi32, #tpu.memory_space<vmem>>) offsets(%dma_start3A_361 : memref<80xi32, #tpu.memory_space<vmem>>) semaphore(%dma_start3A_366 : memref<!tpu.dma_semaphore, #tpu.memory_space<semaphore_mem>>)
      } else {
      }
    }
    %scan3A_127 = arith.constant 31 : i32
    %dma_wait3A = arith.constant 124 : i32
    %dma_wait3A_128 = arith.constant 0 : i32
    %dma_wait3A_129 = arith.constant 0 : i32
    %dma_wait3A_130 = arith.constant 0 : i32
    %dma_wait3A_131 = arith.constant 0 : i32
    %dma_wait3A_132 = tpu.memref_slice %arg8[%dma_wait3A_128, %dma_wait3A_130, %dma_wait3A_131] : memref<4x80x128xi32, #tpu.memory_space<vmem>> -> memref<1x80x128xi32, #tpu.memory_space<vmem>>
    %dma_wait3A_133 = tpu.memref_squeeze %dma_wait3A_132 : memref<1x80x128xi32, #tpu.memory_space<vmem>> -> memref<80x128xi32, #tpu.memory_space<vmem>>
    %dma_wait3A_134 = arith.constant 0 : i32
    %dma_wait3A_135 = tpu.memref_slice %arg6[%dma_wait3A, %dma_wait3A_134] : memref<125x80xi32, #tpu.memory_space<vmem>> -> memref<1x80xi32, #tpu.memory_space<vmem>>
    %dma_wait3A_136 = tpu.memref_squeeze %dma_wait3A_135 : memref<1x80xi32, #tpu.memory_space<vmem>> -> memref<80xi32, #tpu.memory_space<vmem>>
    %dma_wait3A_137 = arith.constant 0 : i32
    %dma_wait3A_138 = arith.constant 0 : i32
    %dma_wait3A_139 = tpu.memref_slice %arg2[%dma_wait3A_137, %dma_wait3A_138] : memref<10000x128xi32, #tpu.memory_space<hbm>> -> memref<10000x128xi32, #tpu.memory_space<hbm>>
    %dma_wait3A_140 = tpu.memref_slice %arg10[%dma_wait3A_129] : memref<4x!tpu.dma_semaphore, #tpu.memory_space<semaphore_mem>> -> memref<1x!tpu.dma_semaphore, #tpu.memory_space<semaphore_mem>>
    %dma_wait3A_141 = tpu.memref_squeeze %dma_wait3A_140 : memref<1x!tpu.dma_semaphore, #tpu.memory_space<semaphore_mem>> -> memref<!tpu.dma_semaphore, #tpu.memory_space<semaphore_mem>>
    tpu.wait_indirect_dma semaphore(%dma_wait3A_141 : memref<!tpu.dma_semaphore, #tpu.memory_space<semaphore_mem>>) src(%dma_wait3A_139 : memref<10000x128xi32, #tpu.memory_space<hbm>>) dst(%dma_wait3A_133 : memref<80x128xi32, #tpu.memory_space<vmem>>)
    %dma_wait3A_142 = arith.constant 124 : i32
    %dma_wait3A_143 = arith.constant 0 : i32
    %dma_wait3A_144 = arith.constant 0 : i32
    %dma_wait3A_145 = arith.constant 0 : i32
    %dma_wait3A_146 = arith.constant 0 : i32
    %dma_wait3A_147 = tpu.memref_slice %arg9[%dma_wait3A_143, %dma_wait3A_145, %dma_wait3A_146] : memref<4x80x128xi32, #tpu.memory_space<vmem>> -> memref<1x80x128xi32, #tpu.memory_space<vmem>>
    %dma_wait3A_148 = tpu.memref_squeeze %dma_wait3A_147 : memref<1x80x128xi32, #tpu.memory_space<vmem>> -> memref<80x128xi32, #tpu.memory_space<vmem>>
    %dma_wait3A_149 = arith.constant 0 : i32
    %dma_wait3A_150 = tpu.memref_slice %arg7[%dma_wait3A_142, %dma_wait3A_149] : memref<125x80xi32, #tpu.memory_space<vmem>> -> memref<1x80xi32, #tpu.memory_space<vmem>>
    %dma_wait3A_151 = tpu.memref_squeeze %dma_wait3A_150 : memref<1x80xi32, #tpu.memory_space<vmem>> -> memref<80xi32, #tpu.memory_space<vmem>>
    %dma_wait3A_152 = arith.constant 0 : i32
    %dma_wait3A_153 = arith.constant 0 : i32
    %dma_wait3A_154 = tpu.memref_slice %arg3[%dma_wait3A_152, %dma_wait3A_153] : memref<10000x128xi32, #tpu.memory_space<hbm>> -> memref<10000x128xi32, #tpu.memory_space<hbm>>
    %dma_wait3A_155 = tpu.memref_slice %arg10[%dma_wait3A_144] : memref<4x!tpu.dma_semaphore, #tpu.memory_space<semaphore_mem>> -> memref<1x!tpu.dma_semaphore, #tpu.memory_space<semaphore_mem>>
    %dma_wait3A_156 = tpu.memref_squeeze %dma_wait3A_155 : memref<1x!tpu.dma_semaphore, #tpu.memory_space<semaphore_mem>> -> memref<!tpu.dma_semaphore, #tpu.memory_space<semaphore_mem>>
    tpu.wait_indirect_dma semaphore(%dma_wait3A_156 : memref<!tpu.dma_semaphore, #tpu.memory_space<semaphore_mem>>) src(%dma_wait3A_154 : memref<10000x128xi32, #tpu.memory_space<hbm>>) dst(%dma_wait3A_148 : memref<80x128xi32, #tpu.memory_space<vmem>>)
    %add3A_157 = arith.constant 9920 : i32
    %add3A_158 = arith.addi %mul3A_2, %add3A_157 : i32
    %run_scoped3A_159 = arith.constant 0 : i32
    %run_scoped3A_160 = arith.constant 0 : i32
    "tpu.region"() ({
      %run_scoped3A_163 = tpu.sem_alloc : memref<!tpu.dma_semaphore, #tpu.memory_space<semaphore_mem>>
      %dma_start3A_164 = arith.constant 0 : i32
      %dma_start3A_165 = arith.constant 0 : i32
      %dma_start3A_166 = tpu.memref_slice %arg8[%run_scoped3A_159, %dma_start3A_164, %dma_start3A_165] : memref<4x80x128xi32, #tpu.memory_space<vmem>> -> memref<1x80x128xi32, #tpu.memory_space<vmem>>
      %dma_start3A_167 = tpu.memref_squeeze %dma_start3A_166 : memref<1x80x128xi32, #tpu.memory_space<vmem>> -> memref<80x128xi32, #tpu.memory_space<vmem>>
      %dma_start3A_168 = arith.constant 0 : i32
      %dma_start3A_169 = tpu.memref_slice %arg5[%run_scoped3A_160, %add3A_158, %dma_start3A_168] : memref<2x320000x128xi32, #tpu.memory_space<hbm>> -> memref<1x80x128xi32, #tpu.memory_space<hbm>>
      %dma_start3A_170 = tpu.memref_squeeze %dma_start3A_169 : memref<1x80x128xi32, #tpu.memory_space<hbm>> -> memref<80x128xi32, #tpu.memory_space<hbm>>
      %dma_start3A_171 = arith.constant 0 : i32
      %dma_start3A_172 = tpu.memref_slice %arg5[%run_scoped3A_160, %add3A_158, %dma_start3A_171] : memref<2x320000x128xi32, #tpu.memory_space<hbm>> -> memref<1x80x128xi32, #tpu.memory_space<hbm>>
      %dma_start3A_173 = tpu.memref_squeeze %dma_start3A_172 : memref<1x80x128xi32, #tpu.memory_space<hbm>> -> memref<80x128xi32, #tpu.memory_space<hbm>>
      %dma_start3A_174 = arith.constant 0 : i32
      %dma_start3A_175 = arith.constant 0 : i32
      %dma_start3A_176 = tpu.memref_slice %arg8[%run_scoped3A_159, %dma_start3A_174, %dma_start3A_175] : memref<4x80x128xi32, #tpu.memory_space<vmem>> -> memref<1x80x128xi32, #tpu.memory_space<vmem>>
      %dma_start3A_177 = tpu.memref_squeeze %dma_start3A_176 : memref<1x80x128xi32, #tpu.memory_space<vmem>> -> memref<80x128xi32, #tpu.memory_space<vmem>>
      tpu.enqueue_dma source(%dma_start3A_177 : memref<80x128xi32, #tpu.memory_space<vmem>>) target(%dma_start3A_173 : memref<80x128xi32, #tpu.memory_space<hbm>>) target_semaphore(%run_scoped3A_163 : memref<!tpu.dma_semaphore, #tpu.memory_space<semaphore_mem>>)
      %dma_wait3A_178 = arith.constant 0 : i32
      %dma_wait3A_179 = arith.constant 0 : i32
      %dma_wait3A_180 = tpu.memref_slice %arg8[%run_scoped3A_159, %dma_wait3A_178, %dma_wait3A_179] : memref<4x80x128xi32, #tpu.memory_space<vmem>> -> memref<1x80x128xi32, #tpu.memory_space<vmem>>
      %dma_wait3A_181 = tpu.memref_squeeze %dma_wait3A_180 : memref<1x80x128xi32, #tpu.memory_space<vmem>> -> memref<80x128xi32, #tpu.memory_space<vmem>>
      %dma_wait3A_182 = arith.constant 0 : i32
      %dma_wait3A_183 = tpu.memref_slice %arg5[%run_scoped3A_160, %add3A_158, %dma_wait3A_182] : memref<2x320000x128xi32, #tpu.memory_space<hbm>> -> memref<1x80x128xi32, #tpu.memory_space<hbm>>
      %dma_wait3A_184 = tpu.memref_squeeze %dma_wait3A_183 : memref<1x80x128xi32, #tpu.memory_space<hbm>> -> memref<80x128xi32, #tpu.memory_space<hbm>>
      %dma_wait3A_185 = arith.constant 0 : i32
      %dma_wait3A_186 = tpu.memref_slice %arg5[%run_scoped3A_160, %add3A_158, %dma_wait3A_185] : memref<2x320000x128xi32, #tpu.memory_space<hbm>> -> memref<1x80x128xi32, #tpu.memory_space<hbm>>
      %dma_wait3A_187 = tpu.memref_squeeze %dma_wait3A_186 : memref<1x80x128xi32, #tpu.memory_space<hbm>> -> memref<80x128xi32, #tpu.memory_space<hbm>>
      %dma_wait3A_188 = arith.constant 0 : i32
      %dma_wait3A_189 = arith.constant 0 : i32
      %dma_wait3A_190 = tpu.memref_slice %arg8[%run_scoped3A_159, %dma_wait3A_188, %dma_wait3A_189] : memref<4x80x128xi32, #tpu.memory_space<vmem>> -> memref<1x80x128xi32, #tpu.memory_space<vmem>>
      %dma_wait3A_191 = tpu.memref_squeeze %dma_wait3A_190 : memref<1x80x128xi32, #tpu.memory_space<vmem>> -> memref<80x128xi32, #tpu.memory_space<vmem>>
      tpu.wait_dma2 semaphore(%run_scoped3A_163 : memref<!tpu.dma_semaphore, #tpu.memory_space<semaphore_mem>>) src(%dma_wait3A_191 : memref<80x128xi32, #tpu.memory_space<vmem>>) dst(%dma_wait3A_187 : memref<80x128xi32, #tpu.memory_space<hbm>>)
      tpu.yield
    }) : () -> ()
    %run_scoped3A_161 = arith.constant 0 : i32
    %run_scoped3A_162 = arith.constant 1 : i32
    "tpu.region"() ({
      %run_scoped3A_163 = tpu.sem_alloc : memref<!tpu.dma_semaphore, #tpu.memory_space<semaphore_mem>>
      %dma_start3A_164 = arith.constant 0 : i32
      %dma_start3A_165 = arith.constant 0 : i32
      %dma_start3A_166 = tpu.memref_slice %arg9[%run_scoped3A_161, %dma_start3A_164, %dma_start3A_165] : memref<4x80x128xi32, #tpu.memory_space<vmem>> -> memref<1x80x128xi32, #tpu.memory_space<vmem>>
      %dma_start3A_167 = tpu.memref_squeeze %dma_start3A_166 : memref<1x80x128xi32, #tpu.memory_space<vmem>> -> memref<80x128xi32, #tpu.memory_space<vmem>>
      %dma_start3A_168 = arith.constant 0 : i32
      %dma_start3A_169 = tpu.memref_slice %arg5[%run_scoped3A_162, %add3A_158, %dma_start3A_168] : memref<2x320000x128xi32, #tpu.memory_space<hbm>> -> memref<1x80x128xi32, #tpu.memory_space<hbm>>
      %dma_start3A_170 = tpu.memref_squeeze %dma_start3A_169 : memref<1x80x128xi32, #tpu.memory_space<hbm>> -> memref<80x128xi32, #tpu.memory_space<hbm>>
      %dma_start3A_171 = arith.constant 0 : i32
      %dma_start3A_172 = tpu.memref_slice %arg5[%run_scoped3A_162, %add3A_158, %dma_start3A_171] : memref<2x320000x128xi32, #tpu.memory_space<hbm>> -> memref<1x80x128xi32, #tpu.memory_space<hbm>>
      %dma_start3A_173 = tpu.memref_squeeze %dma_start3A_172 : memref<1x80x128xi32, #tpu.memory_space<hbm>> -> memref<80x128xi32, #tpu.memory_space<hbm>>
      %dma_start3A_174 = arith.constant 0 : i32
      %dma_start3A_175 = arith.constant 0 : i32
      %dma_start3A_176 = tpu.memref_slice %arg9[%run_scoped3A_161, %dma_start3A_174, %dma_start3A_175] : memref<4x80x128xi32, #tpu.memory_space<vmem>> -> memref<1x80x128xi32, #tpu.memory_space<vmem>>
      %dma_start3A_177 = tpu.memref_squeeze %dma_start3A_176 : memref<1x80x128xi32, #tpu.memory_space<vmem>> -> memref<80x128xi32, #tpu.memory_space<vmem>>
      tpu.enqueue_dma source(%dma_start3A_177 : memref<80x128xi32, #tpu.memory_space<vmem>>) target(%dma_start3A_173 : memref<80x128xi32, #tpu.memory_space<hbm>>) target_semaphore(%run_scoped3A_163 : memref<!tpu.dma_semaphore, #tpu.memory_space<semaphore_mem>>)
      %dma_wait3A_178 = arith.constant 0 : i32
      %dma_wait3A_179 = arith.constant 0 : i32
      %dma_wait3A_180 = tpu.memref_slice %arg9[%run_scoped3A_161, %dma_wait3A_178, %dma_wait3A_179] : memref<4x80x128xi32, #tpu.memory_space<vmem>> -> memref<1x80x128xi32, #tpu.memory_space<vmem>>
      %dma_wait3A_181 = tpu.memref_squeeze %dma_wait3A_180 : memref<1x80x128xi32, #tpu.memory_space<vmem>> -> memref<80x128xi32, #tpu.memory_space<vmem>>
      %dma_wait3A_182 = arith.constant 0 : i32
      %dma_wait3A_183 = tpu.memref_slice %arg5[%run_scoped3A_162, %add3A_158, %dma_wait3A_182] : memref<2x320000x128xi32, #tpu.memory_space<hbm>> -> memref<1x80x128xi32, #tpu.memory_space<hbm>>
      %dma_wait3A_184 = tpu.memref_squeeze %dma_wait3A_183 : memref<1x80x128xi32, #tpu.memory_space<hbm>> -> memref<80x128xi32, #tpu.memory_space<hbm>>
      %dma_wait3A_185 = arith.constant 0 : i32
      %dma_wait3A_186 = tpu.memref_slice %arg5[%run_scoped3A_162, %add3A_158, %dma_wait3A_185] : memref<2x320000x128xi32, #tpu.memory_space<hbm>> -> memref<1x80x128xi32, #tpu.memory_space<hbm>>
      %dma_wait3A_187 = tpu.memref_squeeze %dma_wait3A_186 : memref<1x80x128xi32, #tpu.memory_space<hbm>> -> memref<80x128xi32, #tpu.memory_space<hbm>>
      %dma_wait3A_188 = arith.constant 0 : i32
      %dma_wait3A_189 = arith.constant 0 : i32
      %dma_wait3A_190 = tpu.memref_slice %arg9[%run_scoped3A_161, %dma_wait3A_188, %dma_wait3A_189] : memref<4x80x128xi32, #tpu.memory_space<vmem>> -> memref<1x80x128xi32, #tpu.memory_space<vmem>>
      %dma_wait3A_191 = tpu.memref_squeeze %dma_wait3A_190 : memref<1x80x128xi32, #tpu.memory_space<vmem>> -> memref<80x128xi32, #tpu.memory_space<vmem>>
      tpu.wait_dma2 semaphore(%run_scoped3A_163 : memref<!tpu.dma_semaphore, #tpu.memory_space<semaphore_mem>>) src(%dma_wait3A_191 : memref<80x128xi32, #tpu.memory_space<vmem>>) dst(%dma_wait3A_187 : memref<80x128xi32, #tpu.memory_space<hbm>>)
      tpu.yield
    }) : () -> ()
    return
  }
}

module attributes {stable_mosaic.version = 14 : i64} {
  func.func @_node_mm_body(%arg0: i32, %arg1: memref<1000x128xf32, #tpu.memory_space<vmem>>, %arg2: memref<256x272xf32, #tpu.memory_space<vmem>>, %arg3: memref<1000x128xi32, #tpu.memory_space<vmem>>, %arg4: memref<1000x128xi32, #tpu.memory_space<vmem>>) attributes {dimension_semantics = [#tpu.dimension_semantics<arbitrary>], iteration_bounds = array<i64: 10>, scalar_prefetch = 0 : i64, scratch_operands = 0 : i64, tpu.core_type = #tpu.core_type<tc>, window_params = [{transform_indices = @transform_0, window_bounds = array<i64: 1000, 128>}, {pipeline_mode = #tpu.pipeline_mode<synchronous>, transform_indices = @transform_1, window_bounds = array<i64: 256, 272>}, {transform_indices = @transform_2, window_bounds = array<i64: 1000, 128>}, {transform_indices = @transform_3, window_bounds = array<i64: 1000, 128>}]} {
    %get3A = arith.constant 0 : index
    %get3A_0 = arith.constant 0 : index
    %get3A_1 = vector.load %arg1[%get3A, %get3A_0] : memref<1000x128xf32, #tpu.memory_space<vmem>>, vector<1000x128xf32>
    %get3A_2 = arith.constant 0 : index
    %get3A_3 = arith.constant 0 : index
    %get3A_4 = vector.load %arg2[%get3A_2, %get3A_3] : memref<256x272xf32, #tpu.memory_space<vmem>>, vector<256x128xf32>
    %dot_general3A = arith.constant dense<0.000000e+00> : vector<1000x256xf32>
    %dot_general3A_5 = tpu.matmul %get3A_1, %get3A_4, %dot_general3A {dimension_numbers = #tpu.dot_dimension_numbers<[1], [1], [0], [0], [0, 0, 1, 0], [], []>, transpose_lhs_hint = false} : vector<1000x128xf32>, vector<256x128xf32>, vector<1000x256xf32> -> vector<1000x256xf32>
    %get3A_6 = arith.constant 0 : index
    %get3A_7 = arith.constant 128 : index
    %get3A_8 = vector.load %arg2[%get3A_6, %get3A_7] : memref<256x272xf32, #tpu.memory_space<vmem>>, vector<256x128xf32>
    %dot_general3A_9 = arith.constant dense<0.000000e+00> : vector<1000x256xf32>
    %dot_general3A_10 = tpu.matmul %get3A_1, %get3A_8, %dot_general3A_9 {dimension_numbers = #tpu.dot_dimension_numbers<[1], [1], [0], [0], [0, 0, 1, 0], [], []>, transpose_lhs_hint = false} : vector<1000x128xf32>, vector<256x128xf32>, vector<1000x256xf32> -> vector<1000x256xf32>
    %slice3A = vector.extract_strided_slice %dot_general3A_5 {offsets = [0, 0], sizes = [1000, 128], strides = [1, 1]} : vector<1000x256xf32> to vector<1000x128xf32>
    %slice3A_11 = vector.extract_strided_slice %dot_general3A_5 {offsets = [0, 128], sizes = [1000, 128], strides = [1, 1]} : vector<1000x256xf32> to vector<1000x128xf32>
    %bitcast_convert_type3A = tpu.bitcast %slice3A : vector<1000x128xf32> -> vector<1000x128xi32>
    %add3A = arith.constant 32768 : i32
    %add3A_12 = vector.broadcast %add3A : i32 to vector<1000x128xi32>
    %add3A_13 = arith.addi %bitcast_convert_type3A, %add3A_12 : vector<1000x128xi32>
    %bitcast_convert_type3A_14 = tpu.bitcast %slice3A_11 : vector<1000x128xf32> -> vector<1000x128xi32>
    %add3A_15 = arith.constant 32768 : i32
    %add3A_16 = vector.broadcast %add3A_15 : i32 to vector<1000x128xi32>
    %add3A_17 = arith.addi %bitcast_convert_type3A_14, %add3A_16 : vector<1000x128xi32>
    %shift_right_logical3A = arith.constant 16 : i32
    %shift_right_logical3A_18 = vector.broadcast %shift_right_logical3A : i32 to vector<1000x128xi32>
    %shift_right_logical3A_19 = arith.shrui %add3A_13, %shift_right_logical3A_18 : vector<1000x128xi32>
    %and3A = arith.constant -65536 : i32
    %and3A_20 = vector.broadcast %and3A : i32 to vector<1000x128xi32>
    %and3A_21 = arith.andi %add3A_17, %and3A_20 : vector<1000x128xi32>
    %or3A = arith.ori %shift_right_logical3A_19, %and3A_21 : vector<1000x128xi32>
    %swap3A = arith.constant 0 : index
    %swap3A_22 = arith.constant 0 : index
    %swap3A_23 = vector.load %arg3[%swap3A, %swap3A_22] : memref<1000x128xi32, #tpu.memory_space<vmem>>, vector<1000x128xi32>
    tpu.vector_store %arg3[%swap3A, %swap3A_22], %or3A {strides = array<i32>} : memref<1000x128xi32, #tpu.memory_space<vmem>>, vector<1000x128xi32>,
    %slice3A_24 = vector.extract_strided_slice %dot_general3A_10 {offsets = [0, 0], sizes = [1000, 128], strides = [1, 1]} : vector<1000x256xf32> to vector<1000x128xf32>
    %slice3A_25 = vector.extract_strided_slice %dot_general3A_10 {offsets = [0, 128], sizes = [1000, 128], strides = [1, 1]} : vector<1000x256xf32> to vector<1000x128xf32>
    %bitcast_convert_type3A_26 = tpu.bitcast %slice3A_24 : vector<1000x128xf32> -> vector<1000x128xi32>
    %add3A_27 = arith.constant 32768 : i32
    %add3A_28 = vector.broadcast %add3A_27 : i32 to vector<1000x128xi32>
    %add3A_29 = arith.addi %bitcast_convert_type3A_26, %add3A_28 : vector<1000x128xi32>
    %bitcast_convert_type3A_30 = tpu.bitcast %slice3A_25 : vector<1000x128xf32> -> vector<1000x128xi32>
    %add3A_31 = arith.constant 32768 : i32
    %add3A_32 = vector.broadcast %add3A_31 : i32 to vector<1000x128xi32>
    %add3A_33 = arith.addi %bitcast_convert_type3A_30, %add3A_32 : vector<1000x128xi32>
    %shift_right_logical3A_34 = arith.constant 16 : i32
    %shift_right_logical3A_35 = vector.broadcast %shift_right_logical3A_34 : i32 to vector<1000x128xi32>
    %shift_right_logical3A_36 = arith.shrui %add3A_29, %shift_right_logical3A_35 : vector<1000x128xi32>
    %and3A_37 = arith.constant -65536 : i32
    %and3A_38 = vector.broadcast %and3A_37 : i32 to vector<1000x128xi32>
    %and3A_39 = arith.andi %add3A_33, %and3A_38 : vector<1000x128xi32>
    %or3A_40 = arith.ori %shift_right_logical3A_36, %and3A_39 : vector<1000x128xi32>
    %swap3A_41 = arith.constant 0 : index
    %swap3A_42 = arith.constant 0 : index
    %swap3A_43 = vector.load %arg4[%swap3A_41, %swap3A_42] : memref<1000x128xi32, #tpu.memory_space<vmem>>, vector<1000x128xi32>
    tpu.vector_store %arg4[%swap3A_41, %swap3A_42], %or3A_40 {strides = array<i32>} : memref<1000x128xi32, #tpu.memory_space<vmem>>, vector<1000x128xi32>,
    return
  }
  func.func @transform_0(%arg0: i32) -> (i32, i32) {
    %c0_i32 = arith.constant 0 : i32
    %c0_i32_0 = arith.constant 0 : i32
    return %arg0, %c0_i32 : i32, i32
  }
  func.func @transform_1(%arg0: i32) -> (i32, i32) {
    %c0_i32 = arith.constant 0 : i32
    %c0_i32_0 = arith.constant 0 : i32
    %c0_i32_1 = arith.constant 0 : i32
    return %c0_i32, %c0_i32_0 : i32, i32
  }
  func.func @transform_2(%arg0: i32) -> (i32, i32) {
    %c0_i32 = arith.constant 0 : i32
    %c0_i32_0 = arith.constant 0 : i32
    return %arg0, %c0_i32 : i32, i32
  }
  func.func @transform_3(%arg0: i32) -> (i32, i32) {
    %c0_i32 = arith.constant 0 : i32
    %c0_i32_0 = arith.constant 0 : i32
    return %arg0, %c0_i32 : i32, i32
  }
}

module attributes {stable_mosaic.version = 14 : i64} {
  func.func @_stats_body(%arg0: i32, %arg1: memref<1x2000x128xi32, #tpu.memory_space<vmem>>, %arg2: memref<1x2000x128xi32, #tpu.memory_space<vmem>>, %arg3: memref<2000x16xf32, #tpu.memory_space<vmem>>, %arg4: memref<256x272xf32, #tpu.memory_space<vmem>>, %arg5: memref<1x256xf32, #tpu.memory_space<vmem>>, %arg6: memref<8x256xf32, #tpu.memory_space<vmem>>, %arg7: memref<8x256xf32, #tpu.memory_space<vmem>>) attributes {dimension_semantics = [#tpu.dimension_semantics<arbitrary>], iteration_bounds = array<i64: 160>, scalar_prefetch = 0 : i64, scratch_operands = 1 : i64, tpu.core_type = #tpu.core_type<tc>, window_params = [{transform_indices = @transform_0, window_bounds = array<i64: 1, 2000, 128>}, {transform_indices = @transform_1, window_bounds = array<i64: 1, 2000, 128>}, {transform_indices = @transform_2, window_bounds = array<i64: 2000, 16>}, {pipeline_mode = #tpu.pipeline_mode<synchronous>, transform_indices = @transform_3, window_bounds = array<i64: 256, 272>}, {pipeline_mode = #tpu.pipeline_mode<synchronous>, transform_indices = @transform_4, window_bounds = array<i64: 1, 256>}, {pipeline_mode = #tpu.pipeline_mode<synchronous>, transform_indices = @transform_5, window_bounds = array<i64: 8, 256>}]} {
    %eq3A = arith.constant 0 : i32
    %eq3A_0 = arith.cmpi eq, %arg0, %eq3A : i32
    %convert_element_type3A = arith.extui %eq3A_0 : i1 to i32
    %cond3A = arith.constant 0 : i32
    %cond3A_1 = arith.cmpi ne, %convert_element_type3A, %cond3A : i32
    scf.if %cond3A_1 {
      %broadcast_in_dim3A_87 = arith.constant 0.000000e+00 : f32
      %broadcast_in_dim3A_88 = vector.broadcast %broadcast_in_dim3A_87 : f32 to vector<8x256xf32>
      %swap3A_89 = arith.constant 0 : index
      %swap3A_90 = arith.constant 0 : index
      %swap3A_91 = vector.load %arg7[%swap3A_89, %swap3A_90] : memref<8x256xf32, #tpu.memory_space<vmem>>, vector<8x256xf32>
      tpu.vector_store %arg7[%swap3A_89, %swap3A_90], %broadcast_in_dim3A_88 {strides = array<i32>} : memref<8x256xf32, #tpu.memory_space<vmem>>, vector<8x256xf32>,
    } else {
    }
    %get3A = arith.constant 0 : index
    %get3A_2 = arith.constant 0 : index
    %get3A_3 = arith.constant 0 : index
    %get3A_4 = vector.load %arg1[%get3A, %get3A_2, %get3A_3] : memref<1x2000x128xi32, #tpu.memory_space<vmem>>, vector<1x2000x128xi32>
    %get3A_5 = vector.shape_cast %get3A_4 : vector<1x2000x128xi32> to vector<2000x128xi32>
    %shift_left3A = arith.constant 16 : i32
    %shift_left3A_6 = vector.broadcast %shift_left3A : i32 to vector<2000x128xi32>
    %shift_left3A_7 = arith.shli %get3A_5, %shift_left3A_6 : vector<2000x128xi32>
    %bitcast_convert_type3A = tpu.bitcast %shift_left3A_7 : vector<2000x128xi32> -> vector<2000x128xf32>
    %and3A = arith.constant -65536 : i32
    %and3A_8 = vector.broadcast %and3A : i32 to vector<2000x128xi32>
    %and3A_9 = arith.andi %get3A_5, %and3A_8 : vector<2000x128xi32>
    %bitcast_convert_type3A_10 = tpu.bitcast %and3A_9 : vector<2000x128xi32> -> vector<2000x128xf32>
    %get3A_11 = arith.constant 0 : index
    %get3A_12 = arith.constant 0 : index
    %get3A_13 = arith.constant 0 : index
    %get3A_14 = vector.load %arg2[%get3A_11, %get3A_12, %get3A_13] : memref<1x2000x128xi32, #tpu.memory_space<vmem>>, vector<1x2000x128xi32>
    %get3A_15 = vector.shape_cast %get3A_14 : vector<1x2000x128xi32> to vector<2000x128xi32>
    %shift_left3A_16 = arith.constant 16 : i32
    %shift_left3A_17 = vector.broadcast %shift_left3A_16 : i32 to vector<2000x128xi32>
    %shift_left3A_18 = arith.shli %get3A_15, %shift_left3A_17 : vector<2000x128xi32>
    %bitcast_convert_type3A_19 = tpu.bitcast %shift_left3A_18 : vector<2000x128xi32> -> vector<2000x128xf32>
    %and3A_20 = arith.constant -65536 : i32
    %and3A_21 = vector.broadcast %and3A_20 : i32 to vector<2000x128xi32>
    %and3A_22 = arith.andi %get3A_15, %and3A_21 : vector<2000x128xi32>
    %bitcast_convert_type3A_23 = tpu.bitcast %and3A_22 : vector<2000x128xi32> -> vector<2000x128xf32>
    %get3A_24 = arith.constant 0 : index
    %get3A_25 = arith.constant 0 : index
    %get3A_26 = vector.load %arg3[%get3A_24, %get3A_25] : memref<2000x16xf32, #tpu.memory_space<vmem>>, vector<2000x16xf32>
    %get3A_27 = arith.constant 0 : index
    %get3A_28 = arith.constant 256 : index
    %get3A_29 = vector.load %arg4[%get3A_27, %get3A_28] : memref<256x272xf32, #tpu.memory_space<vmem>>, vector<256x16xf32>
    %dot_general3A = arith.constant dense<0.000000e+00> : vector<2000x256xf32>
    %dot_general3A_30 = tpu.matmul %get3A_26, %get3A_29, %dot_general3A {dimension_numbers = #tpu.dot_dimension_numbers<[1], [1], [0], [0], [0, 0, 1, 0], [], []>, transpose_lhs_hint = false} : vector<2000x16xf32>, vector<256x16xf32>, vector<2000x256xf32> -> vector<2000x256xf32>
    %get3A_31 = arith.constant 0 : index
    %get3A_32 = arith.constant 0 : index
    %get3A_33 = vector.load %arg5[%get3A_31, %get3A_32] : memref<1x256xf32, #tpu.memory_space<vmem>>, vector<1x256xf32>
    %add3A = arith.addf %bitcast_convert_type3A, %bitcast_convert_type3A_19 : vector<2000x128xf32>
    %slice3A = vector.extract_strided_slice %dot_general3A_30 {offsets = [0, 0], sizes = [2000, 128], strides = [1, 1]} : vector<2000x256xf32> to vector<2000x128xf32>
    %add3A_34 = arith.addf %add3A, %slice3A : vector<2000x128xf32>
    %slice3A_35 = vector.extract_strided_slice %get3A_33 {offsets = [0, 0], sizes = [1, 128], strides = [1, 1]} : vector<1x256xf32> to vector<1x128xf32>
    %add3A_36 = vector.broadcast %slice3A_35 : vector<1x128xf32> to vector<2000x128xf32>
    %add3A_37 = arith.addf %add3A_34, %add3A_36 : vector<2000x128xf32>
    %add3A_38 = arith.addf %bitcast_convert_type3A_10, %bitcast_convert_type3A_23 : vector<2000x128xf32>
    %slice3A_39 = vector.extract_strided_slice %dot_general3A_30 {offsets = [0, 128], sizes = [2000, 128], strides = [1, 1]} : vector<2000x256xf32> to vector<2000x128xf32>
    %add3A_40 = arith.addf %add3A_38, %slice3A_39 : vector<2000x128xf32>
    %slice3A_41 = vector.extract_strided_slice %get3A_33 {offsets = [0, 128], sizes = [1, 128], strides = [1, 1]} : vector<1x256xf32> to vector<1x128xf32>
    %add3A_42 = vector.broadcast %slice3A_41 : vector<1x128xf32> to vector<2000x128xf32>
    %add3A_43 = arith.addf %add3A_40, %add3A_42 : vector<2000x128xf32>
    %get3A_44 = arith.constant 0 : index
    %get3A_45 = arith.constant 0 : index
    %get3A_46 = vector.load %arg7[%get3A_44, %get3A_45] : memref<8x256xf32, #tpu.memory_space<vmem>>, vector<1x128xf32>
    %reduce_sum3A = arith.constant dense<0.000000e+00> : vector<128xf32>
    %reduce_sum3A_47 = vector.multi_reduction <add>, %add3A_37, %reduce_sum3A [0] : vector<2000x128xf32> to vector<128xf32>
    %broadcast_in_dim3A = vector.shape_cast %reduce_sum3A_47 : vector<128xf32> to vector<1x128xf32>
    %add3A_48 = arith.addf %get3A_46, %broadcast_in_dim3A : vector<1x128xf32>
    %swap3A = arith.constant 0 : index
    %swap3A_49 = arith.constant 0 : index
    %swap3A_50 = vector.load %arg7[%swap3A, %swap3A_49] : memref<8x256xf32, #tpu.memory_space<vmem>>, vector<1x128xf32>
    tpu.vector_store %arg7[%swap3A, %swap3A_49], %add3A_48 {strides = array<i32>} : memref<8x256xf32, #tpu.memory_space<vmem>>, vector<1x128xf32>,
    %get3A_51 = arith.constant 0 : index
    %get3A_52 = arith.constant 128 : index
    %get3A_53 = vector.load %arg7[%get3A_51, %get3A_52] : memref<8x256xf32, #tpu.memory_space<vmem>>, vector<1x128xf32>
    %reduce_sum3A_54 = arith.constant dense<0.000000e+00> : vector<128xf32>
    %reduce_sum3A_55 = vector.multi_reduction <add>, %add3A_43, %reduce_sum3A_54 [0] : vector<2000x128xf32> to vector<128xf32>
    %broadcast_in_dim3A_56 = vector.shape_cast %reduce_sum3A_55 : vector<128xf32> to vector<1x128xf32>
    %add3A_57 = arith.addf %get3A_53, %broadcast_in_dim3A_56 : vector<1x128xf32>
    %swap3A_58 = arith.constant 0 : index
    %swap3A_59 = arith.constant 128 : index
    %swap3A_60 = vector.load %arg7[%swap3A_58, %swap3A_59] : memref<8x256xf32, #tpu.memory_space<vmem>>, vector<1x128xf32>
    tpu.vector_store %arg7[%swap3A_58, %swap3A_59], %add3A_57 {strides = array<i32>} : memref<8x256xf32, #tpu.memory_space<vmem>>, vector<1x128xf32>,
    %get3A_61 = arith.constant 1 : index
    %get3A_62 = arith.constant 0 : index
    %get3A_63 = vector.load %arg7[%get3A_61, %get3A_62] : memref<8x256xf32, #tpu.memory_space<vmem>>, vector<1x128xf32>
    %mul3A = arith.mulf %add3A_37, %add3A_37 : vector<2000x128xf32>
    %reduce_sum3A_64 = arith.constant dense<0.000000e+00> : vector<128xf32>
    %reduce_sum3A_65 = vector.multi_reduction <add>, %mul3A, %reduce_sum3A_64 [0] : vector<2000x128xf32> to vector<128xf32>
    %broadcast_in_dim3A_66 = vector.shape_cast %reduce_sum3A_65 : vector<128xf32> to vector<1x128xf32>
    %add3A_67 = arith.addf %get3A_63, %broadcast_in_dim3A_66 : vector<1x128xf32>
    %swap3A_68 = arith.constant 1 : index
    %swap3A_69 = arith.constant 0 : index
    %swap3A_70 = vector.load %arg7[%swap3A_68, %swap3A_69] : memref<8x256xf32, #tpu.memory_space<vmem>>, vector<1x128xf32>
    tpu.vector_store %arg7[%swap3A_68, %swap3A_69], %add3A_67 {strides = array<i32>} : memref<8x256xf32, #tpu.memory_space<vmem>>, vector<1x128xf32>,
    %get3A_71 = arith.constant 1 : index
    %get3A_72 = arith.constant 128 : index
    %get3A_73 = vector.load %arg7[%get3A_71, %get3A_72] : memref<8x256xf32, #tpu.memory_space<vmem>>, vector<1x128xf32>
    %mul3A_74 = arith.mulf %add3A_43, %add3A_43 : vector<2000x128xf32>
    %reduce_sum3A_75 = arith.constant dense<0.000000e+00> : vector<128xf32>
    %reduce_sum3A_76 = vector.multi_reduction <add>, %mul3A_74, %reduce_sum3A_75 [0] : vector<2000x128xf32> to vector<128xf32>
    %broadcast_in_dim3A_77 = vector.shape_cast %reduce_sum3A_76 : vector<128xf32> to vector<1x128xf32>
    %add3A_78 = arith.addf %get3A_73, %broadcast_in_dim3A_77 : vector<1x128xf32>
    %swap3A_79 = arith.constant 1 : index
    %swap3A_80 = arith.constant 128 : index
    %swap3A_81 = vector.load %arg7[%swap3A_79, %swap3A_80] : memref<8x256xf32, #tpu.memory_space<vmem>>, vector<1x128xf32>
    tpu.vector_store %arg7[%swap3A_79, %swap3A_80], %add3A_78 {strides = array<i32>} : memref<8x256xf32, #tpu.memory_space<vmem>>, vector<1x128xf32>,
    %eq3A_82 = arith.constant 159 : i32
    %eq3A_83 = arith.cmpi eq, %arg0, %eq3A_82 : i32
    %convert_element_type3A_84 = arith.extui %eq3A_83 : i1 to i32
    %cond3A_85 = arith.constant 0 : i32
    %cond3A_86 = arith.cmpi ne, %convert_element_type3A_84, %cond3A_85 : i32
    scf.if %cond3A_86 {
      %get3A_87 = arith.constant 0 : index
      %get3A_88 = arith.constant 0 : index
      %get3A_89 = vector.load %arg7[%get3A_87, %get3A_88] : memref<8x256xf32, #tpu.memory_space<vmem>>, vector<8x256xf32>
      %swap3A_90 = arith.constant 0 : index
      %swap3A_91 = arith.constant 0 : index
      %swap3A_92 = vector.load %arg6[%swap3A_90, %swap3A_91] : memref<8x256xf32, #tpu.memory_space<vmem>>, vector<8x256xf32>
      tpu.vector_store %arg6[%swap3A_90, %swap3A_91], %get3A_89 {strides = array<i32>} : memref<8x256xf32, #tpu.memory_space<vmem>>, vector<8x256xf32>,
    } else {
    }
    return
  }
  func.func @transform_0(%arg0: i32) -> (i32, i32, i32) {
    %c0_i32 = arith.constant 0 : i32
    %c0_i32_0 = arith.constant 0 : i32
    %c0_i32_1 = arith.constant 0 : i32
    return %c0_i32, %arg0, %c0_i32_0 : i32, i32, i32
  }
  func.func @transform_1(%arg0: i32) -> (i32, i32, i32) {
    %c1_i32 = arith.constant 1 : i32
    %c0_i32 = arith.constant 0 : i32
    %c0_i32_0 = arith.constant 0 : i32
    return %c1_i32, %arg0, %c0_i32 : i32, i32, i32
  }
  func.func @transform_2(%arg0: i32) -> (i32, i32) {
    %c0_i32 = arith.constant 0 : i32
    %c0_i32_0 = arith.constant 0 : i32
    return %arg0, %c0_i32 : i32, i32
  }
  func.func @transform_3(%arg0: i32) -> (i32, i32) {
    %c0_i32 = arith.constant 0 : i32
    %c0_i32_0 = arith.constant 0 : i32
    %c0_i32_1 = arith.constant 0 : i32
    return %c0_i32, %c0_i32_0 : i32, i32
  }
  func.func @transform_4(%arg0: i32) -> (i32, i32) {
    %c0_i32 = arith.constant 0 : i32
    %c0_i32_0 = arith.constant 0 : i32
    %c0_i32_1 = arith.constant 0 : i32
    return %c0_i32, %c0_i32_0 : i32, i32
  }
  func.func @transform_5(%arg0: i32) -> (i32, i32) {
    %c0_i32 = arith.constant 0 : i32
    %c0_i32_0 = arith.constant 0 : i32
    %c0_i32_1 = arith.constant 0 : i32
    return %c0_i32, %c0_i32_0 : i32, i32
  }
}

module attributes {stable_mosaic.version = 14 : i64} {
  func.func @_msg_body(%arg0: i32, %arg1: memref<1x2000x128xi32, #tpu.memory_space<vmem>>, %arg2: memref<1x2000x128xi32, #tpu.memory_space<vmem>>, %arg3: memref<2000x16xf32, #tpu.memory_space<vmem>>, %arg4: memref<256x272xf32, #tpu.memory_space<vmem>>, %arg5: memref<1x256xf32, #tpu.memory_space<vmem>>, %arg6: memref<8x256xf32, #tpu.memory_space<vmem>>, %arg7: memref<1x256xf32, #tpu.memory_space<vmem>>, %arg8: memref<1x256xf32, #tpu.memory_space<vmem>>, %arg9: memref<2000x128xf32, #tpu.memory_space<vmem>>) attributes {dimension_semantics = [#tpu.dimension_semantics<arbitrary>], iteration_bounds = array<i64: 160>, scalar_prefetch = 0 : i64, scratch_operands = 0 : i64, tpu.core_type = #tpu.core_type<tc>, window_params = [{transform_indices = @transform_0, window_bounds = array<i64: 1, 2000, 128>}, {transform_indices = @transform_1, window_bounds = array<i64: 1, 2000, 128>}, {transform_indices = @transform_2, window_bounds = array<i64: 2000, 16>}, {pipeline_mode = #tpu.pipeline_mode<synchronous>, transform_indices = @transform_3, window_bounds = array<i64: 256, 272>}, {pipeline_mode = #tpu.pipeline_mode<synchronous>, transform_indices = @transform_4, window_bounds = array<i64: 1, 256>}, {pipeline_mode = #tpu.pipeline_mode<synchronous>, transform_indices = @transform_5, window_bounds = array<i64: 8, 256>}, {pipeline_mode = #tpu.pipeline_mode<synchronous>, transform_indices = @transform_6, window_bounds = array<i64: 1, 256>}, {pipeline_mode = #tpu.pipeline_mode<synchronous>, transform_indices = @transform_7, window_bounds = array<i64: 1, 256>}, {transform_indices = @transform_8, window_bounds = array<i64: 2000, 128>}]} {
    %get3A = arith.constant 0 : index
    %get3A_0 = arith.constant 0 : index
    %get3A_1 = arith.constant 0 : index
    %get3A_2 = vector.load %arg1[%get3A, %get3A_0, %get3A_1] : memref<1x2000x128xi32, #tpu.memory_space<vmem>>, vector<1x2000x128xi32>
    %get3A_3 = vector.shape_cast %get3A_2 : vector<1x2000x128xi32> to vector<2000x128xi32>
    %shift_left3A = arith.constant 16 : i32
    %shift_left3A_4 = vector.broadcast %shift_left3A : i32 to vector<2000x128xi32>
    %shift_left3A_5 = arith.shli %get3A_3, %shift_left3A_4 : vector<2000x128xi32>
    %bitcast_convert_type3A = tpu.bitcast %shift_left3A_5 : vector<2000x128xi32> -> vector<2000x128xf32>
    %and3A = arith.constant -65536 : i32
    %and3A_6 = vector.broadcast %and3A : i32 to vector<2000x128xi32>
    %and3A_7 = arith.andi %get3A_3, %and3A_6 : vector<2000x128xi32>
    %bitcast_convert_type3A_8 = tpu.bitcast %and3A_7 : vector<2000x128xi32> -> vector<2000x128xf32>
    %get3A_9 = arith.constant 0 : index
    %get3A_10 = arith.constant 0 : index
    %get3A_11 = arith.constant 0 : index
    %get3A_12 = vector.load %arg2[%get3A_9, %get3A_10, %get3A_11] : memref<1x2000x128xi32, #tpu.memory_space<vmem>>, vector<1x2000x128xi32>
    %get3A_13 = vector.shape_cast %get3A_12 : vector<1x2000x128xi32> to vector<2000x128xi32>
    %shift_left3A_14 = arith.constant 16 : i32
    %shift_left3A_15 = vector.broadcast %shift_left3A_14 : i32 to vector<2000x128xi32>
    %shift_left3A_16 = arith.shli %get3A_13, %shift_left3A_15 : vector<2000x128xi32>
    %bitcast_convert_type3A_17 = tpu.bitcast %shift_left3A_16 : vector<2000x128xi32> -> vector<2000x128xf32>
    %and3A_18 = arith.constant -65536 : i32
    %and3A_19 = vector.broadcast %and3A_18 : i32 to vector<2000x128xi32>
    %and3A_20 = arith.andi %get3A_13, %and3A_19 : vector<2000x128xi32>
    %bitcast_convert_type3A_21 = tpu.bitcast %and3A_20 : vector<2000x128xi32> -> vector<2000x128xf32>
    %get3A_22 = arith.constant 0 : index
    %get3A_23 = arith.constant 0 : index
    %get3A_24 = vector.load %arg3[%get3A_22, %get3A_23] : memref<2000x16xf32, #tpu.memory_space<vmem>>, vector<2000x16xf32>
    %get3A_25 = arith.constant 0 : index
    %get3A_26 = arith.constant 256 : index
    %get3A_27 = vector.load %arg4[%get3A_25, %get3A_26] : memref<256x272xf32, #tpu.memory_space<vmem>>, vector<256x16xf32>
    %dot_general3A = arith.constant dense<0.000000e+00> : vector<2000x256xf32>
    %dot_general3A_28 = tpu.matmul %get3A_24, %get3A_27, %dot_general3A {dimension_numbers = #tpu.dot_dimension_numbers<[1], [1], [0], [0], [0, 0, 1, 0], [], []>, transpose_lhs_hint = false} : vector<2000x16xf32>, vector<256x16xf32>, vector<2000x256xf32> -> vector<2000x256xf32>
    %get3A_29 = arith.constant 0 : index
    %get3A_30 = arith.constant 0 : index
    %get3A_31 = vector.load %arg5[%get3A_29, %get3A_30] : memref<1x256xf32, #tpu.memory_space<vmem>>, vector<1x256xf32>
    %add3A = arith.addf %bitcast_convert_type3A, %bitcast_convert_type3A_17 : vector<2000x128xf32>
    %slice3A = vector.extract_strided_slice %dot_general3A_28 {offsets = [0, 0], sizes = [2000, 128], strides = [1, 1]} : vector<2000x256xf32> to vector<2000x128xf32>
    %add3A_32 = arith.addf %add3A, %slice3A : vector<2000x128xf32>
    %slice3A_33 = vector.extract_strided_slice %get3A_31 {offsets = [0, 0], sizes = [1, 128], strides = [1, 1]} : vector<1x256xf32> to vector<1x128xf32>
    %add3A_34 = vector.broadcast %slice3A_33 : vector<1x128xf32> to vector<2000x128xf32>
    %add3A_35 = arith.addf %add3A_32, %add3A_34 : vector<2000x128xf32>
    %add3A_36 = arith.addf %bitcast_convert_type3A_8, %bitcast_convert_type3A_21 : vector<2000x128xf32>
    %slice3A_37 = vector.extract_strided_slice %dot_general3A_28 {offsets = [0, 128], sizes = [2000, 128], strides = [1, 1]} : vector<2000x256xf32> to vector<2000x128xf32>
    %add3A_38 = arith.addf %add3A_36, %slice3A_37 : vector<2000x128xf32>
    %slice3A_39 = vector.extract_strided_slice %get3A_31 {offsets = [0, 128], sizes = [1, 128], strides = [1, 1]} : vector<1x256xf32> to vector<1x128xf32>
    %add3A_40 = vector.broadcast %slice3A_39 : vector<1x128xf32> to vector<2000x128xf32>
    %add3A_41 = arith.addf %add3A_38, %add3A_40 : vector<2000x128xf32>
    %get3A_42 = arith.constant 0 : index
    %get3A_43 = arith.constant 0 : index
    %get3A_44 = vector.load %arg6[%get3A_42, %get3A_43] : memref<8x256xf32, #tpu.memory_space<vmem>>, vector<1x256xf32>
    %mul3A = arith.constant 3.125000e-06 : f32
    %mul3A_45 = vector.broadcast %mul3A : f32 to vector<1x256xf32>
    %mul3A_46 = arith.mulf %get3A_44, %mul3A_45 : vector<1x256xf32>
    %get3A_47 = arith.constant 1 : index
    %get3A_48 = arith.constant 0 : index
    %get3A_49 = vector.load %arg6[%get3A_47, %get3A_48] : memref<8x256xf32, #tpu.memory_space<vmem>>, vector<1x256xf32>
    %mul3A_50 = arith.constant 3.125000e-06 : f32
    %mul3A_51 = vector.broadcast %mul3A_50 : f32 to vector<1x256xf32>
    %mul3A_52 = arith.mulf %get3A_49, %mul3A_51 : vector<1x256xf32>
    %mul3A_53 = arith.mulf %mul3A_46, %mul3A_46 : vector<1x256xf32>
    %sub3A = arith.subf %mul3A_52, %mul3A_53 : vector<1x256xf32>
    %get3A_54 = arith.constant 0 : index
    %get3A_55 = arith.constant 0 : index
    %get3A_56 = vector.load %arg7[%get3A_54, %get3A_55] : memref<1x256xf32, #tpu.memory_space<vmem>>, vector<1x256xf32>
    %add3A_57 = arith.constant 9.99999974E-6 : f32
    %add3A_58 = vector.broadcast %add3A_57 : f32 to vector<1x256xf32>
    %add3A_59 = arith.addf %sub3A, %add3A_58 : vector<1x256xf32>
    %rsqrt3A = math.rsqrt %add3A_59 : vector<1x256xf32>
    %mul3A_60 = arith.mulf %get3A_56, %rsqrt3A : vector<1x256xf32>
    %get3A_61 = arith.constant 0 : index
    %get3A_62 = arith.constant 0 : index
    %get3A_63 = vector.load %arg8[%get3A_61, %get3A_62] : memref<1x256xf32, #tpu.memory_space<vmem>>, vector<1x256xf32>
    %mul3A_64 = arith.mulf %mul3A_46, %mul3A_60 : vector<1x256xf32>
    %sub3A_65 = arith.subf %get3A_63, %mul3A_64 : vector<1x256xf32>
    %slice3A_66 = vector.extract_strided_slice %mul3A_60 {offsets = [0, 0], sizes = [1, 128], strides = [1, 1]} : vector<1x256xf32> to vector<1x128xf32>
    %mul3A_67 = vector.broadcast %slice3A_66 : vector<1x128xf32> to vector<2000x128xf32>
    %mul3A_68 = arith.mulf %add3A_35, %mul3A_67 : vector<2000x128xf32>
    %slice3A_69 = vector.extract_strided_slice %sub3A_65 {offsets = [0, 0], sizes = [1, 128], strides = [1, 1]} : vector<1x256xf32> to vector<1x128xf32>
    %add3A_70 = vector.broadcast %slice3A_69 : vector<1x128xf32> to vector<2000x128xf32>
    %add3A_71 = arith.addf %mul3A_68, %add3A_70 : vector<2000x128xf32>
    %slice3A_72 = vector.extract_strided_slice %mul3A_60 {offsets = [0, 128], sizes = [1, 128], strides = [1, 1]} : vector<1x256xf32> to vector<1x128xf32>
    %mul3A_73 = vector.broadcast %slice3A_72 : vector<1x128xf32> to vector<2000x128xf32>
    %mul3A_74 = arith.mulf %add3A_41, %mul3A_73 : vector<2000x128xf32>
    %slice3A_75 = vector.extract_strided_slice %sub3A_65 {offsets = [0, 128], sizes = [1, 128], strides = [1, 1]} : vector<1x256xf32> to vector<1x128xf32>
    %add3A_76 = vector.broadcast %slice3A_75 : vector<1x128xf32> to vector<2000x128xf32>
    %add3A_77 = arith.addf %mul3A_74, %add3A_76 : vector<2000x128xf32>
    %logistic3A = arith.negf %add3A_71 : vector<2000x128xf32>
    %logistic3A_78 = math.exp %logistic3A : vector<2000x128xf32>
    %logistic3A_79 = arith.constant 1.000000e+00 : f32
    %logistic3A_80 = vector.broadcast %logistic3A_79 : f32 to vector<2000x128xf32>
    %logistic3A_81 = arith.addf %logistic3A_80, %logistic3A_78 : vector<2000x128xf32>
    %logistic3A_82 = arith.divf %logistic3A_80, %logistic3A_81 : vector<2000x128xf32>
    %max3A = arith.constant 0.000000e+00 : f32
    %max3A_83 = vector.broadcast %max3A : f32 to vector<2000x128xf32>
    %max3A_84 = arith.maximumf %add3A_77, %max3A_83 : vector<2000x128xf32>
    %abs3A = math.absf %add3A_77 : vector<2000x128xf32>
    %neg3A = arith.constant 0.000000e+00 : f32
    %neg3A_85 = vector.broadcast %neg3A : f32 to vector<2000x128xf32>
    %neg3A_86 = arith.subf %neg3A_85, %abs3A : vector<2000x128xf32>
    %exp3A = math.exp %neg3A_86 : vector<2000x128xf32>
    %log1p3A = math.log1p %exp3A : vector<2000x128xf32>
    %add3A_87 = arith.addf %max3A_84, %log1p3A : vector<2000x128xf32>
    %mul3A_88 = arith.mulf %logistic3A_82, %add3A_87 : vector<2000x128xf32>
    %swap3A = arith.constant 0 : index
    %swap3A_89 = arith.constant 0 : index
    %swap3A_90 = vector.load %arg9[%swap3A, %swap3A_89] : memref<2000x128xf32, #tpu.memory_space<vmem>>, vector<2000x128xf32>
    tpu.vector_store %arg9[%swap3A, %swap3A_89], %mul3A_88 {strides = array<i32>} : memref<2000x128xf32, #tpu.memory_space<vmem>>, vector<2000x128xf32>,
    return
  }
  func.func @transform_0(%arg0: i32) -> (i32, i32, i32) {
    %c0_i32 = arith.constant 0 : i32
    %c0_i32_0 = arith.constant 0 : i32
    %c0_i32_1 = arith.constant 0 : i32
    return %c0_i32, %arg0, %c0_i32_0 : i32, i32, i32
  }
  func.func @transform_1(%arg0: i32) -> (i32, i32, i32) {
    %c1_i32 = arith.constant 1 : i32
    %c0_i32 = arith.constant 0 : i32
    %c0_i32_0 = arith.constant 0 : i32
    return %c1_i32, %arg0, %c0_i32 : i32, i32, i32
  }
  func.func @transform_2(%arg0: i32) -> (i32, i32) {
    %c0_i32 = arith.constant 0 : i32
    %c0_i32_0 = arith.constant 0 : i32
    return %arg0, %c0_i32 : i32, i32
  }
  func.func @transform_3(%arg0: i32) -> (i32, i32) {
    %c0_i32 = arith.constant 0 : i32
    %c0_i32_0 = arith.constant 0 : i32
    %c0_i32_1 = arith.constant 0 : i32
    return %c0_i32, %c0_i32_0 : i32, i32
  }
  func.func @transform_4(%arg0: i32) -> (i32, i32) {
    %c0_i32 = arith.constant 0 : i32
    %c0_i32_0 = arith.constant 0 : i32
    %c0_i32_1 = arith.constant 0 : i32
    return %c0_i32, %c0_i32_0 : i32, i32
  }
  func.func @transform_5(%arg0: i32) -> (i32, i32) {
    %c0_i32 = arith.constant 0 : i32
    %c0_i32_0 = arith.constant 0 : i32
    %c0_i32_1 = arith.constant 0 : i32
    return %c0_i32, %c0_i32_0 : i32, i32
  }
  func.func @transform_6(%arg0: i32) -> (i32, i32) {
    %c0_i32 = arith.constant 0 : i32
    %c0_i32_0 = arith.constant 0 : i32
    %c0_i32_1 = arith.constant 0 : i32
    return %c0_i32, %c0_i32_0 : i32, i32
  }
  func.func @transform_7(%arg0: i32) -> (i32, i32) {
    %c0_i32 = arith.constant 0 : i32
    %c0_i32_0 = arith.constant 0 : i32
    %c0_i32_1 = arith.constant 0 : i32
    return %c0_i32, %c0_i32_0 : i32, i32
  }
  func.func @transform_8(%arg0: i32) -> (i32, i32) {
    %c0_i32 = arith.constant 0 : i32
    %c0_i32_0 = arith.constant 0 : i32
    return %arg0, %c0_i32 : i32, i32
  }
}

module attributes {stable_mosaic.version = 14 : i64} {
  func.func @_final_body(%arg0: i32, %arg1: memref<1000x128xf32, #tpu.memory_space<vmem>>, %arg2: memref<1x1000x128xf32, #tpu.memory_space<vmem>>, %arg3: memref<1x1000x128xf32, #tpu.memory_space<vmem>>, %arg4: memref<1000x128xf32, #tpu.memory_space<vmem>>) attributes {dimension_semantics = [#tpu.dimension_semantics<arbitrary>], iteration_bounds = array<i64: 10>, scalar_prefetch = 0 : i64, scratch_operands = 0 : i64, tpu.core_type = #tpu.core_type<tc>, window_params = [{transform_indices = @transform_0, window_bounds = array<i64: 1000, 128>}, {transform_indices = @transform_1, window_bounds = array<i64: 1, 1000, 128>}, {transform_indices = @transform_2, window_bounds = array<i64: 1, 1000, 128>}, {transform_indices = @transform_3, window_bounds = array<i64: 1000, 128>}]} {
    %get3A = arith.constant 0 : index
    %get3A_0 = arith.constant 0 : index
    %get3A_1 = vector.load %arg1[%get3A, %get3A_0] : memref<1000x128xf32, #tpu.memory_space<vmem>>, vector<1000x128xf32>
    %get3A_2 = arith.constant 0 : index
    %get3A_3 = arith.constant 0 : index
    %get3A_4 = arith.constant 0 : index
    %get3A_5 = vector.load %arg2[%get3A_2, %get3A_3, %get3A_4] : memref<1x1000x128xf32, #tpu.memory_space<vmem>>, vector<1x1000x128xf32>
    %get3A_6 = vector.shape_cast %get3A_5 : vector<1x1000x128xf32> to vector<1000x128xf32>
    %add3A = arith.addf %get3A_1, %get3A_6 : vector<1000x128xf32>
    %get3A_7 = arith.constant 0 : index
    %get3A_8 = arith.constant 0 : index
    %get3A_9 = arith.constant 0 : index
    %get3A_10 = vector.load %arg3[%get3A_7, %get3A_8, %get3A_9] : memref<1x1000x128xf32, #tpu.memory_space<vmem>>, vector<1x1000x128xf32>
    %get3A_11 = vector.shape_cast %get3A_10 : vector<1x1000x128xf32> to vector<1000x128xf32>
    %add3A_12 = arith.addf %add3A, %get3A_11 : vector<1000x128xf32>
    %swap3A = arith.constant 0 : index
    %swap3A_13 = arith.constant 0 : index
    %swap3A_14 = vector.load %arg4[%swap3A, %swap3A_13] : memref<1000x128xf32, #tpu.memory_space<vmem>>, vector<1000x128xf32>
    tpu.vector_store %arg4[%swap3A, %swap3A_13], %add3A_12 {strides = array<i32>} : memref<1000x128xf32, #tpu.memory_space<vmem>>, vector<1000x128xf32>,
    return
  }
  func.func @transform_0(%arg0: i32) -> (i32, i32) {
    %c0_i32 = arith.constant 0 : i32
    %c0_i32_0 = arith.constant 0 : i32
    return %arg0, %c0_i32 : i32, i32
  }
  func.func @transform_1(%arg0: i32) -> (i32, i32, i32) {
    %c0_i32 = arith.constant 0 : i32
    %c0_i32_0 = arith.constant 0 : i32
    %c0_i32_1 = arith.constant 0 : i32
    return %c0_i32, %arg0, %c0_i32_0 : i32, i32, i32
  }
  func.func @transform_2(%arg0: i32) -> (i32, i32, i32) {
    %c1_i32 = arith.constant 1 : i32
    %c0_i32 = arith.constant 0 : i32
    %c0_i32_0 = arith.constant 0 : i32
    return %c1_i32, %arg0, %c0_i32 : i32, i32, i32
  }
  func.func @transform_3(%arg0: i32) -> (i32, i32) {
    %c0_i32 = arith.constant 0 : i32
    %c0_i32_0 = arith.constant 0 : i32
    return %arg0, %c0_i32 : i32, i32
  }
}

</mosaic_0001>

<sc_bundles>
// kernel: kernel.11.cloned.1.call-start
scs
__scs_entry_jumppad:
0x0: {  	(pc) =	sbr.rel $0x88, $3  }
0x1: {  	(tag) =	ssettag $0x0;
	lr =	simm.s32 $0x1  }
0x2: {  	[smem:$0x3F9A] =	sst lr;
	_ =	strace $0xD0000000  }
0x3: {  	_ = 	snop  }
0x4: {  	_ = 	snop  }
0x5: {  	_ = 	snop  }
0x6: {  	_ = 	snop  }
0x7: {  	_ = 	snop  }
__scs_overlays_trampoline_lowered:
0x8: {  	[smem:$0x3FA9] =	sst s0  }
0x9: {  	[smem:$0x3FAA] =	sst s1  }
0xa: {  	[smem:$0x3FAB] =	sst s2  }
0xb: {  	[smem:$0x3FAC] =	sst s3  }
0xc: {  	[smem:$0x3FAD] =	sst s4  }
0xd: {  	[smem:$0x3FAE] =	sst s5  }
0xe: {  	[smem:$0x3FAF] =	sst s6  }
0xf: {  	[smem:$0x3FB0] =	sst s7  }
0x10: {  	[smem:$0x3FB1] =	sst s8  }
0x11: {  	[smem:$0x3FB2] =	sst s9;
	s0 =	simm.s32 @!p0 $0x0  }
0x12: {  	s1 =	sld [smem:$0x3F98];
	s0 =	simm.s32 @p0 $0x1  }
0x13: {  	[smem:$0x3FB3] =	sst s0;
	s0 =	simm.s32 @!p1 $0x0  }
0x14: {  	s2 =	sld [smem:$0x3F97];
	s0 =	simm.s32 @p1 $0x1  }
0x15: {  	[smem:$0x3FB4] =	sst s0;
	s0 =	simm.s32 @!p2 $0x0  }
0x16: {  	s3 =	sld [smem:$0x3FDB];
	s0 =	simm.s32 @p2 $0x1  }
0x17: {  	s4 =	simm.s32 $0x1BF5;
	[smem:$0x3FB6] =	sst s0  }
0x18: {  	s0 =	sld [smem:$0x3F99];
	_ =	swait.ge [sflag:s4], $0x0  }
0x19: {  	s7 =	sld [smem:$0x3F9A]  }
0x1a: {  	s8 =	sadd.s32 $0xFFFFE003, lr  }
0x1b: {  	s9 =	sadd.s32 $0xFFFFFEF7, lr;
	s5 =	simm.s32 $0xFFFFFFFF;
	p2 =	slt.u32 s8, $0xFFFFF086  }
0x1c: {  	p1 =	slt.u32 s9, $0xF7A;
	s5 =	simm.s32 @!p2 $0x0  }
0x1d: {  	s5 =	simm.s32 @p1 $0x1;
	p0 =	seq.s32 s7, s2  }
0x1e: {  	s7 =	smul.u32 @!p0 $0xF7A, s2;
	p2 =	seq.s32 @!p0 s5, $0x0  }
0x1f: {  	s9 =	smul.u32 $0xF7A, s1;
	s8 =	simm.s32 @!p0 $0x1BF5;
	p2 =	por !p2, p0  }
0x20: {  	[sflag:s8] =	ssyncset.s32 @!p0 $0xFFFFF086;
	s6 =	sadd.s32 @!p0 s3, s7;
	s7 =	simm.s32 @!p0 $0x108  }
0x21: {  	s3 =	sadd.s32 s3, s9;
	s6 =	sadd.s32 @!p0 $0x88, s6;
	s7 =	simm.s32 @p2 $0x1082  }
0x22: {  	[simem:s7], [sflag:s8] =	dma.local @!p0 [hbm:s6], $0xF7A  }
0x23: {  	s9 =	sor.u32 $0xD0000000, s2;
	s6 =	simm.s32 $0x108;
	_ =	swait.ge @!p0 [sflag:s8], $0x0  }
0x24: {  	s3 =	sadd.s32 $0x88, s3;
	s6 =	simm.s32 @!p1 $0x1082;
	[sflag:s4] =	ssyncset.s32 $0xFFFFF086  }
0x25: {  	[simem:s6], [sflag:s4] =	dma.local [hbm:s3], $0xF7A  }
0x26: {  	[smem:$0x3F9A] =	sst s1;
	(tag) =	ssettag s2;
	_ =	strace s9  }
0x27: {  	s1 =	sld [smem:$0x3FAA]  }
0x28: {  	s2 =	sld [smem:$0x3FAB]  }
0x29: {  	s4 =	sld [smem:$0x3FAD]  }
0x2a: {  	p0 =	seq.s32 s5, $0x0;
	s5 =	sld [smem:$0x3FAE]  }
0x2b: {  	s6 =	sld [smem:$0x3FAF]  }
0x2c: {  	s7 =	sld [smem:$0x3FB0]  }
0x2d: {  	s3 =	simm.s32 $0x108;
	s8 =	sld [smem:$0x3FB1]  }
0x2e: {  	s3 =	simm.s32 @!p0 $0x1082;
	s9 =	sld [smem:$0x3FB2]  }
0x2f: {  	lr =	sadd.s32 s0, s3;
	s0 =	sld [smem:$0x3FA9]  }
0x30: {  	s3 =	sld [smem:$0x3FAC]  }
0x31: {  	[smem:$0x3FB5] =	sst s10  }
0x32: {  	s10 =	sld [smem:$0x3FB3];
	_ =	sdelay $0x3  }
0x33: {  	p0 =	seq.s32 s10, $0x1;
	s10 =	sld [smem:$0x3FB5];
	_ =	sdelay $0x3  }
0x34: {  	[smem:$0x3FB5] =	sst s10  }
0x35: {  	s10 =	sld [smem:$0x3FB4];
	_ =	sdelay $0x3  }
0x36: {  	p1 =	seq.s32 s10, $0x1;
	s10 =	sld [smem:$0x3FB5];
	_ =	sdelay $0x3  }
0x37: {  	[smem:$0x3FB5] =	sst s10  }
0x38: {  	s10 =	sld [smem:$0x3FB6]  }
0x39: {  	_ = 	snop;
	(pc) =	sbr.ind lr, $3  }
0x3a: {  	_ = 	snop  }
0x3b: {  	_ = 	snop  }
0x3c: {  	p2 =	seq.s32 s10, $0x1;
	s10 =	sld [smem:$0x3FB5]  }
0x3d: {  	_ =	shalt  }
0x3e: {  	_ =	shalt  }
0x3f: {  	_ =	shalt  }
0x40: {  	_ =	shalt  }
0x41: {  	_ =	shalt  }
0x42: {  	_ =	shalt  }
0x43: {  	_ =	shalt  }
0x44: {  	_ =	shalt  }
0x45: {  	_ =	shalt  }
0x46: {  	_ =	shalt  }
0x47: {  	_ =	shalt  }
0x48: {  	_ =	shalt  }
0x49: {  	_ =	shalt  }
0x4a: {  	_ =	shalt  }
0x4b: {  	_ =	shalt  }
0x4c: {  	_ =	shalt  }
0x4d: {  	_ =	shalt  }
0x4e: {  	_ =	shalt  }
0x4f: {  	_ =	shalt  }
0x50: {  	_ =	shalt  }
0x51: {  	_ =	shalt  }
0x52: {  	_ =	shalt  }
0x53: {  	_ =	shalt  }
0x54: {  	_ =	shalt  }
0x55: {  	_ =	shalt  }
0x56: {  	_ =	shalt  }
0x57: {  	_ =	shalt  }
0x58: {  	_ =	shalt  }
0x59: {  	_ =	shalt  }
0x5a: {  	_ =	shalt  }
0x5b: {  	_ =	shalt  }
0x5c: {  	_ =	shalt  }
0x5d: {  	_ =	shalt  }
0x5e: {  	_ =	shalt  }
0x5f: {  	_ =	shalt  }
0x60: {  	_ =	shalt  }
0x61: {  	_ =	shalt  }
0x62: {  	_ =	shalt  }
0x63: {  	_ =	shalt  }
0x64: {  	_ =	shalt  }
0x65: {  	_ =	shalt  }
0x66: {  	_ =	shalt  }
0x67: {  	_ =	shalt  }
0x68: {  	_ =	shalt  }
0x69: {  	_ =	shalt  }
0x6a: {  	_ =	shalt  }
0x6b: {  	_ =	shalt  }
0x6c: {  	_ =	shalt  }
0x6d: {  	_ =	shalt  }
0x6e: {  	_ =	shalt  }
0x6f: {  	_ =	shalt  }
0x70: {  	_ =	shalt  }
0x71: {  	_ =	shalt  }
0x72: {  	_ =	shalt  }
0x73: {  	_ =	shalt  }
0x74: {  	_ =	shalt  }
0x75: {  	_ =	shalt  }
0x76: {  	_ =	shalt  }
0x77: {  	_ =	shalt  }
0x78: {  	_ =	shalt  }
0x79: {  	_ =	shalt  }
0x7a: {  	_ =	shalt  }
0x7b: {  	_ =	shalt  }
0x7c: {  	_ =	shalt  }
0x7d: {  	_ =	shalt  }
0x7e: {  	_ =	shalt  }
0x7f: {  	_ =	shalt  }
0x80: {  	_ =	shalt  }
0x81: {  	_ =	shalt  }
0x82: {  	_ =	shalt  }
0x83: {  	_ =	shalt  }
0x84: {  	_ =	shalt  }
0x85: {  	_ =	shalt  }
0x86: {  	_ =	shalt  }
0x87: {  	_ =	shalt  }
.Lfunc_end0:
.L_simem_size_0:
called_computation.1_lowered:
.L_overlay_start_0:
0x88: {  	s2 =	sld [smem:$0x3FD9]  }
0x89: {  	s3 =	sld [smem:$0x3FFE];
	_ =	sdelay $0x1  }
0x8a: {  	s1 =	srdreg.scid  }
0x8b: {  	s0 =	sand.u32 $0x1, s1  }
0x8c: {  	s16 =	sshll.u32 s0, $0xA;
	s2 =	sadd.s32 s3, s2  }
0x8d: {  	s2 =	sadd.s32 s2, s16  }
0x8e: {  	[smem:$0x3FC1] =	sst s2  }
0x8f: {  	_ = 	snop  }
0x90: {  	(tm) =	ssettm $0x1  }
0x91: {  	s17 =	sld [smem:$0x3FFB];
	_ =	sdelay $0x3  }
0x92: {  	_ =	strace s17  }
0x93: {  	s2 =	sld [smem:$0x3FFC];
	_ =	sdelay $0x3  }
0x94: {  	_ =	strace s2  }
0x95: {  	s2 =	sld [smem:$0x3FFD];
	_ =	sdelay $0x3  }
0x96: {  	_ =	strace s2  }
0x97: {  	_ =	strace $0x8FFFFFFF  }
0x98: {  	s18 =	sld [smem:$0x3FDB];
	_ =	sdelay $0x1  }
0x99: {  	s19 =	simm.s32 $_scs_section_size  }
0x9a: {  	s4 =	simm.s32 $_size__tile_overlayer_lowered;
	s5 =	simm.s32 $_tile_overlayer_lowered  }
0x9b: {  	s22 =	simm.s32 $0x1BFF;
	s21 =	sshll.u32 s5, $0x1;
	s2 =	sadd.s32 s19, s18  }
0x9c: {  	s6 =	simm.s32 $0x0;
	s20 =	sshll.u32 s4, $0x1;
	s4 =	sadd.s32 s21, s2  }
0x9d: {  	[timem:s6], [sflag:s22] =	dma.local [hbm:s4], s20  }
0x9e: {  	_ =	swait.ge [sflag:s22], s20  }
0x9f: {  	s3 =	ssub.s32 $0x0, s20;
	[sflag:s22] =	ssyncset.done $0x0  }
0xa0: {  	[sflag:s22] =	ssyncadd.s32 s3;
	_ =	sdelay $0x1  }
0xa1: {  	s23 =	simm.s32 $0x1B8B  }
0xa2: {  	_ =	swait.ge [sflag:s23], $0x1  }
0xa3: {  	[sflag:s23] =	ssyncset.done $0x0  }
0xa4: {  	s25 =	simm.s32 $0x1B8E;
	s24 =	sld [smem:$0x3FFE];
	[sflag:s23] =	ssyncadd.s32 $0xFFFFFFFF  }
0xa5: {  	s26 =	simm.s32 $execute0_lowered;
	[smem:$0x3FD2] =	sst s25  }
0xa6: {  	s4 =	sshll.u32 s26, $0x1;
	_ =	strace $0x80000049;
	[dreg:$0x1] =	wrdreg $0xFFFFFFFF  }
0xa7: {  	s28 =	simm.s32 $_size_execute0_lowered;
	s2 =	sadd.s32 s2, s4;
	[dreg:$0x0] =	wrdreg $0x0  }
0xa8: {  	s4 =	sshll.u32 s28, $0x1;
	[dreg:$0x2] =	wrdreg s2  }
0xa9: {  	[dreg:$0x3] =	wrdreg s4  }
0xaa: {  	[dreg:$0x4] =	wrdreg $0xC0  }
0xab: {  	_ =	task [dreg:s6], $0x5FFFF  }
0xac: {  	[dreg:$0x1] =	wrdreg $0xFFFFFFFF  }
0xad: {  	[dreg:$0x0] =	wrdreg $0x60  }
0xae: {  	[dreg:$0x2] =	wrdreg s24  }
0xaf: {  	[dreg:$0x3] =	wrdreg $0xB8000  }
0xb0: {  	[dreg:$0x4] =	wrdreg $0x9  }
0xb1: {  	_ =	task.clear_ibuf [dreg:s6], $0x5FFFF;
	_ =	strace $0x90000049  }
0xb2: {  	s29 =	simm.s32 $0x9;
	_ =	strace $0x8000004B  }
0xb3: {  	_ =	swait.ge [sflag:s29], $0x1  }
0xb4: {  	[sflag:s29] =	ssyncadd.s32 $0xFFFFFFFF  }
0xb5: {  	_ =	strace $0x9000004B  }
0xb6: {  	_ =	sfence  }
0xb7: {  	s30 =	sld [smem:$0x0];
	_ =	sdelay $0x2  }
0xb8: {  	s31 =	sshll.u32 s1, $0xD;
	s1 =	sshrl.u32 s1, $0x2  }
0xb9: {  	s3 =	sand.u32 $0x4000, s31;
	s1 =	sadd.s32 s1, s30  }
0xba: {  	s0 =	sor.u32 s3, s0;
	s1 =	sshll.u32 s1, $0x11  }
0xbb: {  	s0 =	sor.u32 s1, s0  }
0xbc: {  	s0 =	sadd.s32 $0x8F2B, s0  }
0xbd: {  	[sflag:s0] =	ssyncadd.remote.s32 $0x1  }
0xbe: {  	_ =	sfence.sel $0xFFFF  }
0xbf: {  	[dreg:$0x0] =	wrdreg $0xFFFFFFFF;
	(pc) =	sbr.abs _section_cstart, $3  }
0xc0: {  	[dreg:$0x1] =	wrdreg $0xFFFFFFFF  }
0xc1: {  	_ =	task.clear_ibuf [dreg:s6], $0x2FFFF;
	_ =	strace $0x9FFFFFFF  }
0xc2: {  	(tm) =	ssettm $0x7FFFFFFF  }
0xc3: {  	_ =	shalt  }
tec
execute0_lowered:
.L_overlay_start_1:
0x0: {  	(tag) =	ssettag $0x1  }
0x1: {  	s0 =	rddreg [dreg:$0x0]  }
0x2: {  	s1 =	rddreg [dreg:$0x1];
	s2 =	srdreg.scid  }
0x3: {  	s3 =	simm.s32 $0x0;
	s16 =	stileid.u32;
	s22 =	simm.s32 $0x4000  }
0x4: {  	s28 =	simm.s32 $0x2;
	s29 =	simm.s32 $0x3;
	s6 =	smul.u32 $0x14000, s16  }
0x5: {  	s31 =	simm.s32 $0x0;
	s2 =	sand.u32 $0x1, s2;
	s23 =	smul.u32 $0x50000, s16  }
0x6: {  	[smem:$0x7FF] =	sst s3;
	s5 =	sshll.u32 s16, $0x1;
	s21 =	smul.u32 $0x4E200, s16  }
0x7: {  	s20 =	sadd.s32 $0xEF2000, s0;
	s4 =	smul.u32 $0x140000, s2;
	_ =	strace $0x8000004A  }
0x8: {  	s10 =	sor.u32 s2, s5;
	s7 =	ssub.s32 $0x2, s2;
	s26 =	smul.u32 $0x27100, s2  }
0x9: {  	s5 =	sshll.u32 s10, $0xB;
	s24 =	sshrl.u32 s7, $0x1;
	s12 =	smul.u32 $0x138800, s10  }
0xa: {  	s13 =	smul.u32 $0x27100, s10;
	s30 =	sadd.s32 s21, s20;
	s21 =	simm.s32 $0x4  }
0xb: {  	s4 =	sadd.s32 s6, s4;
	s5 =	sadd.s32 s5, s0;
	s6 =	sshrl.u32 s23, $0x2  }
0xc: {  	s17 =	ssub.s32 s7, s24;
	s23 =	simm.s32 $0x6800;
	s24 =	simm.s32 $0x9000  }
0xd: {  	s4 =	sshrl.u32 s4, $0x3;
	s25 =	sadd.s32 $0x4E00, s5;
	s5 =	sadd.s32 s6, s1  }
0xe: {  	s14 =	sshrl.u32 s12, $0x3;
	s13 =	sadd.s32 s20, s13;
	s17 =	smax.u32 s17, $0x1  }
0xf: {  	s0 =	sadd.s32 s4, s0;
	[dreg:$0x3] =	wrdreg s25;
	s6 =	sadd.s32 $0x2800, s5  }
0x10: {  	s7 =	sadd.s32 $0x5000, s5;
	s8 =	sadd.s32 $0x7800, s5;
	s9 =	sadd.s32 $0xA000, s5  }
0x11: {  	s10 =	sadd.s32 $0xC800, s5;
	s11 =	sadd.s32 $0xF000, s5;
	s12 =	sadd.s32 $0x11800, s5  }
0x12: {  	s15 =	sadd.s32 s20, s14;
	s18 =	sadd.s32 $0x26700, s13;
	s19 =	sadd.s32 $0x26C00, s13  }
0x13: {  	s20 =	sadd.s32 s26, s30;
	s25 =	simm.s32 $0x1;
	s26 =	simm.s32 $0x50  }
0x14: {  	v0 =	vimm.f32 $0.0e+00;
	s14 =	sadd.s32 $0x500, s15;
	s15 =	sadd.s32 $0xA00, s15;
	s16 =	sadd.s32 $0x24E00, s0  }
.LBB2_1:
0x15: {  	s0 =	rddreg [dreg:$0x3]  }
0x16: {  	[tilespmem:s3], [sflag:$0x4] =	stream.linear.gather [hbm4b:s0+s3], $0x3E80, $0x38;
	[tilespmem:$0x1F800] =	vst v63  }
0x17: {  	_ =	swait.ge [sflag:s21], $0x3E80  }
0x18: {  	[sflag:s21] =	ssyncset.done $0x0  }
0x19: {  	s2 =	simm.s32 $0x200;
	s0 =	simm.s32 $0x0;
	[sflag:s21] =	ssyncadd.s32 $0xFFFFC180  }
.LBB2_2:
0x1a: {  	p0 =	sne.s32 s2, $0x9E00;
	[tilespmem:s0+$0x4070] =	vst v0  }
0x1b: {  	[tilespmem:s0+$0x4000] =	vst v0  }
0x1c: {  	[tilespmem:s0+$0x4010] =	vst v0  }
.Ltmp0:
0x1d: {  	[tilespmem:s0+$0x4020] =	vst v0;
	(pc) =	sbr.rel @p0 .LBB2_2-.Ltmp0, $4  }
0x1e: {  	[tilespmem:s0+$0x4030] =	vst v0  }
0x1f: {  	[tilespmem:s0+$0x4040] =	vst v0  }
0x20: {  	[tilespmem:s0+$0x4050] =	vst v0  }
0x21: {  	[tilespmem:s0+$0x4060] =	vst v0;
	s0 =	sshra.s32 s2, $0x2;
	s2 =	sadd.s32 $0x200, s2  }
0x22: {  	[tilespmem:s0+$0x4070] =	vst v0  }
0x23: {  	[tilespmem:s0+$0x4000] =	vst v0  }
0x24: {  	[tilespmem:s0+$0x4010] =	vst v0  }
0x25: {  	[tilespmem:s0+$0x4020] =	vst v0  }
0x26: {  	[tilespmem:s0+$0x4030] =	vst v0  }
0x27: {  	[tilespmem:s0+$0x4040] =	vst v0  }
0x28: {  	[tilespmem:s0+$0x4050] =	vst v0  }
0x29: {  	[tilespmem:s0+$0x4060] =	vst v0  }
0x2a: {  	[spmem:s5] =	stream.linear.scatter [tilespmem:s22], [sflag:$0x4], $0x2800, $0x38;
	[tilespmem:$0x1F800] =	vst v63  }
0x2b: {  	_ =	swait.ge [sflag:s21], $0x2800  }
0x2c: {  	[sflag:s21] =	ssyncset.done $0x0  }
0x2d: {  	[sflag:s21] =	ssyncadd.s32 $0xFFFFD800  }
0x2e: {  	[spmem:s6] =	stream.linear.scatter [tilespmem:s22], [sflag:$0x4], $0x2800, $0x38;
	[tilespmem:$0x1F800] =	vst v63  }
0x2f: {  	_ =	swait.ge [sflag:s21], $0x2800  }
0x30: {  	[sflag:s21] =	ssyncset.done $0x0  }
0x31: {  	[sflag:s21] =	ssyncadd.s32 $0xFFFFD800  }
0x32: {  	[spmem:s7] =	stream.linear.scatter [tilespmem:s22], [sflag:$0x4], $0x2800, $0x38;
	[tilespmem:$0x1F800] =	vst v63  }
0x33: {  	_ =	swait.ge [sflag:s21], $0x2800  }
0x34: {  	[sflag:s21] =	ssyncset.done $0x0  }
0x35: {  	[sflag:s21] =	ssyncadd.s32 $0xFFFFD800  }
0x36: {  	[spmem:s8] =	stream.linear.scatter [tilespmem:s22], [sflag:$0x4], $0x2800, $0x38;
	[tilespmem:$0x1F800] =	vst v63  }
0x37: {  	_ =	swait.ge [sflag:s21], $0x2800  }
0x38: {  	[sflag:s21] =	ssyncset.done $0x0  }
0x39: {  	[sflag:s21] =	ssyncadd.s32 $0xFFFFD800  }
0x3a: {  	[spmem:s9] =	stream.linear.scatter [tilespmem:s22], [sflag:$0x4], $0x2800, $0x38;
	[tilespmem:$0x1F800] =	vst v63  }
0x3b: {  	_ =	swait.ge [sflag:s21], $0x2800  }
0x3c: {  	[sflag:s21] =	ssyncset.done $0x0  }
0x3d: {  	[sflag:s21] =	ssyncadd.s32 $0xFFFFD800  }
0x3e: {  	[spmem:s10] =	stream.linear.scatter [tilespmem:s22], [sflag:$0x4], $0x2800, $0x38;
	[tilespmem:$0x1F800] =	vst v63  }
0x3f: {  	_ =	swait.ge [sflag:s21], $0x2800  }
0x40: {  	[sflag:s21] =	ssyncset.done $0x0  }
0x41: {  	[sflag:s21] =	ssyncadd.s32 $0xFFFFD800  }
0x42: {  	[spmem:s11] =	stream.linear.scatter [tilespmem:s22], [sflag:$0x4], $0x2800, $0x38;
	[tilespmem:$0x1F800] =	vst v63  }
0x43: {  	_ =	swait.ge [sflag:s21], $0x2800  }
0x44: {  	[sflag:s21] =	ssyncset.done $0x0  }
0x45: {  	[sflag:s21] =	ssyncadd.s32 $0xFFFFD800  }
0x46: {  	[spmem:s12] =	stream.linear.scatter [tilespmem:s22], [sflag:$0x4], $0x2800, $0x38;
	[tilespmem:$0x1F800] =	vst v63  }
0x47: {  	_ =	swait.ge [sflag:s21], $0x2800  }
0x48: {  	[sflag:s21] =	ssyncset.done $0x0  }
0x49: {  	[sflag:s21] =	ssyncadd.s32 $0xFFFFD800  }
0x4a: {  	s4 =	simm.s32 $0x0;
	[bflag:$0x0] =	sbarrier.arrive $0xFFFF  }
0x4b: {  	[tilespmem:s22], [sflag:$0x1] =	stream.linear.gather [hbm4b:s13+s4], $0x2800, $0x38;
	[tilespmem:$0x1F800] =	vst v63  }
0x4c: {  	_ = 	snop  }
0x4d: {  	[tilespmem:s23], [sflag:$0x2] =	stream.linear.gather [hbm4b:s14+s4], $0x2800, $0x38;
	[tilespmem:$0x1F800] =	vst v63  }
0x4e: {  	_ = 	snop  }
0x4f: {  	[tilespmem:s24], [sflag:$0x3] =	stream.linear.gather [hbm4b:s15+s4], $0x2800, $0x38;
	[tilespmem:$0x1F800] =	vst v63  }
0x50: {  	_ =	swait.ge [sflag:s25], $0x2800  }
0x51: {  	[sflag:s25] =	ssyncset.done $0x0  }
0x52: {  	s2 =	simm.s32 $0x0;
	[sflag:s25] =	ssyncadd.s32 $0xFFFFD800  }
0x53: {  	[spmem:s1] =	stream.indirect.scatter.add.f32 [tilespmem:s22], [sflag:$0x4], $0x80, s2, s26, $0xb8;
	[tilespmem:$0x1F800] =	vst v63  }
0x54: {  	_ =	swait.ge [sflag:s21], $0x2800  }
0x55: {  	s2 =	sadd.s32 $0x0, s20;
	[sflag:s21] =	ssyncset.done $0x0  }
0x56: {  	s4 =	sadd.s32 $0xF00, s2;
	[sflag:s21] =	ssyncadd.s32 $0xFFFFD800  }
0x57: {  	[tilespmem:s22], [sflag:$0x1] =	stream.linear.gather [hbm4b:s4+s3], $0x2800, $0x38;
	[tilespmem:$0x1F800] =	vst v63  }
0x58: {  	_ =	swait.ge [sflag:s28], $0x2800  }
0x59: {  	[sflag:s28] =	ssyncset.done $0x0  }
0x5a: {  	s4 =	simm.s32 $0x80;
	[sflag:s28] =	ssyncadd.s32 $0xFFFFD800  }
0x5b: {  	[spmem:s1] =	stream.indirect.scatter.add.f32 [tilespmem:s23], [sflag:$0x4], $0x80, s4, s26, $0xb8;
	[tilespmem:$0x1F800] =	vst v63  }
0x5c: {  	_ =	swait.ge [sflag:s21], $0x2800  }
0x5d: {  	[sflag:s21] =	ssyncset.done $0x0  }
0x5e: {  	s4 =	sadd.s32 $0x1400, s2;
	[sflag:s21] =	ssyncadd.s32 $0xFFFFD800  }
0x5f: {  	[tilespmem:s23], [sflag:$0x2] =	stream.linear.gather [hbm4b:s4+s3], $0x2800, $0x38;
	[tilespmem:$0x1F800] =	vst v63  }
0x60: {  	_ =	swait.ge [sflag:s29], $0x2800  }
0x61: {  	[sflag:s29] =	ssyncset.done $0x0  }
0x62: {  	s4 =	simm.s32 $0x100;
	[sflag:s29] =	ssyncadd.s32 $0xFFFFD800  }
0x63: {  	[spmem:s1] =	stream.indirect.scatter.add.f32 [tilespmem:s24], [sflag:$0x4], $0x80, s4, s26, $0xb8;
	[tilespmem:$0x1F800] =	vst v63  }
0x64: {  	_ =	swait.ge [sflag:s21], $0x2800  }
0x65: {  	s0 =	simm.s32 $0xF00;
	[sflag:s21] =	ssyncset.done $0x0  }
0x66: {  	s30 =	sadd.s32 $0x1900, s2;
	s2 =	simm.s32 $0x280;
	[sflag:s21] =	ssyncadd.s32 $0xFFFFD800  }
.LBB2_4:
0x67: {  	[tilespmem:s24], [sflag:$0x3] =	stream.linear.gather [hbm4b:s30+s3], $0x2800, $0x38;
	[tilespmem:$0x1F800] =	vst v63  }
0x68: {  	s30 =	smov.u32 s0  }
0x69: {  	p0 =	sne.s32 s0, $0x24900;
	s0 =	sadd.s32 $0xF00, s0;
	_ =	swait.ge [sflag:s25], $0x2800  }
0x6a: {  	[sflag:s25] =	ssyncset.done $0x0  }
0x6b: {  	s4 =	sadd.s32 $0xFFFFFF00, s2;
	[sflag:s25] =	ssyncadd.s32 $0xFFFFD800  }
0x6c: {  	[spmem:s1] =	stream.indirect.scatter.add.f32 [tilespmem:s22], [sflag:$0x4], $0x80, s4, s26, $0xb8;
	[tilespmem:$0x1F800] =	vst v63  }
0x6d: {  	_ =	swait.ge [sflag:s21], $0x2800  }
0x6e: {  	s4 =	sadd.s32 s30, s20;
	[sflag:s21] =	ssyncset.done $0x0  }
0x6f: {  	s30 =	sadd.s32 $0xF00, s4;
	[sflag:s21] =	ssyncadd.s32 $0xFFFFD800  }
0x70: {  	[tilespmem:s22], [sflag:$0x1] =	stream.linear.gather [hbm4b:s30+s3], $0x2800, $0x38;
	[tilespmem:$0x1F800] =	vst v63  }
0x71: {  	_ =	swait.ge [sflag:s28], $0x2800  }
0x72: {  	[sflag:s28] =	ssyncset.done $0x0  }
0x73: {  	s30 =	sadd.s32 $0xFFFFFF80, s2;
	[sflag:s28] =	ssyncadd.s32 $0xFFFFD800  }
0x74: {  	[spmem:s1] =	stream.indirect.scatter.add.f32 [tilespmem:s23], [sflag:$0x4], $0x80, s30, s26, $0xb8;
	[tilespmem:$0x1F800] =	vst v63  }
0x75: {  	_ =	swait.ge [sflag:s21], $0x2800  }
0x76: {  	[sflag:s21] =	ssyncset.done $0x0  }
0x77: {  	s30 =	sadd.s32 $0x1400, s4;
	[sflag:s21] =	ssyncadd.s32 $0xFFFFD800  }
0x78: {  	[tilespmem:s23], [sflag:$0x2] =	stream.linear.gather [hbm4b:s30+s3], $0x2800, $0x38;
	[tilespmem:$0x1F800] =	vst v63  }
0x79: {  	_ =	swait.ge [sflag:s29], $0x2800  }
0x7a: {  	[sflag:s29] =	ssyncset.done $0x0  }
.Ltmp1:
0x7b: {  	[sflag:s29] =	ssyncadd.s32 $0xFFFFD800;
	(pc) =	sbr.rel @p0 .LBB2_4-.Ltmp1, $4  }
0x7c: {  	[spmem:s1] =	stream.indirect.scatter.add.f32 [tilespmem:s24], [sflag:$0x4], $0x80, s2, s26, $0xb8;
	[tilespmem:$0x1F800] =	vst v63  }
0x7d: {  	_ =	swait.ge [sflag:s21], $0x2800  }
0x7e: {  	[sflag:s21] =	ssyncset.done $0x0  }
0x7f: {  	s30 =	sadd.s32 $0x1900, s4;
	s2 =	sadd.s32 $0x180, s2;
	[sflag:s21] =	ssyncadd.s32 $0xFFFFD800  }
0x80: {  	[tilespmem:s24], [sflag:$0x3] =	stream.linear.gather [hbm4b:s30+s3], $0x2800, $0x38;
	[tilespmem:$0x1F800] =	vst v63  }
0x81: {  	_ =	swait.ge [sflag:s25], $0x2800  }
0x82: {  	[sflag:s25] =	ssyncset.done $0x0  }
0x83: {  	s0 =	simm.s32 $0x3C00;
	[sflag:s25] =	ssyncadd.s32 $0xFFFFD800  }
0x84: {  	[spmem:s1] =	stream.indirect.scatter.add.f32 [tilespmem:s22], [sflag:$0x4], $0x80, s0, s26, $0xb8;
	[tilespmem:$0x1F800] =	vst v63  }
0x85: {  	_ =	swait.ge [sflag:s21], $0x2800  }
0x86: {  	[sflag:s21] =	ssyncset.done $0x0  }
0x87: {  	[sflag:s21] =	ssyncadd.s32 $0xFFFFD800  }
0x88: {  	[tilespmem:s22], [sflag:$0x1] =	stream.linear.gather [hbm4b:s18+s3], $0x2800, $0x38;
	[tilespmem:$0x1F800] =	vst v63  }
0x89: {  	_ =	swait.ge [sflag:s28], $0x2800  }
0x8a: {  	[sflag:s28] =	ssyncset.done $0x0  }
0x8b: {  	s4 =	simm.s32 $0x3C80;
	[sflag:s28] =	ssyncadd.s32 $0xFFFFD800  }
0x8c: {  	[spmem:s1] =	stream.indirect.scatter.add.f32 [tilespmem:s23], [sflag:$0x4], $0x80, s4, s26, $0xb8;
	[tilespmem:$0x1F800] =	vst v63  }
0x8d: {  	_ =	swait.ge [sflag:s21], $0x2800  }
0x8e: {  	[sflag:s21] =	ssyncset.done $0x0  }
0x8f: {  	[sflag:s21] =	ssyncadd.s32 $0xFFFFD800  }
0x90: {  	[tilespmem:s23], [sflag:$0x2] =	stream.linear.gather [hbm4b:s19+s3], $0x2800, $0x38;
	[tilespmem:$0x1F800] =	vst v63  }
0x91: {  	_ =	swait.ge [sflag:s29], $0x2800  }
0x92: {  	[sflag:s29] =	ssyncset.done $0x0  }
0x93: {  	s30 =	simm.s32 $0x3D00;
	[sflag:s29] =	ssyncadd.s32 $0xFFFFD800  }
0x94: {  	[spmem:s1] =	stream.indirect.scatter.add.f32 [tilespmem:s24], [sflag:$0x4], $0x80, s30, s26, $0xb8;
	[tilespmem:$0x1F800] =	vst v63  }
0x95: {  	_ =	swait.ge [sflag:s21], $0x2800  }
0x96: {  	[sflag:s21] =	ssyncset.done $0x0  }
0x97: {  	[sflag:s21] =	ssyncadd.s32 $0xFFFFD800  }
0x98: {  	_ =	swait.ge [sflag:s25], $0x2800  }
0x99: {  	[sflag:s25] =	ssyncset.done $0x0  }
0x9a: {  	s2 =	simm.s32 $0x3D80;
	[sflag:s25] =	ssyncadd.s32 $0xFFFFD800  }
0x9b: {  	[spmem:s1] =	stream.indirect.scatter.add.f32 [tilespmem:s22], [sflag:$0x4], $0x80, s2, s26, $0xb8;
	[tilespmem:$0x1F800] =	vst v63  }
0x9c: {  	_ =	swait.ge [sflag:s21], $0x2800  }
0x9d: {  	[sflag:s21] =	ssyncset.done $0x0  }
0x9e: {  	[sflag:s21] =	ssyncadd.s32 $0xFFFFD800  }
0x9f: {  	_ =	swait.ge [sflag:s28], $0x2800  }
0xa0: {  	[sflag:s28] =	ssyncset.done $0x0  }
0xa1: {  	s4 =	simm.s32 $0x3E00;
	[sflag:s28] =	ssyncadd.s32 $0xFFFFD800  }
0xa2: {  	[spmem:s1] =	stream.indirect.scatter.add.f32 [tilespmem:s23], [sflag:$0x4], $0x80, s4, s26, $0xb8;
	[tilespmem:$0x1F800] =	vst v63  }
0xa3: {  	s30 =	stileid.u32;
	_ =	swait.ge [sflag:s21], $0x2800  }
0xa4: {  	s31 =	sadd.s32 $0x1, s31;
	s0 =	sshll.u32 s30, $0x6;
	[sflag:s21] =	ssyncset.done $0x0  }
0xa5: {  	p0 =	sne.s32 s31, s17;
	s0 =	sor.u32 $0x1C04, s0;
	[sflag:s21] =	ssyncadd.s32 $0xFFFFD800  }
.Ltmp2:
0xa6: {  	s2 =	sshrl.u32 s5, $0x3;
	[bflag:$0x0] =	sbarrier.arrive $0xFFFF;
	(pc) =	sbr.rel @p0 .LBB2_1-.Ltmp2, $4  }
0xa7: {  	[hbm:s16], [sflag:s0] =	dma.local [spmem:s2], $0x2800  }
0xa8: {  	_ =	swait.ge [sflag:s21], $0x2800  }
0xa9: {  	[sflag:s21] =	ssyncset.done $0x0  }
0xaa: {  	[sflag:s21] =	ssyncadd.s32 $0xFFFFD800  }
0xab: {  	_ =	sfence.sel $0x180000  }
0xac: {  	[bflag:$0x0] =	sbarrier.arrive $0xFFFF  }
0xad: {  	_ =	strace $0x9000004A  }
0xae: {  	s0 =	stileid.u32;
	[bflag:$0x2] =	sbarrier.arrive $0xFFFF  }
0xaf: {  	p0 =	sne.s32 s0, $0x0;
	s0 =	rddreg [dreg:$0x2]  }
0xb0: {  	s0 =	sadd.s32 @!p0 $0x100000, s0  }
0xb1: {  	[sflag:s0] =	ssyncadd.tile.s32 @!p0 $0x1;
	_ =	shalt  }
.Lfunc_end2:
_tile_overlayer_lowered:
.L_overlay_start_2:
0xb2: {  	(tag) =	ssettag $0x2  }
0xb3: {  	s0 =	rddreg [dreg:$0x0];
	s2 =	stileid.u32  }
0xb4: {  	s1 =	rddreg [dreg:$0x1];
	p0 =	sne.s32 s2, $0x0  }
0xb5: {  	s3 =	rddreg [dreg:$0x2];
	[bflag:$0x3] =	sbarrier.arrive $0xFFFF;
	s2 =	simm.s32 @!p0 $0x1C04  }
0xb6: {  	[timem:s3], [sflag:s2] =	dma.local @!p0 [hbm:s0], s1  }
0xb7: {  	s0 =	simm.s32 @!p0 $0x4  }
0xb8: {  	_ =	swait.ge @!p0 [sflag:s0], s1  }
0xb9: {  	s1 =	ssub.s32 @!p0 $0x0, s1;
	[sflag:s0] =	ssyncset.done @!p0 $0x0  }
0xba: {  	[sflag:s0] =	ssyncadd.s32 @!p0 s1  }
0xbb: {  	[bflag:$0x3] =	sbarrier.arrive $0xFFFF  }
0xbc: {  	_ =	shalt  }

// kernel: kernel.8.cloned.1.call-start
scs
__scs_entry_jumppad:
0x0: {  	(pc) =	sbr.rel $0x88, $3  }
0x1: {  	(tag) =	ssettag $0x0;
	lr =	simm.s32 $0x1  }
0x2: {  	[smem:$0x3F9A] =	sst lr;
	_ =	strace $0xD0000000  }
0x3: {  	_ = 	snop  }
0x4: {  	_ = 	snop  }
0x5: {  	_ = 	snop  }
0x6: {  	_ = 	snop  }
0x7: {  	_ = 	snop  }
__scs_overlays_trampoline_lowered:
0x8: {  	[smem:$0x3FA9] =	sst s0  }
0x9: {  	[smem:$0x3FAA] =	sst s1  }
0xa: {  	[smem:$0x3FAB] =	sst s2  }
0xb: {  	[smem:$0x3FAC] =	sst s3  }
0xc: {  	[smem:$0x3FAD] =	sst s4  }
0xd: {  	[smem:$0x3FAE] =	sst s5  }
0xe: {  	[smem:$0x3FAF] =	sst s6  }
0xf: {  	[smem:$0x3FB0] =	sst s7  }
0x10: {  	[smem:$0x3FB1] =	sst s8  }
0x11: {  	[smem:$0x3FB2] =	sst s9;
	s0 =	simm.s32 @!p0 $0x0  }
0x12: {  	s1 =	sld [smem:$0x3F98];
	s0 =	simm.s32 @p0 $0x1  }
0x13: {  	[smem:$0x3FB3] =	sst s0;
	s0 =	simm.s32 @!p1 $0x0  }
0x14: {  	s2 =	sld [smem:$0x3F97];
	s0 =	simm.s32 @p1 $0x1  }
0x15: {  	[smem:$0x3FB4] =	sst s0;
	s0 =	simm.s32 @!p2 $0x0  }
0x16: {  	s3 =	sld [smem:$0x3FDB];
	s0 =	simm.s32 @p2 $0x1  }
0x17: {  	s4 =	simm.s32 $0x1BF5;
	[smem:$0x3FB6] =	sst s0  }
0x18: {  	s0 =	sld [smem:$0x3F99];
	_ =	swait.ge [sflag:s4], $0x0  }
0x19: {  	s7 =	sld [smem:$0x3F9A]  }
0x1a: {  	s8 =	sadd.s32 $0xFFFFE003, lr  }
0x1b: {  	s9 =	sadd.s32 $0xFFFFFEF7, lr;
	s5 =	simm.s32 $0xFFFFFFFF;
	p2 =	slt.u32 s8, $0xFFFFF086  }
0x1c: {  	p1 =	slt.u32 s9, $0xF7A;
	s5 =	simm.s32 @!p2 $0x0  }
0x1d: {  	s5 =	simm.s32 @p1 $0x1;
	p0 =	seq.s32 s7, s2  }
0x1e: {  	s7 =	smul.u32 @!p0 $0xF7A, s2;
	p2 =	seq.s32 @!p0 s5, $0x0  }
0x1f: {  	s9 =	smul.u32 $0xF7A, s1;
	s8 =	simm.s32 @!p0 $0x1BF5;
	p2 =	por !p2, p0  }
0x20: {  	[sflag:s8] =	ssyncset.s32 @!p0 $0xFFFFF086;
	s6 =	sadd.s32 @!p0 s3, s7;
	s7 =	simm.s32 @!p0 $0x108  }
0x21: {  	s3 =	sadd.s32 s3, s9;
	s6 =	sadd.s32 @!p0 $0x88, s6;
	s7 =	simm.s32 @p2 $0x1082  }
0x22: {  	[simem:s7], [sflag:s8] =	dma.local @!p0 [hbm:s6], $0xF7A  }
0x23: {  	s9 =	sor.u32 $0xD0000000, s2;
	s6 =	simm.s32 $0x108;
	_ =	swait.ge @!p0 [sflag:s8], $0x0  }
0x24: {  	s3 =	sadd.s32 $0x88, s3;
	s6 =	simm.s32 @!p1 $0x1082;
	[sflag:s4] =	ssyncset.s32 $0xFFFFF086  }
0x25: {  	[simem:s6], [sflag:s4] =	dma.local [hbm:s3], $0xF7A  }
0x26: {  	[smem:$0x3F9A] =	sst s1;
	(tag) =	ssettag s2;
	_ =	strace s9  }
0x27: {  	s1 =	sld [smem:$0x3FAA]  }
0x28: {  	s2 =	sld [smem:$0x3FAB]  }
0x29: {  	s4 =	sld [smem:$0x3FAD]  }
0x2a: {  	p0 =	seq.s32 s5, $0x0;
	s5 =	sld [smem:$0x3FAE]  }
0x2b: {  	s6 =	sld [smem:$0x3FAF]  }
0x2c: {  	s7 =	sld [smem:$0x3FB0]  }
0x2d: {  	s3 =	simm.s32 $0x108;
	s8 =	sld [smem:$0x3FB1]  }
0x2e: {  	s3 =	simm.s32 @!p0 $0x1082;
	s9 =	sld [smem:$0x3FB2]  }
0x2f: {  	lr =	sadd.s32 s0, s3;
	s0 =	sld [smem:$0x3FA9]  }
0x30: {  	s3 =	sld [smem:$0x3FAC]  }
0x31: {  	[smem:$0x3FB5] =	sst s10  }
0x32: {  	s10 =	sld [smem:$0x3FB3];
	_ =	sdelay $0x3  }
0x33: {  	p0 =	seq.s32 s10, $0x1;
	s10 =	sld [smem:$0x3FB5];
	_ =	sdelay $0x3  }
0x34: {  	[smem:$0x3FB5] =	sst s10  }
0x35: {  	s10 =	sld [smem:$0x3FB4];
	_ =	sdelay $0x3  }
0x36: {  	p1 =	seq.s32 s10, $0x1;
	s10 =	sld [smem:$0x3FB5];
	_ =	sdelay $0x3  }
0x37: {  	[smem:$0x3FB5] =	sst s10  }
0x38: {  	s10 =	sld [smem:$0x3FB6]  }
0x39: {  	_ = 	snop;
	(pc) =	sbr.ind lr, $3  }
0x3a: {  	_ = 	snop  }
0x3b: {  	_ = 	snop  }
0x3c: {  	p2 =	seq.s32 s10, $0x1;
	s10 =	sld [smem:$0x3FB5]  }
0x3d: {  	_ =	shalt  }
0x3e: {  	_ =	shalt  }
0x3f: {  	_ =	shalt  }
0x40: {  	_ =	shalt  }
0x41: {  	_ =	shalt  }
0x42: {  	_ =	shalt  }
0x43: {  	_ =	shalt  }
0x44: {  	_ =	shalt  }
0x45: {  	_ =	shalt  }
0x46: {  	_ =	shalt  }
0x47: {  	_ =	shalt  }
0x48: {  	_ =	shalt  }
0x49: {  	_ =	shalt  }
0x4a: {  	_ =	shalt  }
0x4b: {  	_ =	shalt  }
0x4c: {  	_ =	shalt  }
0x4d: {  	_ =	shalt  }
0x4e: {  	_ =	shalt  }
0x4f: {  	_ =	shalt  }
0x50: {  	_ =	shalt  }
0x51: {  	_ =	shalt  }
0x52: {  	_ =	shalt  }
0x53: {  	_ =	shalt  }
0x54: {  	_ =	shalt  }
0x55: {  	_ =	shalt  }
0x56: {  	_ =	shalt  }
0x57: {  	_ =	shalt  }
0x58: {  	_ =	shalt  }
0x59: {  	_ =	shalt  }
0x5a: {  	_ =	shalt  }
0x5b: {  	_ =	shalt  }
0x5c: {  	_ =	shalt  }
0x5d: {  	_ =	shalt  }
0x5e: {  	_ =	shalt  }
0x5f: {  	_ =	shalt  }
0x60: {  	_ =	shalt  }
0x61: {  	_ =	shalt  }
0x62: {  	_ =	shalt  }
0x63: {  	_ =	shalt  }
0x64: {  	_ =	shalt  }
0x65: {  	_ =	shalt  }
0x66: {  	_ =	shalt  }
0x67: {  	_ =	shalt  }
0x68: {  	_ =	shalt  }
0x69: {  	_ =	shalt  }
0x6a: {  	_ =	shalt  }
0x6b: {  	_ =	shalt  }
0x6c: {  	_ =	shalt  }
0x6d: {  	_ =	shalt  }
0x6e: {  	_ =	shalt  }
0x6f: {  	_ =	shalt  }
0x70: {  	_ =	shalt  }
0x71: {  	_ =	shalt  }
0x72: {  	_ =	shalt  }
0x73: {  	_ =	shalt  }
0x74: {  	_ =	shalt  }
0x75: {  	_ =	shalt  }
0x76: {  	_ =	shalt  }
0x77: {  	_ =	shalt  }
0x78: {  	_ =	shalt  }
0x79: {  	_ =	shalt  }
0x7a: {  	_ =	shalt  }
0x7b: {  	_ =	shalt  }
0x7c: {  	_ =	shalt  }
0x7d: {  	_ =	shalt  }
0x7e: {  	_ =	shalt  }
0x7f: {  	_ =	shalt  }
0x80: {  	_ =	shalt  }
0x81: {  	_ =	shalt  }
0x82: {  	_ =	shalt  }
0x83: {  	_ =	shalt  }
0x84: {  	_ =	shalt  }
0x85: {  	_ =	shalt  }
0x86: {  	_ =	shalt  }
0x87: {  	_ =	shalt  }
.Lfunc_end0:
.L_simem_size_0:
called_computation_lowered:
.L_overlay_start_0:
0x88: {  	s2 =	sld [smem:$0x3FD9]  }
0x89: {  	s3 =	sld [smem:$0x3FFE];
	_ =	sdelay $0x1  }
0x8a: {  	s1 =	srdreg.scid  }
0x8b: {  	s0 =	sand.u32 $0x1, s1  }
0x8c: {  	s17 =	sshll.u32 s0, $0xA;
	s2 =	sadd.s32 s3, s2  }
0x8d: {  	s2 =	sadd.s32 s2, s17  }
0x8e: {  	[smem:$0x3FC1] =	sst s2  }
0x8f: {  	_ = 	snop  }
0x90: {  	s2 =	sld [smem:$0x3FD0];
	(tm) =	ssettm $0x1  }
0x91: {  	s18 =	sld [smem:$0x3FFB];
	_ =	sdelay $0x3  }
0x92: {  	_ =	strace s18  }
0x93: {  	s3 =	sld [smem:$0x3FFC];
	_ =	sdelay $0x3  }
0x94: {  	_ =	strace s3  }
0x95: {  	s3 =	sld [smem:$0x3FFD];
	_ =	sdelay $0x3  }
0x96: {  	_ =	strace s3  }
0x97: {  	_ =	strace $0x8FFFFFFF  }
0x98: {  	s19 =	sld [smem:$0x3FDB];
	_ =	sdelay $0x1  }
0x99: {  	s4 =	simm.s32 $_scs_section_size  }
0x9a: {  	s5 =	simm.s32 $_size__tile_overlayer_lowered;
	s6 =	simm.s32 $_tile_overlayer_lowered  }
0x9b: {  	s22 =	simm.s32 $0x1BFF;
	s21 =	sshll.u32 s6, $0x1;
	s3 =	sadd.s32 s4, s19  }
0x9c: {  	s7 =	simm.s32 $0x0;
	s20 =	sshll.u32 s5, $0x1;
	s5 =	sadd.s32 s21, s3  }
0x9d: {  	[timem:s7], [sflag:s22] =	dma.local [hbm:s5], s20  }
0x9e: {  	_ =	swait.ge [sflag:s22], s20  }
0x9f: {  	s4 =	ssub.s32 $0x0, s20;
	[sflag:s22] =	ssyncset.done $0x0  }
0xa0: {  	[sflag:s22] =	ssyncadd.s32 s4;
	_ =	sdelay $0x1  }
0xa1: {  	s23 =	simm.s32 $0x1B8B  }
0xa2: {  	_ =	swait.ge [sflag:s23], $0x1  }
0xa3: {  	[sflag:s23] =	ssyncset.done $0x0  }
0xa4: {  	s25 =	simm.s32 $0x1B8E;
	s24 =	sld [smem:$0x3FFE];
	[sflag:s23] =	ssyncadd.s32 $0xFFFFFFFF  }
0xa5: {  	s26 =	simm.s32 $execute0_lowered;
	[smem:$0x3FD2] =	sst s25  }
0xa6: {  	s5 =	sshll.u32 s26, $0x1;
	_ =	strace $0x80000046;
	[dreg:$0x1] =	wrdreg $0xFFFFFFFF  }
0xa7: {  	s28 =	simm.s32 $_size_execute0_lowered;
	s3 =	sadd.s32 s3, s5;
	[dreg:$0x0] =	wrdreg $0x0  }
0xa8: {  	s5 =	sshll.u32 s28, $0x1;
	[dreg:$0x2] =	wrdreg s3  }
0xa9: {  	[dreg:$0x3] =	wrdreg s5  }
0xaa: {  	[dreg:$0x4] =	wrdreg $0xC0  }
0xab: {  	_ =	task [dreg:s7], $0x5FFFF  }
0xac: {  	[dreg:$0x1] =	wrdreg $0xFFFFFFFF  }
0xad: {  	[dreg:$0x0] =	wrdreg $0x60  }
0xae: {  	[dreg:$0x2] =	wrdreg s2  }
0xaf: {  	[dreg:$0x3] =	wrdreg s24  }
0xb0: {  	[dreg:$0x4] =	wrdreg $0x9  }
0xb1: {  	_ =	task.clear_ibuf [dreg:s7], $0x5FFFF;
	_ =	strace $0x90000046  }
0xb2: {  	s29 =	simm.s32 $0x9;
	_ =	strace $0x80000048  }
0xb3: {  	_ =	swait.ge [sflag:s29], $0x1  }
0xb4: {  	[sflag:s29] =	ssyncadd.s32 $0xFFFFFFFF  }
0xb5: {  	_ =	strace $0x90000048  }
0xb6: {  	_ =	sfence  }
0xb7: {  	s30 =	sld [smem:$0x0];
	_ =	sdelay $0x2  }
0xb8: {  	s31 =	sshll.u32 s1, $0xD;
	s1 =	sshrl.u32 s1, $0x2  }
0xb9: {  	s3 =	sand.u32 $0x4000, s31;
	s1 =	sadd.s32 s1, s30  }
0xba: {  	s0 =	sor.u32 s3, s0;
	s1 =	sshll.u32 s1, $0x11  }
0xbb: {  	s0 =	sor.u32 s1, s0  }
0xbc: {  	s0 =	sadd.s32 $0x8F2B, s0  }
0xbd: {  	[sflag:s0] =	ssyncadd.remote.s32 $0x1  }
0xbe: {  	_ =	sfence.sel $0xFFFF  }
0xbf: {  	[dreg:$0x0] =	wrdreg $0xFFFFFFFF;
	(pc) =	sbr.abs _section_cstart, $3  }
0xc0: {  	[dreg:$0x1] =	wrdreg $0xFFFFFFFF  }
0xc1: {  	_ =	task.clear_ibuf [dreg:s7], $0x2FFFF;
	_ =	strace $0x9FFFFFFF  }
0xc2: {  	(tm) =	ssettm $0x7FFFFFFF  }
0xc3: {  	_ =	shalt  }
tec
execute0_lowered:
.L_overlay_start_1:
0x0: {  	(tag) =	ssettag $0x1  }
0x1: {  	s1 =	rddreg [dreg:$0x0]  }
0x2: {  	s0 =	rddreg [dreg:$0x1];
	s3 =	simm.s32 $0x0;
	s2 =	srdreg.scid  }
0x3: {  	s11 =	stileid.u32;
	s12 =	simm.s32 $0x4000;
	s13 =	simm.s32 $0x50  }
0x4: {  	s14 =	simm.s32 $0x8000;
	s15 =	simm.s32 $0x12000;
	s17 =	simm.s32 $0xA800  }
0x5: {  	s19 =	simm.s32 $0x14800;
	s21 =	simm.s32 $0xD000;
	s28 =	simm.s32 $0x19800  }
0x6: {  	s29 =	simm.s32 $0x1;
	s30 =	simm.s32 $0x2;
	s31 =	simm.s32 $0x3  }
0x7: {  	[smem:$0x7FF] =	sst s3;
	s2 =	sand.u32 $0x1, s2;
	s4 =	sshll.u32 s11, $0x1  }
0x8: {  	s22 =	smul.u32 $0x4E200, s11;
	s11 =	simm.s32 $0x5;
	_ =	strace $0x80000047  }
0x9: {  	s5 =	sor.u32 s2, s4;
	s7 =	ssub.s32 $0x2, s2;
	s2 =	smul.u32 $0x27100, s2  }
0xa: {  	s4 =	sadd.s32 $0x24E00, s0;
	s6 =	sshll.u32 s5, $0xB;
	s9 =	smul.u32 $0x138800, s5  }
0xb: {  	s8 =	sshrl.u32 s7, $0x1;
	s6 =	sadd.s32 s6, s0;
	s0 =	sadd.s32 $0x4C000, s0  }
0xc: {  	s10 =	ssub.s32 s7, s8;
	s23 =	sadd.s32 $0x4E00, s6;
	s24 =	sshrl.u32 s9, $0x3  }
0xd: {  	s25 =	sadd.s32 $0x14E00, s6;
	s9 =	smax.u32 s10, $0x1;
	[dreg:$0x3] =	wrdreg s23  }
0xe: {  	[dreg:$0x4] =	wrdreg s25;
	s8 =	sadd.s32 s0, s24;
	s0 =	sadd.s32 s22, s0  }
0xf: {  	s23 =	simm.s32 $0x17000;
	s25 =	simm.s32 $0xF800;
	s26 =	sadd.s32 $0x26C00, s8  }
0x10: {  	s8 =	sadd.s32 $0x508C00, s8;
	s0 =	sadd.s32 s2, s0;
	s2 =	simm.s32 $0x0  }
0x11: {  	[dreg:$0x5] =	wrdreg s26;
	s10 =	sadd.s32 $0x4E2000, s0;
	s0 =	simm.s32 $0x4  }
.LBB2_1:
0x12: {  	s5 =	rddreg [dreg:$0x3]  }
0x13: {  	[tilespmem:s3], [sflag:$0x5] =	stream.linear.gather [hbm4b:s5+s3], $0x3E80, $0x38;
	[tilespmem:$0x1C000] =	vst v63  }
0x14: {  	_ =	swait.ge [sflag:s11], $0x3E80  }
0x15: {  	[sflag:s11] =	ssyncset.done $0x0  }
0x16: {  	s7 =	rddreg [dreg:$0x4];
	[sflag:s11] =	ssyncadd.s32 $0xFFFFC180  }
0x17: {  	[tilespmem:s12], [sflag:$0x5] =	stream.linear.gather [hbm4b:s7+s3], $0x3E80, $0x38;
	[tilespmem:$0x1C000] =	vst v63  }
0x18: {  	_ =	swait.ge [sflag:s11], $0x3E80  }
0x19: {  	[sflag:s11] =	ssyncset.done $0x0  }
0x1a: {  	[sflag:s11] =	ssyncadd.s32 $0xFFFFC180  }
0x1b: {  	[tilespmem:s14], [sflag:$0x1] =	stream.indirect.gather [hbm4b:s1+s13], $0x80, s3, s13, $0xb8;
	[tilespmem:$0x1C000] =	vst v63  }
0x1c: {  	_ = 	snop  }
0x1d: {  	[tilespmem:s15], [sflag:$0x1] =	stream.indirect.gather [hbm4b:s4+s13], $0x80, s12, s13, $0xb8;
	[tilespmem:$0x1C000] =	vst v63  }
0x1e: {  	s16 =	simm.s32 $0x80  }
0x1f: {  	[tilespmem:s17], [sflag:$0x2] =	stream.indirect.gather [hbm4b:s1+s13], $0x80, s16, s13, $0xb8;
	[tilespmem:$0x1C000] =	vst v63  }
0x20: {  	s18 =	simm.s32 $0x4080  }
0x21: {  	[tilespmem:s19], [sflag:$0x2] =	stream.indirect.gather [hbm4b:s4+s13], $0x80, s18, s13, $0xb8;
	[tilespmem:$0x1C000] =	vst v63  }
0x22: {  	s20 =	simm.s32 $0x100  }
0x23: {  	[tilespmem:s21], [sflag:$0x3] =	stream.indirect.gather [hbm4b:s1+s13], $0x80, s20, s13, $0xb8;
	[tilespmem:$0x1C000] =	vst v63  }
0x24: {  	s22 =	simm.s32 $0x4100  }
0x25: {  	[tilespmem:s23], [sflag:$0x3] =	stream.indirect.gather [hbm4b:s4+s13], $0x80, s22, s13, $0xb8;
	[tilespmem:$0x1C000] =	vst v63  }
0x26: {  	s24 =	simm.s32 $0x180  }
0x27: {  	[tilespmem:s25], [sflag:$0x4] =	stream.indirect.gather [hbm4b:s1+s13], $0x80, s24, s13, $0xb8;
	[tilespmem:$0x1C000] =	vst v63  }
0x28: {  	s26 =	simm.s32 $0x4180  }
0x29: {  	[tilespmem:s28], [sflag:$0x4] =	stream.indirect.gather [hbm4b:s4+s13], $0x80, s26, s13, $0xb8;
	[tilespmem:$0x1C000] =	vst v63  }
0x2a: {  	_ =	swait.ge [sflag:s29], $0x2800  }
0x2b: {  	[sflag:s29] =	ssyncset.done $0x0  }
0x2c: {  	[sflag:s29] =	ssyncadd.s32 $0xFFFFD800  }
0x2d: {  	_ =	swait.ge [sflag:s29], $0x2800  }
0x2e: {  	[sflag:s29] =	ssyncset.done $0x0  }
0x2f: {  	s16 =	sadd.s32 $0xFFB1E000, s10;
	[sflag:s29] =	ssyncadd.s32 $0xFFFFD800  }
0x30: {  	[hbm4b:s16+s3] =	stream.linear.scatter [tilespmem:s14], [sflag:$0x5], $0x2800, $0x38;
	[tilespmem:$0x1C000] =	vst v63  }
0x31: {  	_ =	swait.ge [sflag:s11], $0x2800  }
0x32: {  	[sflag:s11] =	ssyncset.done $0x0  }
0x33: {  	[sflag:s11] =	ssyncadd.s32 $0xFFFFD800  }
0x34: {  	[hbm4b:s10+s3] =	stream.linear.scatter [tilespmem:s15], [sflag:$0x5], $0x2800, $0x38;
	[tilespmem:$0x1C000] =	vst v63  }
0x35: {  	_ =	swait.ge [sflag:s11], $0x2800  }
0x36: {  	[sflag:s11] =	ssyncset.done $0x0  }
0x37: {  	s5 =	simm.s32 $0x200;
	[sflag:s11] =	ssyncadd.s32 $0xFFFFD800  }
0x38: {  	[tilespmem:s14], [sflag:$0x1] =	stream.indirect.gather [hbm4b:s1+s13], $0x80, s5, s13, $0xb8;
	[tilespmem:$0x1C000] =	vst v63  }
0x39: {  	s6 =	simm.s32 $0x4200  }
0x3a: {  	[tilespmem:s15], [sflag:$0x1] =	stream.indirect.gather [hbm4b:s4+s13], $0x80, s6, s13, $0xb8;
	[tilespmem:$0x1C000] =	vst v63  }
0x3b: {  	_ =	swait.ge [sflag:s30], $0x2800  }
0x3c: {  	[sflag:s30] =	ssyncset.done $0x0  }
0x3d: {  	[sflag:s30] =	ssyncadd.s32 $0xFFFFD800  }
0x3e: {  	_ =	swait.ge [sflag:s30], $0x2800  }
0x3f: {  	[sflag:s30] =	ssyncset.done $0x0  }
0x40: {  	s7 =	sadd.s32 $0xFFB1E500, s10;
	[sflag:s30] =	ssyncadd.s32 $0xFFFFD800  }
0x41: {  	[hbm4b:s7+s3] =	stream.linear.scatter [tilespmem:s17], [sflag:$0x5], $0x2800, $0x38;
	[tilespmem:$0x1C000] =	vst v63  }
0x42: {  	_ =	swait.ge [sflag:s11], $0x2800  }
0x43: {  	[sflag:s11] =	ssyncset.done $0x0  }
0x44: {  	s18 =	sadd.s32 $0x500, s10;
	[sflag:s11] =	ssyncadd.s32 $0xFFFFD800  }
0x45: {  	[hbm4b:s18+s3] =	stream.linear.scatter [tilespmem:s19], [sflag:$0x5], $0x2800, $0x38;
	[tilespmem:$0x1C000] =	vst v63  }
0x46: {  	p0 =	por $0x0, $0x0;
	_ =	swait.ge [sflag:s11], $0x2800  }
0x47: {  	s20 =	simm.s32 @!p0 $0x50;
	[sflag:s11] =	ssyncset.done $0x0  }
0x48: {  	s16 =	simm.s32 @!p0 $0xA800;
	s18 =	simm.s32 @!p0 $0x280;
	[sflag:s11] =	ssyncadd.s32 $0xFFFFD800  }
0x49: {  	[tilespmem:s16], [sflag:$0x2] =	stream.indirect.gather @!p0 [hbm4b:s1+s20], $0x80, s18, s20, $0xb8;
	[tilespmem:$0x1C000] =	vst v63  }
0x4a: {  	s16 =	simm.s32 @!p0 $0x4280;
	s18 =	simm.s32 @!p0 $0x14800  }
0x4b: {  	[tilespmem:s18], [sflag:$0x2] =	stream.indirect.gather @!p0 [hbm4b:s4+s20], $0x80, s16, s20, $0xb8;
	[tilespmem:$0x1C000] =	vst v63  }
0x4c: {  	_ =	swait.ge [sflag:s31], $0x2800  }
0x4d: {  	[sflag:s31] =	ssyncset.done $0x0  }
0x4e: {  	[sflag:s31] =	ssyncadd.s32 $0xFFFFD800  }
0x4f: {  	_ =	swait.ge [sflag:s31], $0x2800  }
0x50: {  	[sflag:s31] =	ssyncset.done $0x0  }
0x51: {  	s20 =	sadd.s32 $0xFFB1EA00, s10;
	[sflag:s31] =	ssyncadd.s32 $0xFFFFD800  }
0x52: {  	[hbm4b:s20+s3] =	stream.linear.scatter [tilespmem:s21], [sflag:$0x5], $0x2800, $0x38;
	[tilespmem:$0x1C000] =	vst v63  }
0x53: {  	_ =	swait.ge [sflag:s11], $0x2800  }
0x54: {  	[sflag:s11] =	ssyncset.done $0x0  }
0x55: {  	s22 =	sadd.s32 $0xA00, s10;
	[sflag:s11] =	ssyncadd.s32 $0xFFFFD800  }
0x56: {  	[hbm4b:s22+s3] =	stream.linear.scatter [tilespmem:s23], [sflag:$0x5], $0x2800, $0x38;
	[tilespmem:$0x1C000] =	vst v63  }
0x57: {  	p0 =	por $0x0, $0x0;
	_ =	swait.ge [sflag:s11], $0x2800  }
0x58: {  	s16 =	simm.s32 @!p0 $0xD000;
	[sflag:s11] =	ssyncset.done $0x0  }
0x59: {  	s18 =	simm.s32 @!p0 $0x300;
	s20 =	simm.s32 @!p0 $0x50;
	[sflag:s11] =	ssyncadd.s32 $0xFFFFD800  }
0x5a: {  	[tilespmem:s16], [sflag:$0x3] =	stream.indirect.gather @!p0 [hbm4b:s1+s20], $0x80, s18, s20, $0xb8;
	[tilespmem:$0x1C000] =	vst v63  }
0x5b: {  	s16 =	simm.s32 @!p0 $0x4300;
	s18 =	simm.s32 @!p0 $0x17000  }
0x5c: {  	[tilespmem:s18], [sflag:$0x3] =	stream.indirect.gather @!p0 [hbm4b:s4+s20], $0x80, s16, s20, $0xb8;
	[tilespmem:$0x1C000] =	vst v63  }
0x5d: {  	_ =	swait.ge [sflag:s0], $0x2800  }
0x5e: {  	[sflag:s0] =	ssyncset.done $0x0  }
0x5f: {  	[sflag:s0] =	ssyncadd.s32 $0xFFFFD800  }
0x60: {  	_ =	swait.ge [sflag:s0], $0x2800  }
0x61: {  	[sflag:s0] =	ssyncset.done $0x0  }
0x62: {  	s24 =	sadd.s32 $0xFFB1EF00, s10;
	[sflag:s0] =	ssyncadd.s32 $0xFFFFD800  }
0x63: {  	[hbm4b:s24+s3] =	stream.linear.scatter [tilespmem:s25], [sflag:$0x5], $0x2800, $0x38;
	[tilespmem:$0x1C000] =	vst v63  }
0x64: {  	_ =	swait.ge [sflag:s11], $0x2800  }
0x65: {  	[sflag:s11] =	ssyncset.done $0x0  }
0x66: {  	p1 =	por $0x0, $0x0;
	s26 =	sadd.s32 $0xF00, s10;
	[sflag:s11] =	ssyncadd.s32 $0xFFFFD800  }
0x67: {  	[hbm4b:s26+s3] =	stream.linear.scatter [tilespmem:s28], [sflag:$0x5], $0x2800, $0x38;
	[tilespmem:$0x1C000] =	vst v63  }
0x68: {  	s22 =	simm.s32 @!p1 $0x50;
	_ =	swait.ge [sflag:s11], $0x2800  }
0x69: {  	s16 =	simm.s32 @!p1 $0xF800;
	s18 =	simm.s32 @!p1 $0x380;
	[sflag:s11] =	ssyncset.done $0x0  }
0x6a: {  	s20 =	sadd.s32 $0x1400, s10;
	s24 =	simm.s32 @!p1 $0x4380;
	[sflag:s11] =	ssyncadd.s32 $0xFFFFD800  }
0x6b: {  	[tilespmem:s16], [sflag:$0x4] =	stream.indirect.gather @!p1 [hbm4b:s1+s22], $0x80, s18, s22, $0xb8;
	[tilespmem:$0x1C000] =	vst v63  }
0x6c: {  	s26 =	simm.s32 @!p1 $0x19800;
	s16 =	simm.s32 $0x800;
	s18 =	simm.s32 $0x7  }
.LBB2_2:
0x6d: {  	[tilespmem:s26], [sflag:$0x4] =	stream.indirect.gather @!p1 [hbm4b:s4+s22], $0x80, s24, s22, $0xb8;
	[tilespmem:$0x1C000] =	vst v63  }
0x6e: {  	s22 =	smov.u32 s16;
	s16 =	sadd.s32 $0x800, s16;
	_ =	swait.ge [sflag:s29], $0x2800  }
0x6f: {  	s24 =	smov.u32 s18;
	p0 =	sne.s32 s16, $0xF800;
	[sflag:s29] =	ssyncset.done $0x0  }
0x70: {  	[sflag:s29] =	ssyncadd.s32 $0xFFFFD800  }
0x71: {  	_ =	swait.ge [sflag:s29], $0x2800  }
0x72: {  	[sflag:s29] =	ssyncset.done $0x0  }
0x73: {  	s26 =	sadd.s32 $0xFFB1E000, s20;
	[sflag:s29] =	ssyncadd.s32 $0xFFFFD800  }
0x74: {  	[hbm4b:s26+s3] =	stream.linear.scatter [tilespmem:s14], [sflag:$0x5], $0x2800, $0x38;
	[tilespmem:$0x1C000] =	vst v63  }
0x75: {  	_ =	swait.ge [sflag:s11], $0x2800  }
0x76: {  	[sflag:s11] =	ssyncset.done $0x0  }
0x77: {  	[sflag:s11] =	ssyncadd.s32 $0xFFFFD800  }
0x78: {  	[hbm4b:s20+s3] =	stream.linear.scatter [tilespmem:s15], [sflag:$0x5], $0x2800, $0x38;
	[tilespmem:$0x1C000] =	vst v63  }
0x79: {  	_ =	swait.ge [sflag:s11], $0x2800  }
0x7a: {  	s26 =	sshra.s32 s22, $0x2;
	[sflag:s11] =	ssyncset.done $0x0  }
0x7b: {  	s5 =	sadd.s32 $0x200, s26;
	[sflag:s11] =	ssyncadd.s32 $0xFFFFD800  }
0x7c: {  	[tilespmem:s14], [sflag:$0x1] =	stream.indirect.gather [hbm4b:s1+s13], $0x80, s5, s13, $0xb8;
	[tilespmem:$0x1C000] =	vst v63  }
0x7d: {  	s5 =	sadd.s32 $0x4200, s26  }
0x7e: {  	[tilespmem:s15], [sflag:$0x1] =	stream.indirect.gather [hbm4b:s4+s13], $0x80, s5, s13, $0xb8;
	[tilespmem:$0x1C000] =	vst v63  }
0x7f: {  	_ =	swait.ge [sflag:s30], $0x2800  }
0x80: {  	[sflag:s30] =	ssyncset.done $0x0  }
0x81: {  	[sflag:s30] =	ssyncadd.s32 $0xFFFFD800  }
0x82: {  	_ =	swait.ge [sflag:s30], $0x2800  }
0x83: {  	[sflag:s30] =	ssyncset.done $0x0  }
0x84: {  	s5 =	sadd.s32 $0xFFB1E500, s20;
	[sflag:s30] =	ssyncadd.s32 $0xFFFFD800  }
0x85: {  	[hbm4b:s5+s3] =	stream.linear.scatter [tilespmem:s17], [sflag:$0x5], $0x2800, $0x38;
	[tilespmem:$0x1C000] =	vst v63  }
0x86: {  	_ =	swait.ge [sflag:s11], $0x2800  }
0x87: {  	[sflag:s11] =	ssyncset.done $0x0  }
0x88: {  	s26 =	sadd.s32 $0x500, s20;
	s5 =	sadd.s32 $0xFFFFFFFE, s18;
	[sflag:s11] =	ssyncadd.s32 $0xFFFFD800  }
0x89: {  	[hbm4b:s26+s3] =	stream.linear.scatter [tilespmem:s19], [sflag:$0x5], $0x2800, $0x38;
	[tilespmem:$0x1C000] =	vst v63  }
0x8a: {  	p1 =	sgt.u32 s5, $0x78;
	_ =	swait.ge [sflag:s11], $0x2800  }
0x8b: {  	s5 =	sshra.s32 @!p1 s22, $0x2;
	s26 =	simm.s32 @!p1 $0xA800;
	[sflag:s11] =	ssyncset.done $0x0  }
0x8c: {  	s7 =	simm.s32 @!p1 $0x50;
	s6 =	sadd.s32 @!p1 $0x280, s5;
	[sflag:s11] =	ssyncadd.s32 $0xFFFFD800  }
0x8d: {  	[tilespmem:s26], [sflag:$0x2] =	stream.indirect.gather @!p1 [hbm4b:s1+s7], $0x80, s6, s7, $0xb8;
	[tilespmem:$0x1C000] =	vst v63  }
0x8e: {  	s5 =	sadd.s32 @!p1 $0x4280, s5;
	s6 =	simm.s32 @!p1 $0x14800  }
0x8f: {  	[tilespmem:s6], [sflag:$0x2] =	stream.indirect.gather @!p1 [hbm4b:s4+s7], $0x80, s5, s7, $0xb8;
	[tilespmem:$0x1C000] =	vst v63  }
0x90: {  	_ =	swait.ge [sflag:s31], $0x2800  }
0x91: {  	[sflag:s31] =	ssyncset.done $0x0  }
0x92: {  	[sflag:s31] =	ssyncadd.s32 $0xFFFFD800  }
0x93: {  	_ =	swait.ge [sflag:s31], $0x2800  }
0x94: {  	[sflag:s31] =	ssyncset.done $0x0  }
0x95: {  	s5 =	sadd.s32 $0xFFB1EA00, s20;
	[sflag:s31] =	ssyncadd.s32 $0xFFFFD800  }
0x96: {  	[hbm4b:s5+s3] =	stream.linear.scatter [tilespmem:s21], [sflag:$0x5], $0x2800, $0x38;
	[tilespmem:$0x1C000] =	vst v63  }
0x97: {  	_ =	swait.ge [sflag:s11], $0x2800  }
0x98: {  	[sflag:s11] =	ssyncset.done $0x0  }
0x99: {  	s6 =	sadd.s32 $0xA00, s20;
	s5 =	sadd.s32 $0xFFFFFFFF, s18;
	[sflag:s11] =	ssyncadd.s32 $0xFFFFD800  }
0x9a: {  	[hbm4b:s6+s3] =	stream.linear.scatter [tilespmem:s23], [sflag:$0x5], $0x2800, $0x38;
	[tilespmem:$0x1C000] =	vst v63  }
0x9b: {  	p1 =	sgt.u32 s5, $0x78;
	_ =	swait.ge [sflag:s11], $0x2800  }
0x9c: {  	s5 =	sshra.s32 @!p1 s22, $0x2;
	s6 =	simm.s32 @!p1 $0xD000;
	[sflag:s11] =	ssyncset.done $0x0  }
0x9d: {  	s26 =	simm.s32 @!p1 $0x50;
	s7 =	sadd.s32 @!p1 $0x300, s5;
	[sflag:s11] =	ssyncadd.s32 $0xFFFFD800  }
0x9e: {  	[tilespmem:s6], [sflag:$0x3] =	stream.indirect.gather @!p1 [hbm4b:s1+s26], $0x80, s7, s26, $0xb8;
	[tilespmem:$0x1C000] =	vst v63  }
0x9f: {  	s5 =	sadd.s32 @!p1 $0x4300, s5;
	s6 =	simm.s32 @!p1 $0x17000  }
0xa0: {  	[tilespmem:s6], [sflag:$0x3] =	stream.indirect.gather @!p1 [hbm4b:s4+s26], $0x80, s5, s26, $0xb8;
	[tilespmem:$0x1C000] =	vst v63  }
0xa1: {  	_ =	swait.ge [sflag:s0], $0x2800  }
0xa2: {  	[sflag:s0] =	ssyncset.done $0x0  }
0xa3: {  	[sflag:s0] =	ssyncadd.s32 $0xFFFFD800  }
0xa4: {  	_ =	swait.ge [sflag:s0], $0x2800  }
0xa5: {  	[sflag:s0] =	ssyncset.done $0x0  }
0xa6: {  	s5 =	sadd.s32 $0xFFB1EF00, s20;
	[sflag:s0] =	ssyncadd.s32 $0xFFFFD800  }
0xa7: {  	[hbm4b:s5+s3] =	stream.linear.scatter [tilespmem:s25], [sflag:$0x5], $0x2800, $0x38;
	[tilespmem:$0x1C000] =	vst v63  }
0xa8: {  	_ =	swait.ge [sflag:s11], $0x2800  }
0xa9: {  	[sflag:s11] =	ssyncset.done $0x0  }
0xaa: {  	s18 =	sadd.s32 $0x4, s18;
	s5 =	sadd.s32 $0xF00, s20;
	[sflag:s11] =	ssyncadd.s32 $0xFFFFD800  }
0xab: {  	[hbm4b:s5+s3] =	stream.linear.scatter [tilespmem:s28], [sflag:$0x5], $0x2800, $0x38;
	[tilespmem:$0x1C000] =	vst v63  }
.Ltmp0:
0xac: {  	p1 =	sgt.u32 s24, $0x78;
	_ =	swait.ge [sflag:s11], $0x2800;
	(pc) =	sbr.rel @p0 .LBB2_2-.Ltmp0, $4  }
0xad: {  	s6 =	simm.s32 @!p1 $0xF800;
	s5 =	sshra.s32 @!p1 s22, $0x2;
	[sflag:s11] =	ssyncset.done $0x0  }
0xae: {  	s22 =	simm.s32 @!p1 $0x50;
	s7 =	sadd.s32 @!p1 $0x380, s5;
	[sflag:s11] =	ssyncadd.s32 $0xFFFFD800  }
0xaf: {  	[tilespmem:s6], [sflag:$0x4] =	stream.indirect.gather @!p1 [hbm4b:s1+s22], $0x80, s7, s22, $0xb8;
	[tilespmem:$0x1C000] =	vst v63  }
0xb0: {  	s26 =	simm.s32 @!p1 $0x19800;
	s20 =	sadd.s32 $0x1400, s20;
	s24 =	sadd.s32 @!p1 $0x4380, s5  }
0xb1: {  	[tilespmem:s26], [sflag:$0x4] =	stream.indirect.gather @!p1 [hbm4b:s4+s22], $0x80, s24, s22, $0xb8;
	[tilespmem:$0x1C000] =	vst v63  }
0xb2: {  	_ =	swait.ge [sflag:s29], $0x2800  }
0xb3: {  	[sflag:s29] =	ssyncset.done $0x0  }
0xb4: {  	[sflag:s29] =	ssyncadd.s32 $0xFFFFD800  }
0xb5: {  	_ =	swait.ge [sflag:s29], $0x2800  }
0xb6: {  	[sflag:s29] =	ssyncset.done $0x0  }
0xb7: {  	s5 =	rddreg [dreg:$0x5];
	[sflag:s29] =	ssyncadd.s32 $0xFFFFD800  }
0xb8: {  	[hbm4b:s5+s3] =	stream.linear.scatter [tilespmem:s14], [sflag:$0x5], $0x2800, $0x38;
	[tilespmem:$0x1C000] =	vst v63  }
0xb9: {  	s2 =	sadd.s32 $0x1, s2;
	_ =	swait.ge [sflag:s11], $0x2800  }
0xba: {  	p0 =	sne.s32 s2, s9;
	[sflag:s11] =	ssyncset.done $0x0  }
.Ltmp1:
0xbb: {  	[sflag:s11] =	ssyncadd.s32 $0xFFFFD800;
	(pc) =	sbr.rel @p0 .LBB2_1-.Ltmp1, $4  }
0xbc: {  	[hbm4b:s8+s3] =	stream.linear.scatter [tilespmem:s15], [sflag:$0x5], $0x2800, $0x38;
	[tilespmem:$0x1C000] =	vst v63  }
0xbd: {  	_ =	swait.ge [sflag:s11], $0x2800  }
0xbe: {  	[sflag:s11] =	ssyncset.done $0x0  }
0xbf: {  	[sflag:s11] =	ssyncadd.s32 $0xFFFFD800  }
0xc0: {  	_ =	sfence.sel $0x180000  }
0xc1: {  	[bflag:$0x0] =	sbarrier.arrive $0xFFFF  }
0xc2: {  	_ =	strace $0x90000047  }
0xc3: {  	s0 =	stileid.u32;
	[bflag:$0x2] =	sbarrier.arrive $0xFFFF  }
0xc4: {  	p0 =	sne.s32 s0, $0x0;
	s0 =	rddreg [dreg:$0x2]  }
0xc5: {  	s0 =	sadd.s32 @!p0 $0x100000, s0  }
0xc6: {  	[sflag:s0] =	ssyncadd.tile.s32 @!p0 $0x1;
	_ =	shalt  }
.Lfunc_end2:
_tile_overlayer_lowered:
.L_overlay_start_2:
0xc7: {  	(tag) =	ssettag $0x2  }
0xc8: {  	s0 =	rddreg [dreg:$0x0];
	s2 =	stileid.u32  }
0xc9: {  	s1 =	rddreg [dreg:$0x1];
	p0 =	sne.s32 s2, $0x0  }
0xca: {  	s3 =	rddreg [dreg:$0x2];
	[bflag:$0x3] =	sbarrier.arrive $0xFFFF;
	s2 =	simm.s32 @!p0 $0x1C05  }
0xcb: {  	[timem:s3], [sflag:s2] =	dma.local @!p0 [hbm:s0], s1  }
0xcc: {  	s0 =	simm.s32 @!p0 $0x5  }
0xcd: {  	_ =	swait.ge @!p0 [sflag:s0], s1  }
0xce: {  	s1 =	ssub.s32 @!p0 $0x0, s1;
	[sflag:s0] =	ssyncset.done @!p0 $0x0  }
0xcf: {  	[sflag:s0] =	ssyncadd.s32 @!p0 s1  }
0xd0: {  	[bflag:$0x3] =	sbarrier.arrive $0xFFFF  }
0xd1: {  	_ =	shalt  }

</sc_bundles>
